<compile_context>
chip_gen: v7x
topology: tpu7x:2x2x1
jax: 0.10.2.dev20260603
libtpu: 0.0.44.dev20260713+nightly
codegen_flags: <defaults>
</compile_context>

<pallas_src>
import functools

import jax
import jax.numpy as jnp
from jax import lax
from jax.experimental import pallas as pl
from jax.experimental.pallas import tpu as pltpu
from jax.experimental.pallas import tpu_sc as plsc

INC = 32
OUTC = 64
INN = 8192
OUTN = 64
MAXD = 8
NB = 128
USED = OUTN * MAXD
PADG = MAXD + 1

NSC = 32
NTC = NB - NSC
BLK = 32
HALF = BLK // 2

NWORK = 16
B_PER_W = NSC // NWORK



def _sc_body(x_hbm, nf_hbm, out_hbm, xv0, xv1, wv, pv, h2v0, h2v1,
             sem0, sem1, osem):
    cid = lax.axis_index("c")
    sid = lax.axis_index("s")
    wid = sid
    iota = lax.broadcasted_iota(jnp.int32, (16,), 0)
    pidx = iota + (iota // MAXD)

    xvs = (xv0, xv1)
    h2vs = (h2v0, h2v1)
    sems = (sem0, sem1)

    copies = []
    for t in range(B_PER_W):
        b = NTC + wid * B_PER_W + t
        copies.append(
            pltpu.async_copy(x_hbm.at[b, :, pl.ds(0, USED)], xvs[t], sems[t]))
    pltpu.sync_copy(nf_hbm.at[:, pl.ds(0, USED)], wv)

    out_copies = []
    for t in range(B_PER_W):
        copies[t].wait()
        xv = xvs[t]
        h2v = h2vs[t]

        def do_row(r, _):
            for g in range(USED // 16):
                xc = xv[r, pl.ds(g * 16, 16)]
                wc = wv[r, pl.ds(g * 16, 16)]
                plsc.store_scatter(pv, [pidx + g * (2 * PADG)], xc * wc)
            for q in range(OUTN // 16):
                base = PADG * 16 * q + PADG * iota
                acc = plsc.load_gather(pv, [base])
                for d in range(1, MAXD):
                    acc = jnp.maximum(acc, plsc.load_gather(pv, [base + d]))
                h2v[0, r, pl.ds(q * 16, 16)] = acc
            return 0

        lax.fori_loop(0, INC, do_row, 0)
        out_copies.append(pltpu.async_copy(
            h2v, out_hbm.at[pl.ds(wid * B_PER_W + t, 1)], osem))
    for cp in out_copies:
        cp.wait()


def _sc_stage(x, nf_weight):
    mesh = plsc.VectorSubcoreMesh(core_axis_name="c", subcore_axis_name="s", num_cores=1)
    f = functools.partial(
        pl.kernel,
        mesh=mesh,
        compiler_params=pltpu.CompilerParams(needs_layout_passes=False),
        out_type=jax.ShapeDtypeStruct((NSC, INC, OUTN), jnp.float32),
        scratch_types=[
            pltpu.VMEM((INC, USED), jnp.float32),
            pltpu.VMEM((INC, USED), jnp.float32),
            pltpu.VMEM((INC, USED), jnp.float32),
            pltpu.VMEM((OUTN * PADG,), jnp.float32),
            pltpu.VMEM((1, INC, OUTN), jnp.float32),
            pltpu.VMEM((1, INC, OUTN), jnp.float32),
            pltpu.SemaphoreType.DMA,
            pltpu.SemaphoreType.DMA,
            pltpu.SemaphoreType.DMA,
        ],
    )(_sc_body)
    return f(x, nf_weight)



def _grouped_max(h):
    t = jnp.maximum(h, pltpu.roll(h, shift=USED - 1, axis=2))
    t = jnp.maximum(t, pltpu.roll(t, shift=USED - 2, axis=2))
    t = jnp.maximum(t, pltpu.roll(t, shift=USED - 4, axis=2))
    return t


def _transform(m, ft, bias):
    out = lax.dot_general(
        m, ft,
        dimension_numbers=(((1,), (0,)), ((), ())),
        preferred_element_type=jnp.float32,
    )
    return out.transpose(0, 2, 1) + bias[None, :, :]


def _tc_kernel(xa_ref, xb_ref, nf_ref, ft_ref, bias_ref, out_ref):
    nf = nf_ref[...]
    t = jnp.concatenate(
        [_grouped_max(xa_ref[...] * nf[None, :, :]),
         _grouped_max(xb_ref[...] * nf[None, :, :])],
        axis=0,
    )
    jj = lax.broadcasted_iota(jnp.int32, (USED, OUTN), 0)
    oo = lax.broadcasted_iota(jnp.int32, (USED, OUTN), 1)
    sel = (jj == oo * MAXD).astype(jnp.float32)
    m = lax.dot_general(
        t, sel,
        dimension_numbers=(((2,), (0,)), ((), ())),
        preferred_element_type=jnp.float32,
    )
    out_ref[...] = _transform(m, ft_ref[...], bias_ref[...])


def _tc_stage(x, nf_weight, ft_weight, bias):
    grid = (NTC // BLK,)
    return pl.pallas_call(
        _tc_kernel,
        grid=grid,
        in_specs=[
            pl.BlockSpec((HALF, INC, USED), lambda j: (2 * j, 0, 0)),
            pl.BlockSpec((HALF, INC, USED), lambda j: (2 * j + 1, 0, 0)),
            pl.BlockSpec((INC, USED), lambda j: (0, 0)),
            pl.BlockSpec((INC, OUTC), lambda j: (0, 0)),
            pl.BlockSpec((OUTC, OUTN), lambda j: (0, 0)),
        ],
        out_specs=pl.BlockSpec((BLK, OUTC, OUTN), lambda j: (j, 0, 0)),
        out_shape=jax.ShapeDtypeStruct((NTC, OUTC, OUTN), jnp.float32),
    )(x, x, nf_weight, ft_weight, bias)


def _mm_kernel(m_ref, ft_ref, bias_ref, out_ref):
    out_ref[...] = _transform(m_ref[...], ft_ref[...], bias_ref[...])


def _mm_stage(h2, ft_weight, bias):
    return pl.pallas_call(
        _mm_kernel,
        out_shape=jax.ShapeDtypeStruct((NSC, OUTC, OUTN), jnp.float32),
    )(h2, ft_weight, bias)


def kernel(x, nf_weight, ft_weight, bias):
    h2_sc = _sc_stage(x, nf_weight)
    out_tc = _tc_stage(x, nf_weight, ft_weight, bias)
    out_sc = _mm_stage(h2_sc, ft_weight, bias)
    return jnp.concatenate([out_tc, out_sc], axis=0)

# --- scband reference (transcript-rebuilt; emitter-appended) ---
"""Pipeline reference for scband-fgl-2138893714004 (READ-ONLY COPY).

The authoritative reference and input builder live on the scoring server;
editing this copy changes nothing except your own understanding.
"""

import jax, jax.numpy as jnp
import numpy as np

INC = 32
OUTC = 64
INN = 8192
OUTN = 64
MAXD = 8
N = 128

def setup_inputs(seed: int = 0):
    key = jax.random.key(seed)
    k1, k2, k3, k4 = jax.random.split(key, 4)
    x = jax.random.normal(k1, (N, INC, INN), dtype=jnp.float32)
    nf_weight = jax.random.normal(k2, (INC, INN), dtype=jnp.float32)
    ft_weight = ((-1.0 + 2.0 * jax.random.uniform(k3, (INC, OUTC), dtype=jnp.float32)) * np.sqrt(6.0 / (1.0 + 5 * INC))).astype(jnp.float32)
    bias = 0.2 * jax.random.normal(k4, (OUTC, OUTN), dtype=jnp.float32)
    return {'x': x, 'nf_weight': nf_weight, 'ft_weight': ft_weight, 'bias': bias}

def _fgl_forward(x, nf_weight, ft_weight, bias):
    # adj_list[i] = [8*i, ..., 8*i+7]; padded variant (density 1.0 > 0.3)
    A = jnp.arange(OUTN * MAXD, dtype=jnp.int32).reshape(OUTN, MAXD)
    mask = jnp.ones((OUTN, MAXD), dtype=jnp.float32)
    # op '1': node/feature elementwise weight (c_=inc, n_=inn for op_order='132')
    h = x * nf_weight
    # op '3': padded-adjacency gather + masked max reduction over neighbors
    Nb, c, n = h.shape
    embw = h.reshape(-1, n).T  # (inn, N*c)
    embo = jnp.take(embw, A, axis=0)  # (outn, maxD, N*c) -- memory-bound gather
    masked = mask[:, :, None] * embo
    pooled = jnp.max(masked, axis=1)  # (outn, N*c)
    h = pooled.T.reshape(Nb, c, OUTN)
    # op '2': feature transform einsum('...ij,ik->...kj')
    h = jnp.einsum('nij,ik->nkj', h, ft_weight)
    # bias_type 'nc': bias of shape (outc, outn)
    return h + bias

def reference(x, nf_weight, ft_weight, bias):
    return _fgl_forward(x, nf_weight, ft_weight, bias)

if __name__ == "__main__":
    import jax
    _d = setup_inputs()
    print(jax.jit(kernel)(*tuple(_d.values())))

</pallas_src>

<mosaic_0001>
#map = affine_map<(d0, d1) -> (0, 0, 0)>
#map1 = affine_map<(d0, d1) -> (0, 0)>
module attributes {stable_mosaic.version = 14 : i64} {
  func.func @_sc_body(%arg0: i32, %arg1: i32, %arg2: memref<128x32x8192xf32, #tpu.memory_space<hbm>>, %arg3: memref<32x8192xf32, #tpu.memory_space<hbm>>, %arg4: memref<32x32x64xf32, #tpu.memory_space<hbm>>, %arg5: memref<32x512xf32, #tpu.memory_space<vmem>>, %arg6: memref<32x512xf32, #tpu.memory_space<vmem>>, %arg7: memref<32x512xf32, #tpu.memory_space<vmem>>, %arg8: memref<576xf32, #tpu.memory_space<vmem>>, %arg9: memref<1x32x64xf32, #tpu.memory_space<vmem>>, %arg10: memref<1x32x64xf32, #tpu.memory_space<vmem>>, %arg11: memref<!tpu.dma_semaphore, #tpu.memory_space<semaphore_mem>>, %arg12: memref<!tpu.dma_semaphore, #tpu.memory_space<semaphore_mem>>, %arg13: memref<!tpu.dma_semaphore, #tpu.memory_space<semaphore_mem>>) attributes {dimension_semantics = [#tpu.dimension_semantics<core_parallel>, #tpu.dimension_semantics<subcore_parallel>], iteration_bounds = array<i64: 1, 16>, scalar_prefetch = 0 : i64, scratch_operands = 9 : i64, tpu.core_type = #tpu.core_type<sc_vector_subcore>, window_params = [{transform_indices = #map}, {transform_indices = #map1}, {transform_indices = #map}]} {
    %iota3A = tpu.iota {dimensions = array<i32: 0>} : vector<16xi32>
    %jit3A = arith.constant 8 : i32
    %div3A = vector.broadcast %jit3A : i32 to vector<16xi32>
    %div3A_0 = arith.divsi %iota3A, %div3A : vector<16xi32>
    %sign3A = arith.constant 0 : i32
    %sign3A_1 = vector.broadcast %sign3A : i32 to vector<16xi32>
    %sign3A_2 = arith.cmpi sgt, %iota3A, %sign3A_1 : vector<16xi32>
    %sign3A_3 = arith.extui %sign3A_2 : vector<16xi1> to vector<16xi32>
    %sign3A_4 = arith.constant 0 : i32
    %sign3A_5 = vector.broadcast %sign3A_4 : i32 to vector<16xi32>
    %sign3A_6 = arith.cmpi slt, %iota3A, %sign3A_5 : vector<16xi32>
    %sign3A_7 = arith.extui %sign3A_6 : vector<16xi1> to vector<16xi32>
    %sign3A_8 = arith.subi %sign3A_3, %sign3A_7 : vector<16xi32>
    %sign3A_9 = arith.constant 0 : i32
    %sign3A_10 = arith.cmpi sgt, %jit3A, %sign3A_9 : i32
    %sign3A_11 = arith.extui %sign3A_10 : i1 to i32
    %sign3A_12 = arith.constant 0 : i32
    %sign3A_13 = arith.cmpi slt, %jit3A, %sign3A_12 : i32
    %sign3A_14 = arith.extui %sign3A_13 : i1 to i32
    %sign3A_15 = arith.subi %sign3A_11, %sign3A_14 : i32
    %ne3A = vector.broadcast %sign3A_15 : i32 to vector<16xi32>
    %ne3A_16 = arith.cmpi ne, %sign3A_8, %ne3A : vector<16xi32>
    %rem3A = vector.broadcast %jit3A : i32 to vector<16xi32>
    %rem3A_17 = arith.remsi %iota3A, %rem3A : vector<16xi32>
    %ne3A_18 = arith.constant 0 : i32
    %ne3A_19 = vector.broadcast %ne3A_18 : i32 to vector<16xi32>
    %ne3A_20 = arith.cmpi ne, %rem3A_17, %ne3A_19 : vector<16xi32>
    %and3A = arith.andi %ne3A_16, %ne3A_20 : vector<16xi1>
    %sub3A = arith.constant 1 : i32
    %sub3A_21 = vector.broadcast %sub3A : i32 to vector<16xi32>
    %sub3A_22 = arith.subi %div3A_0, %sub3A_21 : vector<16xi32>
    %select_n3A = arith.select %and3A, %sub3A_22, %div3A_0 : vector<16xi1>, vector<16xi32>
    %add3A = arith.addi %iota3A, %select_n3A : vector<16xi32>
    %mul3A = arith.constant 2 : i32
    %mul3A_23 = arith.muli %arg1, %mul3A : i32
    %add3A_24 = arith.constant 96 : i32
    %add3A_25 = arith.addi %add3A_24, %mul3A_23 : i32
    %add3A_26 = arith.constant 0 : i32
    %add3A_27 = arith.addi %add3A_25, %add3A_26 : i32
    %dma_start3A = arith.constant 0 : i32
    %dma_start3A_28 = arith.constant 0 : i32
    %dma_start3A_29 = tpu.memref_slice %arg2[%add3A_27, %dma_start3A, %dma_start3A_28] : memref<128x32x8192xf32, #tpu.memory_space<hbm>> -> memref<1x32x512xf32, #tpu.memory_space<hbm>>
    %dma_start3A_30 = tpu.memref_squeeze %dma_start3A_29 : memref<1x32x512xf32, #tpu.memory_space<hbm>> -> memref<32x512xf32, #tpu.memory_space<hbm>>
    %dma_start3A_31 = arith.constant 0 : i32
    %dma_start3A_32 = arith.constant 0 : i32
    %dma_start3A_33 = tpu.memref_slice %arg2[%add3A_27, %dma_start3A_31, %dma_start3A_32] : memref<128x32x8192xf32, #tpu.memory_space<hbm>> -> memref<1x32x512xf32, #tpu.memory_space<hbm>>
    %dma_start3A_34 = tpu.memref_squeeze %dma_start3A_33 : memref<1x32x512xf32, #tpu.memory_space<hbm>> -> memref<32x512xf32, #tpu.memory_space<hbm>>
    tpu.enqueue_dma source(%dma_start3A_34 : memref<32x512xf32, #tpu.memory_space<hbm>>) target(%arg5 : memref<32x512xf32, #tpu.memory_space<vmem>>) target_semaphore(%arg11 : memref<!tpu.dma_semaphore, #tpu.memory_space<semaphore_mem>>)
    %mul3A_35 = arith.constant 2 : i32
    %mul3A_36 = arith.muli %arg1, %mul3A_35 : i32
    %add3A_37 = arith.constant 96 : i32
    %add3A_38 = arith.addi %add3A_37, %mul3A_36 : i32
    %add3A_39 = arith.constant 1 : i32
    %add3A_40 = arith.addi %add3A_38, %add3A_39 : i32
    %dma_start3A_41 = arith.constant 0 : i32
    %dma_start3A_42 = arith.constant 0 : i32
    %dma_start3A_43 = tpu.memref_slice %arg2[%add3A_40, %dma_start3A_41, %dma_start3A_42] : memref<128x32x8192xf32, #tpu.memory_space<hbm>> -> memref<1x32x512xf32, #tpu.memory_space<hbm>>
    %dma_start3A_44 = tpu.memref_squeeze %dma_start3A_43 : memref<1x32x512xf32, #tpu.memory_space<hbm>> -> memref<32x512xf32, #tpu.memory_space<hbm>>
    %dma_start3A_45 = arith.constant 0 : i32
    %dma_start3A_46 = arith.constant 0 : i32
    %dma_start3A_47 = tpu.memref_slice %arg2[%add3A_40, %dma_start3A_45, %dma_start3A_46] : memref<128x32x8192xf32, #tpu.memory_space<hbm>> -> memref<1x32x512xf32, #tpu.memory_space<hbm>>
    %dma_start3A_48 = tpu.memref_squeeze %dma_start3A_47 : memref<1x32x512xf32, #tpu.memory_space<hbm>> -> memref<32x512xf32, #tpu.memory_space<hbm>>
    tpu.enqueue_dma source(%dma_start3A_48 : memref<32x512xf32, #tpu.memory_space<hbm>>) target(%arg6 : memref<32x512xf32, #tpu.memory_space<vmem>>) target_semaphore(%arg12 : memref<!tpu.dma_semaphore, #tpu.memory_space<semaphore_mem>>)
    "tpu.region"() ({
      %run_scoped3A = tpu.sem_alloc : memref<!tpu.dma_semaphore, #tpu.memory_space<semaphore_mem>>
      %dma_start3A_109 = arith.constant 0 : i32
      %dma_start3A_110 = arith.constant 0 : i32
      %dma_start3A_111 = tpu.memref_slice %arg3[%dma_start3A_109, %dma_start3A_110] : memref<32x8192xf32, #tpu.memory_space<hbm>> -> memref<32x512xf32, #tpu.memory_space<hbm>>
      %dma_start3A_112 = arith.constant 0 : i32
      %dma_start3A_113 = arith.constant 0 : i32
      %dma_start3A_114 = tpu.memref_slice %arg3[%dma_start3A_112, %dma_start3A_113] : memref<32x8192xf32, #tpu.memory_space<hbm>> -> memref<32x512xf32, #tpu.memory_space<hbm>>
      tpu.enqueue_dma source(%dma_start3A_114 : memref<32x512xf32, #tpu.memory_space<hbm>>) target(%arg7 : memref<32x512xf32, #tpu.memory_space<vmem>>) target_semaphore(%run_scoped3A : memref<!tpu.dma_semaphore, #tpu.memory_space<semaphore_mem>>)
      %dma_wait3A_115 = arith.constant 0 : i32
      %dma_wait3A_116 = arith.constant 0 : i32
      %dma_wait3A_117 = tpu.memref_slice %arg3[%dma_wait3A_115, %dma_wait3A_116] : memref<32x8192xf32, #tpu.memory_space<hbm>> -> memref<32x512xf32, #tpu.memory_space<hbm>>
      %dma_wait3A_118 = arith.constant 0 : i32
      %dma_wait3A_119 = arith.constant 0 : i32
      %dma_wait3A_120 = tpu.memref_slice %arg3[%dma_wait3A_118, %dma_wait3A_119] : memref<32x8192xf32, #tpu.memory_space<hbm>> -> memref<32x512xf32, #tpu.memory_space<hbm>>
      tpu.wait_dma2 semaphore(%run_scoped3A : memref<!tpu.dma_semaphore, #tpu.memory_space<semaphore_mem>>) src(%dma_wait3A_120 : memref<32x512xf32, #tpu.memory_space<hbm>>) dst(%arg7 : memref<32x512xf32, #tpu.memory_space<vmem>>)
      tpu.yield
    }) : () -> ()
    %dma_wait3A = arith.constant 0 : i32
    %dma_wait3A_49 = arith.constant 0 : i32
    %dma_wait3A_50 = tpu.memref_slice %arg2[%add3A_27, %dma_wait3A, %dma_wait3A_49] : memref<128x32x8192xf32, #tpu.memory_space<hbm>> -> memref<1x32x512xf32, #tpu.memory_space<hbm>>
    %dma_wait3A_51 = tpu.memref_squeeze %dma_wait3A_50 : memref<1x32x512xf32, #tpu.memory_space<hbm>> -> memref<32x512xf32, #tpu.memory_space<hbm>>
    %dma_wait3A_52 = arith.constant 0 : i32
    %dma_wait3A_53 = arith.constant 0 : i32
    %dma_wait3A_54 = tpu.memref_slice %arg2[%add3A_27, %dma_wait3A_52, %dma_wait3A_53] : memref<128x32x8192xf32, #tpu.memory_space<hbm>> -> memref<1x32x512xf32, #tpu.memory_space<hbm>>
    %dma_wait3A_55 = tpu.memref_squeeze %dma_wait3A_54 : memref<1x32x512xf32, #tpu.memory_space<hbm>> -> memref<32x512xf32, #tpu.memory_space<hbm>>
    tpu.wait_dma2 semaphore(%arg11 : memref<!tpu.dma_semaphore, #tpu.memory_space<semaphore_mem>>) src(%dma_wait3A_55 : memref<32x512xf32, #tpu.memory_space<hbm>>) dst(%arg5 : memref<32x512xf32, #tpu.memory_space<vmem>>)
    %scan3A = arith.constant 0 : i32
    %scan3A_56 = arith.constant 0 : i32
    %scan3A_57 = arith.constant 32 : i32
    %scan3A_58 = arith.addi %scan3A_56, %scan3A_57 : i32
    %scan3A_59 = arith.constant 1 : i32
    %scan3A_60 = scf.for %scan3A_109 = %scan3A_56 to %scan3A_58 step %scan3A_59 iter_args(%scan3A_110 = %scan3A) -> (i32)  : i32 {
      %get3A = arith.index_cast %scan3A_109 : i32 to index
      %get3A_111 = arith.constant 0 : index
      %get3A_112 = tpu.vector_load %arg5[%get3A, %get3A_111] {strides = array<i32>} : memref<32x512xf32, #tpu.memory_space<vmem>>, vector<16xf32>,
      %get3A_113 = arith.index_cast %scan3A_109 : i32 to index
      %get3A_114 = arith.constant 0 : index
      %get3A_115 = tpu.vector_load %arg7[%get3A_113, %get3A_114] {strides = array<i32>} : memref<32x512xf32, #tpu.memory_space<vmem>>, vector<16xf32>,
      %add3A_116 = arith.constant 0 : i32
      %add3A_117 = vector.broadcast %add3A_116 : i32 to vector<16xi32>
      %add3A_118 = arith.addi %add3A, %add3A_117 : vector<16xi32>
      %mul3A_119 = arith.mulf %get3A_112, %get3A_115 : vector<16xf32>
      tpu.vector_store_idx %arg8[%add3A_118], %mul3A_119 : memref<576xf32, #tpu.memory_space<vmem>>[vector<16xi32>], vector<16xf32>,
      %get3A_120 = arith.index_cast %scan3A_109 : i32 to index
      %get3A_121 = arith.constant 16 : index
      %get3A_122 = tpu.vector_load %arg5[%get3A_120, %get3A_121] {strides = array<i32>} : memref<32x512xf32, #tpu.memory_space<vmem>>, vector<16xf32>,
      %get3A_123 = arith.index_cast %scan3A_109 : i32 to index
      %get3A_124 = arith.constant 16 : index
      %get3A_125 = tpu.vector_load %arg7[%get3A_123, %get3A_124] {strides = array<i32>} : memref<32x512xf32, #tpu.memory_space<vmem>>, vector<16xf32>,
      %add3A_126 = arith.constant 18 : i32
      %add3A_127 = vector.broadcast %add3A_126 : i32 to vector<16xi32>
      %add3A_128 = arith.addi %add3A, %add3A_127 : vector<16xi32>
      %mul3A_129 = arith.mulf %get3A_122, %get3A_125 : vector<16xf32>
      tpu.vector_store_idx %arg8[%add3A_128], %mul3A_129 : memref<576xf32, #tpu.memory_space<vmem>>[vector<16xi32>], vector<16xf32>,
      %get3A_130 = arith.index_cast %scan3A_109 : i32 to index
      %get3A_131 = arith.constant 32 : index
      %get3A_132 = tpu.vector_load %arg5[%get3A_130, %get3A_131] {strides = array<i32>} : memref<32x512xf32, #tpu.memory_space<vmem>>, vector<16xf32>,
      %get3A_133 = arith.index_cast %scan3A_109 : i32 to index
      %get3A_134 = arith.constant 32 : index
      %get3A_135 = tpu.vector_load %arg7[%get3A_133, %get3A_134] {strides = array<i32>} : memref<32x512xf32, #tpu.memory_space<vmem>>, vector<16xf32>,
      %add3A_136 = arith.constant 36 : i32
      %add3A_137 = vector.broadcast %add3A_136 : i32 to vector<16xi32>
      %add3A_138 = arith.addi %add3A, %add3A_137 : vector<16xi32>
      %mul3A_139 = arith.mulf %get3A_132, %get3A_135 : vector<16xf32>
      tpu.vector_store_idx %arg8[%add3A_138], %mul3A_139 : memref<576xf32, #tpu.memory_space<vmem>>[vector<16xi32>], vector<16xf32>,
      %get3A_140 = arith.index_cast %scan3A_109 : i32 to index
      %get3A_141 = arith.constant 48 : index
      %get3A_142 = tpu.vector_load %arg5[%get3A_140, %get3A_141] {strides = array<i32>} : memref<32x512xf32, #tpu.memory_space<vmem>>, vector<16xf32>,
      %get3A_143 = arith.index_cast %scan3A_109 : i32 to index
      %get3A_144 = arith.constant 48 : index
      %get3A_145 = tpu.vector_load %arg7[%get3A_143, %get3A_144] {strides = array<i32>} : memref<32x512xf32, #tpu.memory_space<vmem>>, vector<16xf32>,
      %add3A_146 = arith.constant 54 : i32
      %add3A_147 = vector.broadcast %add3A_146 : i32 to vector<16xi32>
      %add3A_148 = arith.addi %add3A, %add3A_147 : vector<16xi32>
      %mul3A_149 = arith.mulf %get3A_142, %get3A_145 : vector<16xf32>
      tpu.vector_store_idx %arg8[%add3A_148], %mul3A_149 : memref<576xf32, #tpu.memory_space<vmem>>[vector<16xi32>], vector<16xf32>,
      %get3A_150 = arith.index_cast %scan3A_109 : i32 to index
      %get3A_151 = arith.constant 64 : index
      %get3A_152 = tpu.vector_load %arg5[%get3A_150, %get3A_151] {strides = array<i32>} : memref<32x512xf32, #tpu.memory_space<vmem>>, vector<16xf32>,
      %get3A_153 = arith.index_cast %scan3A_109 : i32 to index
      %get3A_154 = arith.constant 64 : index
      %get3A_155 = tpu.vector_load %arg7[%get3A_153, %get3A_154] {strides = array<i32>} : memref<32x512xf32, #tpu.memory_space<vmem>>, vector<16xf32>,
      %add3A_156 = arith.constant 72 : i32
      %add3A_157 = vector.broadcast %add3A_156 : i32 to vector<16xi32>
      %add3A_158 = arith.addi %add3A, %add3A_157 : vector<16xi32>
      %mul3A_159 = arith.mulf %get3A_152, %get3A_155 : vector<16xf32>
      tpu.vector_store_idx %arg8[%add3A_158], %mul3A_159 : memref<576xf32, #tpu.memory_space<vmem>>[vector<16xi32>], vector<16xf32>,
      %get3A_160 = arith.index_cast %scan3A_109 : i32 to index
      %get3A_161 = arith.constant 80 : index
      %get3A_162 = tpu.vector_load %arg5[%get3A_160, %get3A_161] {strides = array<i32>} : memref<32x512xf32, #tpu.memory_space<vmem>>, vector<16xf32>,
      %get3A_163 = arith.index_cast %scan3A_109 : i32 to index
      %get3A_164 = arith.constant 80 : index
      %get3A_165 = tpu.vector_load %arg7[%get3A_163, %get3A_164] {strides = array<i32>} : memref<32x512xf32, #tpu.memory_space<vmem>>, vector<16xf32>,
      %add3A_166 = arith.constant 90 : i32
      %add3A_167 = vector.broadcast %add3A_166 : i32 to vector<16xi32>
      %add3A_168 = arith.addi %add3A, %add3A_167 : vector<16xi32>
      %mul3A_169 = arith.mulf %get3A_162, %get3A_165 : vector<16xf32>
      tpu.vector_store_idx %arg8[%add3A_168], %mul3A_169 : memref<576xf32, #tpu.memory_space<vmem>>[vector<16xi32>], vector<16xf32>,
      %get3A_170 = arith.index_cast %scan3A_109 : i32 to index
      %get3A_171 = arith.constant 96 : index
      %get3A_172 = tpu.vector_load %arg5[%get3A_170, %get3A_171] {strides = array<i32>} : memref<32x512xf32, #tpu.memory_space<vmem>>, vector<16xf32>,
      %get3A_173 = arith.index_cast %scan3A_109 : i32 to index
      %get3A_174 = arith.constant 96 : index
      %get3A_175 = tpu.vector_load %arg7[%get3A_173, %get3A_174] {strides = array<i32>} : memref<32x512xf32, #tpu.memory_space<vmem>>, vector<16xf32>,
      %add3A_176 = arith.constant 108 : i32
      %add3A_177 = vector.broadcast %add3A_176 : i32 to vector<16xi32>
      %add3A_178 = arith.addi %add3A, %add3A_177 : vector<16xi32>
      %mul3A_179 = arith.mulf %get3A_172, %get3A_175 : vector<16xf32>
      tpu.vector_store_idx %arg8[%add3A_178], %mul3A_179 : memref<576xf32, #tpu.memory_space<vmem>>[vector<16xi32>], vector<16xf32>,
      %get3A_180 = arith.index_cast %scan3A_109 : i32 to index
      %get3A_181 = arith.constant 112 : index
      %get3A_182 = tpu.vector_load %arg5[%get3A_180, %get3A_181] {strides = array<i32>} : memref<32x512xf32, #tpu.memory_space<vmem>>, vector<16xf32>,
      %get3A_183 = arith.index_cast %scan3A_109 : i32 to index
      %get3A_184 = arith.constant 112 : index
      %get3A_185 = tpu.vector_load %arg7[%get3A_183, %get3A_184] {strides = array<i32>} : memref<32x512xf32, #tpu.memory_space<vmem>>, vector<16xf32>,
      %add3A_186 = arith.constant 126 : i32
      %add3A_187 = vector.broadcast %add3A_186 : i32 to vector<16xi32>
      %add3A_188 = arith.addi %add3A, %add3A_187 : vector<16xi32>
      %mul3A_189 = arith.mulf %get3A_182, %get3A_185 : vector<16xf32>
      tpu.vector_store_idx %arg8[%add3A_188], %mul3A_189 : memref<576xf32, #tpu.memory_space<vmem>>[vector<16xi32>], vector<16xf32>,
      %get3A_190 = arith.index_cast %scan3A_109 : i32 to index
      %get3A_191 = arith.constant 128 : index
      %get3A_192 = tpu.vector_load %arg5[%get3A_190, %get3A_191] {strides = array<i32>} : memref<32x512xf32, #tpu.memory_space<vmem>>, vector<16xf32>,
      %get3A_193 = arith.index_cast %scan3A_109 : i32 to index
      %get3A_194 = arith.constant 128 : index
      %get3A_195 = tpu.vector_load %arg7[%get3A_193, %get3A_194] {strides = array<i32>} : memref<32x512xf32, #tpu.memory_space<vmem>>, vector<16xf32>,
      %add3A_196 = arith.constant 144 : i32
      %add3A_197 = vector.broadcast %add3A_196 : i32 to vector<16xi32>
      %add3A_198 = arith.addi %add3A, %add3A_197 : vector<16xi32>
      %mul3A_199 = arith.mulf %get3A_192, %get3A_195 : vector<16xf32>
      tpu.vector_store_idx %arg8[%add3A_198], %mul3A_199 : memref<576xf32, #tpu.memory_space<vmem>>[vector<16xi32>], vector<16xf32>,
      %get3A_200 = arith.index_cast %scan3A_109 : i32 to index
      %get3A_201 = arith.constant 144 : index
      %get3A_202 = tpu.vector_load %arg5[%get3A_200, %get3A_201] {strides = array<i32>} : memref<32x512xf32, #tpu.memory_space<vmem>>, vector<16xf32>,
      %get3A_203 = arith.index_cast %scan3A_109 : i32 to index
      %get3A_204 = arith.constant 144 : index
      %get3A_205 = tpu.vector_load %arg7[%get3A_203, %get3A_204] {strides = array<i32>} : memref<32x512xf32, #tpu.memory_space<vmem>>, vector<16xf32>,
      %add3A_206 = arith.constant 162 : i32
      %add3A_207 = vector.broadcast %add3A_206 : i32 to vector<16xi32>
      %add3A_208 = arith.addi %add3A, %add3A_207 : vector<16xi32>
      %mul3A_209 = arith.mulf %get3A_202, %get3A_205 : vector<16xf32>
      tpu.vector_store_idx %arg8[%add3A_208], %mul3A_209 : memref<576xf32, #tpu.memory_space<vmem>>[vector<16xi32>], vector<16xf32>,
      %get3A_210 = arith.index_cast %scan3A_109 : i32 to index
      %get3A_211 = arith.constant 160 : index
      %get3A_212 = tpu.vector_load %arg5[%get3A_210, %get3A_211] {strides = array<i32>} : memref<32x512xf32, #tpu.memory_space<vmem>>, vector<16xf32>,
      %get3A_213 = arith.index_cast %scan3A_109 : i32 to index
      %get3A_214 = arith.constant 160 : index
      %get3A_215 = tpu.vector_load %arg7[%get3A_213, %get3A_214] {strides = array<i32>} : memref<32x512xf32, #tpu.memory_space<vmem>>, vector<16xf32>,
      %add3A_216 = arith.constant 180 : i32
      %add3A_217 = vector.broadcast %add3A_216 : i32 to vector<16xi32>
      %add3A_218 = arith.addi %add3A, %add3A_217 : vector<16xi32>
      %mul3A_219 = arith.mulf %get3A_212, %get3A_215 : vector<16xf32>
      tpu.vector_store_idx %arg8[%add3A_218], %mul3A_219 : memref<576xf32, #tpu.memory_space<vmem>>[vector<16xi32>], vector<16xf32>,
      %get3A_220 = arith.index_cast %scan3A_109 : i32 to index
      %get3A_221 = arith.constant 176 : index
      %get3A_222 = tpu.vector_load %arg5[%get3A_220, %get3A_221] {strides = array<i32>} : memref<32x512xf32, #tpu.memory_space<vmem>>, vector<16xf32>,
      %get3A_223 = arith.index_cast %scan3A_109 : i32 to index
      %get3A_224 = arith.constant 176 : index
      %get3A_225 = tpu.vector_load %arg7[%get3A_223, %get3A_224] {strides = array<i32>} : memref<32x512xf32, #tpu.memory_space<vmem>>, vector<16xf32>,
      %add3A_226 = arith.constant 198 : i32
      %add3A_227 = vector.broadcast %add3A_226 : i32 to vector<16xi32>
      %add3A_228 = arith.addi %add3A, %add3A_227 : vector<16xi32>
      %mul3A_229 = arith.mulf %get3A_222, %get3A_225 : vector<16xf32>
      tpu.vector_store_idx %arg8[%add3A_228], %mul3A_229 : memref<576xf32, #tpu.memory_space<vmem>>[vector<16xi32>], vector<16xf32>,
      %get3A_230 = arith.index_cast %scan3A_109 : i32 to index
      %get3A_231 = arith.constant 192 : index
      %get3A_232 = tpu.vector_load %arg5[%get3A_230, %get3A_231] {strides = array<i32>} : memref<32x512xf32, #tpu.memory_space<vmem>>, vector<16xf32>,
      %get3A_233 = arith.index_cast %scan3A_109 : i32 to index
      %get3A_234 = arith.constant 192 : index
      %get3A_235 = tpu.vector_load %arg7[%get3A_233, %get3A_234] {strides = array<i32>} : memref<32x512xf32, #tpu.memory_space<vmem>>, vector<16xf32>,
      %add3A_236 = arith.constant 216 : i32
      %add3A_237 = vector.broadcast %add3A_236 : i32 to vector<16xi32>
      %add3A_238 = arith.addi %add3A, %add3A_237 : vector<16xi32>
      %mul3A_239 = arith.mulf %get3A_232, %get3A_235 : vector<16xf32>
      tpu.vector_store_idx %arg8[%add3A_238], %mul3A_239 : memref<576xf32, #tpu.memory_space<vmem>>[vector<16xi32>], vector<16xf32>,
      %get3A_240 = arith.index_cast %scan3A_109 : i32 to index
      %get3A_241 = arith.constant 208 : index
      %get3A_242 = tpu.vector_load %arg5[%get3A_240, %get3A_241] {strides = array<i32>} : memref<32x512xf32, #tpu.memory_space<vmem>>, vector<16xf32>,
      %get3A_243 = arith.index_cast %scan3A_109 : i32 to index
      %get3A_244 = arith.constant 208 : index
      %get3A_245 = tpu.vector_load %arg7[%get3A_243, %get3A_244] {strides = array<i32>} : memref<32x512xf32, #tpu.memory_space<vmem>>, vector<16xf32>,
      %add3A_246 = arith.constant 234 : i32
      %add3A_247 = vector.broadcast %add3A_246 : i32 to vector<16xi32>
      %add3A_248 = arith.addi %add3A, %add3A_247 : vector<16xi32>
      %mul3A_249 = arith.mulf %get3A_242, %get3A_245 : vector<16xf32>
      tpu.vector_store_idx %arg8[%add3A_248], %mul3A_249 : memref<576xf32, #tpu.memory_space<vmem>>[vector<16xi32>], vector<16xf32>,
      %get3A_250 = arith.index_cast %scan3A_109 : i32 to index
      %get3A_251 = arith.constant 224 : index
      %get3A_252 = tpu.vector_load %arg5[%get3A_250, %get3A_251] {strides = array<i32>} : memref<32x512xf32, #tpu.memory_space<vmem>>, vector<16xf32>,
      %get3A_253 = arith.index_cast %scan3A_109 : i32 to index
      %get3A_254 = arith.constant 224 : index
      %get3A_255 = tpu.vector_load %arg7[%get3A_253, %get3A_254] {strides = array<i32>} : memref<32x512xf32, #tpu.memory_space<vmem>>, vector<16xf32>,
      %add3A_256 = arith.constant 252 : i32
      %add3A_257 = vector.broadcast %add3A_256 : i32 to vector<16xi32>
      %add3A_258 = arith.addi %add3A, %add3A_257 : vector<16xi32>
      %mul3A_259 = arith.mulf %get3A_252, %get3A_255 : vector<16xf32>
      tpu.vector_store_idx %arg8[%add3A_258], %mul3A_259 : memref<576xf32, #tpu.memory_space<vmem>>[vector<16xi32>], vector<16xf32>,
      %get3A_260 = arith.index_cast %scan3A_109 : i32 to index
      %get3A_261 = arith.constant 240 : index
      %get3A_262 = tpu.vector_load %arg5[%get3A_260, %get3A_261] {strides = array<i32>} : memref<32x512xf32, #tpu.memory_space<vmem>>, vector<16xf32>,
      %get3A_263 = arith.index_cast %scan3A_109 : i32 to index
      %get3A_264 = arith.constant 240 : index
      %get3A_265 = tpu.vector_load %arg7[%get3A_263, %get3A_264] {strides = array<i32>} : memref<32x512xf32, #tpu.memory_space<vmem>>, vector<16xf32>,
      %add3A_266 = arith.constant 270 : i32
      %add3A_267 = vector.broadcast %add3A_266 : i32 to vector<16xi32>
      %add3A_268 = arith.addi %add3A, %add3A_267 : vector<16xi32>
      %mul3A_269 = arith.mulf %get3A_262, %get3A_265 : vector<16xf32>
      tpu.vector_store_idx %arg8[%add3A_268], %mul3A_269 : memref<576xf32, #tpu.memory_space<vmem>>[vector<16xi32>], vector<16xf32>,
      %get3A_270 = arith.index_cast %scan3A_109 : i32 to index
      %get3A_271 = arith.constant 256 : index
      %get3A_272 = tpu.vector_load %arg5[%get3A_270, %get3A_271] {strides = array<i32>} : memref<32x512xf32, #tpu.memory_space<vmem>>, vector<16xf32>,
      %get3A_273 = arith.index_cast %scan3A_109 : i32 to index
      %get3A_274 = arith.constant 256 : index
      %get3A_275 = tpu.vector_load %arg7[%get3A_273, %get3A_274] {strides = array<i32>} : memref<32x512xf32, #tpu.memory_space<vmem>>, vector<16xf32>,
      %add3A_276 = arith.constant 288 : i32
      %add3A_277 = vector.broadcast %add3A_276 : i32 to vector<16xi32>
      %add3A_278 = arith.addi %add3A, %add3A_277 : vector<16xi32>
      %mul3A_279 = arith.mulf %get3A_272, %get3A_275 : vector<16xf32>
      tpu.vector_store_idx %arg8[%add3A_278], %mul3A_279 : memref<576xf32, #tpu.memory_space<vmem>>[vector<16xi32>], vector<16xf32>,
      %get3A_280 = arith.index_cast %scan3A_109 : i32 to index
      %get3A_281 = arith.constant 272 : index
      %get3A_282 = tpu.vector_load %arg5[%get3A_280, %get3A_281] {strides = array<i32>} : memref<32x512xf32, #tpu.memory_space<vmem>>, vector<16xf32>,
      %get3A_283 = arith.index_cast %scan3A_109 : i32 to index
      %get3A_284 = arith.constant 272 : index
      %get3A_285 = tpu.vector_load %arg7[%get3A_283, %get3A_284] {strides = array<i32>} : memref<32x512xf32, #tpu.memory_space<vmem>>, vector<16xf32>,
      %add3A_286 = arith.constant 306 : i32
      %add3A_287 = vector.broadcast %add3A_286 : i32 to vector<16xi32>
      %add3A_288 = arith.addi %add3A, %add3A_287 : vector<16xi32>
      %mul3A_289 = arith.mulf %get3A_282, %get3A_285 : vector<16xf32>
      tpu.vector_store_idx %arg8[%add3A_288], %mul3A_289 : memref<576xf32, #tpu.memory_space<vmem>>[vector<16xi32>], vector<16xf32>,
      %get3A_290 = arith.index_cast %scan3A_109 : i32 to index
      %get3A_291 = arith.constant 288 : index
      %get3A_292 = tpu.vector_load %arg5[%get3A_290, %get3A_291] {strides = array<i32>} : memref<32x512xf32, #tpu.memory_space<vmem>>, vector<16xf32>,
      %get3A_293 = arith.index_cast %scan3A_109 : i32 to index
      %get3A_294 = arith.constant 288 : index
      %get3A_295 = tpu.vector_load %arg7[%get3A_293, %get3A_294] {strides = array<i32>} : memref<32x512xf32, #tpu.memory_space<vmem>>, vector<16xf32>,
      %add3A_296 = arith.constant 324 : i32
      %add3A_297 = vector.broadcast %add3A_296 : i32 to vector<16xi32>
      %add3A_298 = arith.addi %add3A, %add3A_297 : vector<16xi32>
      %mul3A_299 = arith.mulf %get3A_292, %get3A_295 : vector<16xf32>
      tpu.vector_store_idx %arg8[%add3A_298], %mul3A_299 : memref<576xf32, #tpu.memory_space<vmem>>[vector<16xi32>], vector<16xf32>,
      %get3A_300 = arith.index_cast %scan3A_109 : i32 to index
      %get3A_301 = arith.constant 304 : index
      %get3A_302 = tpu.vector_load %arg5[%get3A_300, %get3A_301] {strides = array<i32>} : memref<32x512xf32, #tpu.memory_space<vmem>>, vector<16xf32>,
      %get3A_303 = arith.index_cast %scan3A_109 : i32 to index
      %get3A_304 = arith.constant 304 : index
      %get3A_305 = tpu.vector_load %arg7[%get3A_303, %get3A_304] {strides = array<i32>} : memref<32x512xf32, #tpu.memory_space<vmem>>, vector<16xf32>,
      %add3A_306 = arith.constant 342 : i32
      %add3A_307 = vector.broadcast %add3A_306 : i32 to vector<16xi32>
      %add3A_308 = arith.addi %add3A, %add3A_307 : vector<16xi32>
      %mul3A_309 = arith.mulf %get3A_302, %get3A_305 : vector<16xf32>
      tpu.vector_store_idx %arg8[%add3A_308], %mul3A_309 : memref<576xf32, #tpu.memory_space<vmem>>[vector<16xi32>], vector<16xf32>,
      %get3A_310 = arith.index_cast %scan3A_109 : i32 to index
      %get3A_311 = arith.constant 320 : index
      %get3A_312 = tpu.vector_load %arg5[%get3A_310, %get3A_311] {strides = array<i32>} : memref<32x512xf32, #tpu.memory_space<vmem>>, vector<16xf32>,
      %get3A_313 = arith.index_cast %scan3A_109 : i32 to index
      %get3A_314 = arith.constant 320 : index
      %get3A_315 = tpu.vector_load %arg7[%get3A_313, %get3A_314] {strides = array<i32>} : memref<32x512xf32, #tpu.memory_space<vmem>>, vector<16xf32>,
      %add3A_316 = arith.constant 360 : i32
      %add3A_317 = vector.broadcast %add3A_316 : i32 to vector<16xi32>
      %add3A_318 = arith.addi %add3A, %add3A_317 : vector<16xi32>
      %mul3A_319 = arith.mulf %get3A_312, %get3A_315 : vector<16xf32>
      tpu.vector_store_idx %arg8[%add3A_318], %mul3A_319 : memref<576xf32, #tpu.memory_space<vmem>>[vector<16xi32>], vector<16xf32>,
      %get3A_320 = arith.index_cast %scan3A_109 : i32 to index
      %get3A_321 = arith.constant 336 : index
      %get3A_322 = tpu.vector_load %arg5[%get3A_320, %get3A_321] {strides = array<i32>} : memref<32x512xf32, #tpu.memory_space<vmem>>, vector<16xf32>,
      %get3A_323 = arith.index_cast %scan3A_109 : i32 to index
      %get3A_324 = arith.constant 336 : index
      %get3A_325 = tpu.vector_load %arg7[%get3A_323, %get3A_324] {strides = array<i32>} : memref<32x512xf32, #tpu.memory_space<vmem>>, vector<16xf32>,
      %add3A_326 = arith.constant 378 : i32
      %add3A_327 = vector.broadcast %add3A_326 : i32 to vector<16xi32>
      %add3A_328 = arith.addi %add3A, %add3A_327 : vector<16xi32>
      %mul3A_329 = arith.mulf %get3A_322, %get3A_325 : vector<16xf32>
      tpu.vector_store_idx %arg8[%add3A_328], %mul3A_329 : memref<576xf32, #tpu.memory_space<vmem>>[vector<16xi32>], vector<16xf32>,
      %get3A_330 = arith.index_cast %scan3A_109 : i32 to index
      %get3A_331 = arith.constant 352 : index
      %get3A_332 = tpu.vector_load %arg5[%get3A_330, %get3A_331] {strides = array<i32>} : memref<32x512xf32, #tpu.memory_space<vmem>>, vector<16xf32>,
      %get3A_333 = arith.index_cast %scan3A_109 : i32 to index
      %get3A_334 = arith.constant 352 : index
      %get3A_335 = tpu.vector_load %arg7[%get3A_333, %get3A_334] {strides = array<i32>} : memref<32x512xf32, #tpu.memory_space<vmem>>, vector<16xf32>,
      %add3A_336 = arith.constant 396 : i32
      %add3A_337 = vector.broadcast %add3A_336 : i32 to vector<16xi32>
      %add3A_338 = arith.addi %add3A, %add3A_337 : vector<16xi32>
      %mul3A_339 = arith.mulf %get3A_332, %get3A_335 : vector<16xf32>
      tpu.vector_store_idx %arg8[%add3A_338], %mul3A_339 : memref<576xf32, #tpu.memory_space<vmem>>[vector<16xi32>], vector<16xf32>,
      %get3A_340 = arith.index_cast %scan3A_109 : i32 to index
      %get3A_341 = arith.constant 368 : index
      %get3A_342 = tpu.vector_load %arg5[%get3A_340, %get3A_341] {strides = array<i32>} : memref<32x512xf32, #tpu.memory_space<vmem>>, vector<16xf32>,
      %get3A_343 = arith.index_cast %scan3A_109 : i32 to index
      %get3A_344 = arith.constant 368 : index
      %get3A_345 = tpu.vector_load %arg7[%get3A_343, %get3A_344] {strides = array<i32>} : memref<32x512xf32, #tpu.memory_space<vmem>>, vector<16xf32>,
      %add3A_346 = arith.constant 414 : i32
      %add3A_347 = vector.broadcast %add3A_346 : i32 to vector<16xi32>
      %add3A_348 = arith.addi %add3A, %add3A_347 : vector<16xi32>
      %mul3A_349 = arith.mulf %get3A_342, %get3A_345 : vector<16xf32>
      tpu.vector_store_idx %arg8[%add3A_348], %mul3A_349 : memref<576xf32, #tpu.memory_space<vmem>>[vector<16xi32>], vector<16xf32>,
      %get3A_350 = arith.index_cast %scan3A_109 : i32 to index
      %get3A_351 = arith.constant 384 : index
      %get3A_352 = tpu.vector_load %arg5[%get3A_350, %get3A_351] {strides = array<i32>} : memref<32x512xf32, #tpu.memory_space<vmem>>, vector<16xf32>,
      %get3A_353 = arith.index_cast %scan3A_109 : i32 to index
      %get3A_354 = arith.constant 384 : index
      %get3A_355 = tpu.vector_load %arg7[%get3A_353, %get3A_354] {strides = array<i32>} : memref<32x512xf32, #tpu.memory_space<vmem>>, vector<16xf32>,
      %add3A_356 = arith.constant 432 : i32
      %add3A_357 = vector.broadcast %add3A_356 : i32 to vector<16xi32>
      %add3A_358 = arith.addi %add3A, %add3A_357 : vector<16xi32>
      %mul3A_359 = arith.mulf %get3A_352, %get3A_355 : vector<16xf32>
      tpu.vector_store_idx %arg8[%add3A_358], %mul3A_359 : memref<576xf32, #tpu.memory_space<vmem>>[vector<16xi32>], vector<16xf32>,
      %get3A_360 = arith.index_cast %scan3A_109 : i32 to index
      %get3A_361 = arith.constant 400 : index
      %get3A_362 = tpu.vector_load %arg5[%get3A_360, %get3A_361] {strides = array<i32>} : memref<32x512xf32, #tpu.memory_space<vmem>>, vector<16xf32>,
      %get3A_363 = arith.index_cast %scan3A_109 : i32 to index
      %get3A_364 = arith.constant 400 : index
      %get3A_365 = tpu.vector_load %arg7[%get3A_363, %get3A_364] {strides = array<i32>} : memref<32x512xf32, #tpu.memory_space<vmem>>, vector<16xf32>,
      %add3A_366 = arith.constant 450 : i32
      %add3A_367 = vector.broadcast %add3A_366 : i32 to vector<16xi32>
      %add3A_368 = arith.addi %add3A, %add3A_367 : vector<16xi32>
      %mul3A_369 = arith.mulf %get3A_362, %get3A_365 : vector<16xf32>
      tpu.vector_store_idx %arg8[%add3A_368], %mul3A_369 : memref<576xf32, #tpu.memory_space<vmem>>[vector<16xi32>], vector<16xf32>,
      %get3A_370 = arith.index_cast %scan3A_109 : i32 to index
      %get3A_371 = arith.constant 416 : index
      %get3A_372 = tpu.vector_load %arg5[%get3A_370, %get3A_371] {strides = array<i32>} : memref<32x512xf32, #tpu.memory_space<vmem>>, vector<16xf32>,
      %get3A_373 = arith.index_cast %scan3A_109 : i32 to index
      %get3A_374 = arith.constant 416 : index
      %get3A_375 = tpu.vector_load %arg7[%get3A_373, %get3A_374] {strides = array<i32>} : memref<32x512xf32, #tpu.memory_space<vmem>>, vector<16xf32>,
      %add3A_376 = arith.constant 468 : i32
      %add3A_377 = vector.broadcast %add3A_376 : i32 to vector<16xi32>
      %add3A_378 = arith.addi %add3A, %add3A_377 : vector<16xi32>
      %mul3A_379 = arith.mulf %get3A_372, %get3A_375 : vector<16xf32>
      tpu.vector_store_idx %arg8[%add3A_378], %mul3A_379 : memref<576xf32, #tpu.memory_space<vmem>>[vector<16xi32>], vector<16xf32>,
      %get3A_380 = arith.index_cast %scan3A_109 : i32 to index
      %get3A_381 = arith.constant 432 : index
      %get3A_382 = tpu.vector_load %arg5[%get3A_380, %get3A_381] {strides = array<i32>} : memref<32x512xf32, #tpu.memory_space<vmem>>, vector<16xf32>,
      %get3A_383 = arith.index_cast %scan3A_109 : i32 to index
      %get3A_384 = arith.constant 432 : index
      %get3A_385 = tpu.vector_load %arg7[%get3A_383, %get3A_384] {strides = array<i32>} : memref<32x512xf32, #tpu.memory_space<vmem>>, vector<16xf32>,
      %add3A_386 = arith.constant 486 : i32
      %add3A_387 = vector.broadcast %add3A_386 : i32 to vector<16xi32>
      %add3A_388 = arith.addi %add3A, %add3A_387 : vector<16xi32>
      %mul3A_389 = arith.mulf %get3A_382, %get3A_385 : vector<16xf32>
      tpu.vector_store_idx %arg8[%add3A_388], %mul3A_389 : memref<576xf32, #tpu.memory_space<vmem>>[vector<16xi32>], vector<16xf32>,
      %get3A_390 = arith.index_cast %scan3A_109 : i32 to index
      %get3A_391 = arith.constant 448 : index
      %get3A_392 = tpu.vector_load %arg5[%get3A_390, %get3A_391] {strides = array<i32>} : memref<32x512xf32, #tpu.memory_space<vmem>>, vector<16xf32>,
      %get3A_393 = arith.index_cast %scan3A_109 : i32 to index
      %get3A_394 = arith.constant 448 : index
      %get3A_395 = tpu.vector_load %arg7[%get3A_393, %get3A_394] {strides = array<i32>} : memref<32x512xf32, #tpu.memory_space<vmem>>, vector<16xf32>,
      %add3A_396 = arith.constant 504 : i32
      %add3A_397 = vector.broadcast %add3A_396 : i32 to vector<16xi32>
      %add3A_398 = arith.addi %add3A, %add3A_397 : vector<16xi32>
      %mul3A_399 = arith.mulf %get3A_392, %get3A_395 : vector<16xf32>
      tpu.vector_store_idx %arg8[%add3A_398], %mul3A_399 : memref<576xf32, #tpu.memory_space<vmem>>[vector<16xi32>], vector<16xf32>,
      %get3A_400 = arith.index_cast %scan3A_109 : i32 to index
      %get3A_401 = arith.constant 464 : index
      %get3A_402 = tpu.vector_load %arg5[%get3A_400, %get3A_401] {strides = array<i32>} : memref<32x512xf32, #tpu.memory_space<vmem>>, vector<16xf32>,
      %get3A_403 = arith.index_cast %scan3A_109 : i32 to index
      %get3A_404 = arith.constant 464 : index
      %get3A_405 = tpu.vector_load %arg7[%get3A_403, %get3A_404] {strides = array<i32>} : memref<32x512xf32, #tpu.memory_space<vmem>>, vector<16xf32>,
      %add3A_406 = arith.constant 522 : i32
      %add3A_407 = vector.broadcast %add3A_406 : i32 to vector<16xi32>
      %add3A_408 = arith.addi %add3A, %add3A_407 : vector<16xi32>
      %mul3A_409 = arith.mulf %get3A_402, %get3A_405 : vector<16xf32>
      tpu.vector_store_idx %arg8[%add3A_408], %mul3A_409 : memref<576xf32, #tpu.memory_space<vmem>>[vector<16xi32>], vector<16xf32>,
      %get3A_410 = arith.index_cast %scan3A_109 : i32 to index
      %get3A_411 = arith.constant 480 : index
      %get3A_412 = tpu.vector_load %arg5[%get3A_410, %get3A_411] {strides = array<i32>} : memref<32x512xf32, #tpu.memory_space<vmem>>, vector<16xf32>,
      %get3A_413 = arith.index_cast %scan3A_109 : i32 to index
      %get3A_414 = arith.constant 480 : index
      %get3A_415 = tpu.vector_load %arg7[%get3A_413, %get3A_414] {strides = array<i32>} : memref<32x512xf32, #tpu.memory_space<vmem>>, vector<16xf32>,
      %add3A_416 = arith.constant 540 : i32
      %add3A_417 = vector.broadcast %add3A_416 : i32 to vector<16xi32>
      %add3A_418 = arith.addi %add3A, %add3A_417 : vector<16xi32>
      %mul3A_419 = arith.mulf %get3A_412, %get3A_415 : vector<16xf32>
      tpu.vector_store_idx %arg8[%add3A_418], %mul3A_419 : memref<576xf32, #tpu.memory_space<vmem>>[vector<16xi32>], vector<16xf32>,
      %get3A_420 = arith.index_cast %scan3A_109 : i32 to index
      %get3A_421 = arith.constant 496 : index
      %get3A_422 = tpu.vector_load %arg5[%get3A_420, %get3A_421] {strides = array<i32>} : memref<32x512xf32, #tpu.memory_space<vmem>>, vector<16xf32>,
      %get3A_423 = arith.index_cast %scan3A_109 : i32 to index
      %get3A_424 = arith.constant 496 : index
      %get3A_425 = tpu.vector_load %arg7[%get3A_423, %get3A_424] {strides = array<i32>} : memref<32x512xf32, #tpu.memory_space<vmem>>, vector<16xf32>,
      %add3A_426 = arith.constant 558 : i32
      %add3A_427 = vector.broadcast %add3A_426 : i32 to vector<16xi32>
      %add3A_428 = arith.addi %add3A, %add3A_427 : vector<16xi32>
      %mul3A_429 = arith.mulf %get3A_422, %get3A_425 : vector<16xf32>
      tpu.vector_store_idx %arg8[%add3A_428], %mul3A_429 : memref<576xf32, #tpu.memory_space<vmem>>[vector<16xi32>], vector<16xf32>,
      %mul3A_430 = arith.constant 9 : i32
      %mul3A_431 = vector.broadcast %mul3A_430 : i32 to vector<16xi32>
      %mul3A_432 = arith.muli %mul3A_431, %iota3A : vector<16xi32>
      %add3A_433 = arith.constant 0 : i32
      %add3A_434 = vector.broadcast %add3A_433 : i32 to vector<16xi32>
      %add3A_435 = arith.addi %add3A_434, %mul3A_432 : vector<16xi32>
      %gather3A = tpu.vector_load_idx %arg8[%add3A_435] : memref<576xf32, #tpu.memory_space<vmem>>[vector<16xi32>], vector<16xf32>,
      %add3A_436 = arith.constant 1 : i32
      %add3A_437 = vector.broadcast %add3A_436 : i32 to vector<16xi32>
      %add3A_438 = arith.addi %add3A_435, %add3A_437 : vector<16xi32>
      %gather3A_439 = tpu.vector_load_idx %arg8[%add3A_438] : memref<576xf32, #tpu.memory_space<vmem>>[vector<16xi32>], vector<16xf32>,
      %max3A = arith.maximumf %gather3A, %gather3A_439 : vector<16xf32>
      %add3A_440 = arith.constant 2 : i32
      %add3A_441 = vector.broadcast %add3A_440 : i32 to vector<16xi32>
      %add3A_442 = arith.addi %add3A_435, %add3A_441 : vector<16xi32>
      %gather3A_443 = tpu.vector_load_idx %arg8[%add3A_442] : memref<576xf32, #tpu.memory_space<vmem>>[vector<16xi32>], vector<16xf32>,
      %max3A_444 = arith.maximumf %max3A, %gather3A_443 : vector<16xf32>
      %add3A_445 = arith.constant 3 : i32
      %add3A_446 = vector.broadcast %add3A_445 : i32 to vector<16xi32>
      %add3A_447 = arith.addi %add3A_435, %add3A_446 : vector<16xi32>
      %gather3A_448 = tpu.vector_load_idx %arg8[%add3A_447] : memref<576xf32, #tpu.memory_space<vmem>>[vector<16xi32>], vector<16xf32>,
      %max3A_449 = arith.maximumf %max3A_444, %gather3A_448 : vector<16xf32>
      %add3A_450 = arith.constant 4 : i32
      %add3A_451 = vector.broadcast %add3A_450 : i32 to vector<16xi32>
      %add3A_452 = arith.addi %add3A_435, %add3A_451 : vector<16xi32>
      %gather3A_453 = tpu.vector_load_idx %arg8[%add3A_452] : memref<576xf32, #tpu.memory_space<vmem>>[vector<16xi32>], vector<16xf32>,
      %max3A_454 = arith.maximumf %max3A_449, %gather3A_453 : vector<16xf32>
      %add3A_455 = arith.constant 5 : i32
      %add3A_456 = vector.broadcast %add3A_455 : i32 to vector<16xi32>
      %add3A_457 = arith.addi %add3A_435, %add3A_456 : vector<16xi32>
      %gather3A_458 = tpu.vector_load_idx %arg8[%add3A_457] : memref<576xf32, #tpu.memory_space<vmem>>[vector<16xi32>], vector<16xf32>,
      %max3A_459 = arith.maximumf %max3A_454, %gather3A_458 : vector<16xf32>
      %add3A_460 = arith.constant 6 : i32
      %add3A_461 = vector.broadcast %add3A_460 : i32 to vector<16xi32>
      %add3A_462 = arith.addi %add3A_435, %add3A_461 : vector<16xi32>
      %gather3A_463 = tpu.vector_load_idx %arg8[%add3A_462] : memref<576xf32, #tpu.memory_space<vmem>>[vector<16xi32>], vector<16xf32>,
      %max3A_464 = arith.maximumf %max3A_459, %gather3A_463 : vector<16xf32>
      %add3A_465 = arith.constant 7 : i32
      %add3A_466 = vector.broadcast %add3A_465 : i32 to vector<16xi32>
      %add3A_467 = arith.addi %add3A_435, %add3A_466 : vector<16xi32>
      %gather3A_468 = tpu.vector_load_idx %arg8[%add3A_467] : memref<576xf32, #tpu.memory_space<vmem>>[vector<16xi32>], vector<16xf32>,
      %max3A_469 = arith.maximumf %max3A_464, %gather3A_468 : vector<16xf32>
      %swap3A = arith.constant 0 : i32
      %swap3A_470 = arith.index_cast %swap3A : i32 to index
      %swap3A_471 = arith.index_cast %scan3A_109 : i32 to index
      %swap3A_472 = arith.constant 0 : index
      %swap3A_473 = tpu.vector_load %arg9[%swap3A_470, %swap3A_471, %swap3A_472] {strides = array<i32>} : memref<1x32x64xf32, #tpu.memory_space<vmem>>, vector<16xf32>,
      tpu.vector_store %arg9[%swap3A_470, %swap3A_471, %swap3A_472], %max3A_469 {strides = array<i32>} : memref<1x32x64xf32, #tpu.memory_space<vmem>>, vector<16xf32>,
      %mul3A_474 = arith.constant 9 : i32
      %mul3A_475 = vector.broadcast %mul3A_474 : i32 to vector<16xi32>
      %mul3A_476 = arith.muli %mul3A_475, %iota3A : vector<16xi32>
      %add3A_477 = arith.constant 144 : i32
      %add3A_478 = vector.broadcast %add3A_477 : i32 to vector<16xi32>
      %add3A_479 = arith.addi %add3A_478, %mul3A_476 : vector<16xi32>
      %gather3A_480 = tpu.vector_load_idx %arg8[%add3A_479] : memref<576xf32, #tpu.memory_space<vmem>>[vector<16xi32>], vector<16xf32>,
      %add3A_481 = arith.constant 1 : i32
      %add3A_482 = vector.broadcast %add3A_481 : i32 to vector<16xi32>
      %add3A_483 = arith.addi %add3A_479, %add3A_482 : vector<16xi32>
      %gather3A_484 = tpu.vector_load_idx %arg8[%add3A_483] : memref<576xf32, #tpu.memory_space<vmem>>[vector<16xi32>], vector<16xf32>,
      %max3A_485 = arith.maximumf %gather3A_480, %gather3A_484 : vector<16xf32>
      %add3A_486 = arith.constant 2 : i32
      %add3A_487 = vector.broadcast %add3A_486 : i32 to vector<16xi32>
      %add3A_488 = arith.addi %add3A_479, %add3A_487 : vector<16xi32>
      %gather3A_489 = tpu.vector_load_idx %arg8[%add3A_488] : memref<576xf32, #tpu.memory_space<vmem>>[vector<16xi32>], vector<16xf32>,
      %max3A_490 = arith.maximumf %max3A_485, %gather3A_489 : vector<16xf32>
      %add3A_491 = arith.constant 3 : i32
      %add3A_492 = vector.broadcast %add3A_491 : i32 to vector<16xi32>
      %add3A_493 = arith.addi %add3A_479, %add3A_492 : vector<16xi32>
      %gather3A_494 = tpu.vector_load_idx %arg8[%add3A_493] : memref<576xf32, #tpu.memory_space<vmem>>[vector<16xi32>], vector<16xf32>,
      %max3A_495 = arith.maximumf %max3A_490, %gather3A_494 : vector<16xf32>
      %add3A_496 = arith.constant 4 : i32
      %add3A_497 = vector.broadcast %add3A_496 : i32 to vector<16xi32>
      %add3A_498 = arith.addi %add3A_479, %add3A_497 : vector<16xi32>
      %gather3A_499 = tpu.vector_load_idx %arg8[%add3A_498] : memref<576xf32, #tpu.memory_space<vmem>>[vector<16xi32>], vector<16xf32>,
      %max3A_500 = arith.maximumf %max3A_495, %gather3A_499 : vector<16xf32>
      %add3A_501 = arith.constant 5 : i32
      %add3A_502 = vector.broadcast %add3A_501 : i32 to vector<16xi32>
      %add3A_503 = arith.addi %add3A_479, %add3A_502 : vector<16xi32>
      %gather3A_504 = tpu.vector_load_idx %arg8[%add3A_503] : memref<576xf32, #tpu.memory_space<vmem>>[vector<16xi32>], vector<16xf32>,
      %max3A_505 = arith.maximumf %max3A_500, %gather3A_504 : vector<16xf32>
      %add3A_506 = arith.constant 6 : i32
      %add3A_507 = vector.broadcast %add3A_506 : i32 to vector<16xi32>
      %add3A_508 = arith.addi %add3A_479, %add3A_507 : vector<16xi32>
      %gather3A_509 = tpu.vector_load_idx %arg8[%add3A_508] : memref<576xf32, #tpu.memory_space<vmem>>[vector<16xi32>], vector<16xf32>,
      %max3A_510 = arith.maximumf %max3A_505, %gather3A_509 : vector<16xf32>
      %add3A_511 = arith.constant 7 : i32
      %add3A_512 = vector.broadcast %add3A_511 : i32 to vector<16xi32>
      %add3A_513 = arith.addi %add3A_479, %add3A_512 : vector<16xi32>
      %gather3A_514 = tpu.vector_load_idx %arg8[%add3A_513] : memref<576xf32, #tpu.memory_space<vmem>>[vector<16xi32>], vector<16xf32>,
      %max3A_515 = arith.maximumf %max3A_510, %gather3A_514 : vector<16xf32>
      %swap3A_516 = arith.constant 0 : i32
      %swap3A_517 = arith.index_cast %swap3A_516 : i32 to index
      %swap3A_518 = arith.index_cast %scan3A_109 : i32 to index
      %swap3A_519 = arith.constant 16 : index
      %swap3A_520 = tpu.vector_load %arg9[%swap3A_517, %swap3A_518, %swap3A_519] {strides = array<i32>} : memref<1x32x64xf32, #tpu.memory_space<vmem>>, vector<16xf32>,
      tpu.vector_store %arg9[%swap3A_517, %swap3A_518, %swap3A_519], %max3A_515 {strides = array<i32>} : memref<1x32x64xf32, #tpu.memory_space<vmem>>, vector<16xf32>,
      %mul3A_521 = arith.constant 9 : i32
      %mul3A_522 = vector.broadcast %mul3A_521 : i32 to vector<16xi32>
      %mul3A_523 = arith.muli %mul3A_522, %iota3A : vector<16xi32>
      %add3A_524 = arith.constant 288 : i32
      %add3A_525 = vector.broadcast %add3A_524 : i32 to vector<16xi32>
      %add3A_526 = arith.addi %add3A_525, %mul3A_523 : vector<16xi32>
      %gather3A_527 = tpu.vector_load_idx %arg8[%add3A_526] : memref<576xf32, #tpu.memory_space<vmem>>[vector<16xi32>], vector<16xf32>,
      %add3A_528 = arith.constant 1 : i32
      %add3A_529 = vector.broadcast %add3A_528 : i32 to vector<16xi32>
      %add3A_530 = arith.addi %add3A_526, %add3A_529 : vector<16xi32>
      %gather3A_531 = tpu.vector_load_idx %arg8[%add3A_530] : memref<576xf32, #tpu.memory_space<vmem>>[vector<16xi32>], vector<16xf32>,
      %max3A_532 = arith.maximumf %gather3A_527, %gather3A_531 : vector<16xf32>
      %add3A_533 = arith.constant 2 : i32
      %add3A_534 = vector.broadcast %add3A_533 : i32 to vector<16xi32>
      %add3A_535 = arith.addi %add3A_526, %add3A_534 : vector<16xi32>
      %gather3A_536 = tpu.vector_load_idx %arg8[%add3A_535] : memref<576xf32, #tpu.memory_space<vmem>>[vector<16xi32>], vector<16xf32>,
      %max3A_537 = arith.maximumf %max3A_532, %gather3A_536 : vector<16xf32>
      %add3A_538 = arith.constant 3 : i32
      %add3A_539 = vector.broadcast %add3A_538 : i32 to vector<16xi32>
      %add3A_540 = arith.addi %add3A_526, %add3A_539 : vector<16xi32>
      %gather3A_541 = tpu.vector_load_idx %arg8[%add3A_540] : memref<576xf32, #tpu.memory_space<vmem>>[vector<16xi32>], vector<16xf32>,
      %max3A_542 = arith.maximumf %max3A_537, %gather3A_541 : vector<16xf32>
      %add3A_543 = arith.constant 4 : i32
      %add3A_544 = vector.broadcast %add3A_543 : i32 to vector<16xi32>
      %add3A_545 = arith.addi %add3A_526, %add3A_544 : vector<16xi32>
      %gather3A_546 = tpu.vector_load_idx %arg8[%add3A_545] : memref<576xf32, #tpu.memory_space<vmem>>[vector<16xi32>], vector<16xf32>,
      %max3A_547 = arith.maximumf %max3A_542, %gather3A_546 : vector<16xf32>
      %add3A_548 = arith.constant 5 : i32
      %add3A_549 = vector.broadcast %add3A_548 : i32 to vector<16xi32>
      %add3A_550 = arith.addi %add3A_526, %add3A_549 : vector<16xi32>
      %gather3A_551 = tpu.vector_load_idx %arg8[%add3A_550] : memref<576xf32, #tpu.memory_space<vmem>>[vector<16xi32>], vector<16xf32>,
      %max3A_552 = arith.maximumf %max3A_547, %gather3A_551 : vector<16xf32>
      %add3A_553 = arith.constant 6 : i32
      %add3A_554 = vector.broadcast %add3A_553 : i32 to vector<16xi32>
      %add3A_555 = arith.addi %add3A_526, %add3A_554 : vector<16xi32>
      %gather3A_556 = tpu.vector_load_idx %arg8[%add3A_555] : memref<576xf32, #tpu.memory_space<vmem>>[vector<16xi32>], vector<16xf32>,
      %max3A_557 = arith.maximumf %max3A_552, %gather3A_556 : vector<16xf32>
      %add3A_558 = arith.constant 7 : i32
      %add3A_559 = vector.broadcast %add3A_558 : i32 to vector<16xi32>
      %add3A_560 = arith.addi %add3A_526, %add3A_559 : vector<16xi32>
      %gather3A_561 = tpu.vector_load_idx %arg8[%add3A_560] : memref<576xf32, #tpu.memory_space<vmem>>[vector<16xi32>], vector<16xf32>,
      %max3A_562 = arith.maximumf %max3A_557, %gather3A_561 : vector<16xf32>
      %swap3A_563 = arith.constant 0 : i32
      %swap3A_564 = arith.index_cast %swap3A_563 : i32 to index
      %swap3A_565 = arith.index_cast %scan3A_109 : i32 to index
      %swap3A_566 = arith.constant 32 : index
      %swap3A_567 = tpu.vector_load %arg9[%swap3A_564, %swap3A_565, %swap3A_566] {strides = array<i32>} : memref<1x32x64xf32, #tpu.memory_space<vmem>>, vector<16xf32>,
      tpu.vector_store %arg9[%swap3A_564, %swap3A_565, %swap3A_566], %max3A_562 {strides = array<i32>} : memref<1x32x64xf32, #tpu.memory_space<vmem>>, vector<16xf32>,
      %mul3A_568 = arith.constant 9 : i32
      %mul3A_569 = vector.broadcast %mul3A_568 : i32 to vector<16xi32>
      %mul3A_570 = arith.muli %mul3A_569, %iota3A : vector<16xi32>
      %add3A_571 = arith.constant 432 : i32
      %add3A_572 = vector.broadcast %add3A_571 : i32 to vector<16xi32>
      %add3A_573 = arith.addi %add3A_572, %mul3A_570 : vector<16xi32>
      %gather3A_574 = tpu.vector_load_idx %arg8[%add3A_573] : memref<576xf32, #tpu.memory_space<vmem>>[vector<16xi32>], vector<16xf32>,
      %add3A_575 = arith.constant 1 : i32
      %add3A_576 = vector.broadcast %add3A_575 : i32 to vector<16xi32>
      %add3A_577 = arith.addi %add3A_573, %add3A_576 : vector<16xi32>
      %gather3A_578 = tpu.vector_load_idx %arg8[%add3A_577] : memref<576xf32, #tpu.memory_space<vmem>>[vector<16xi32>], vector<16xf32>,
      %max3A_579 = arith.maximumf %gather3A_574, %gather3A_578 : vector<16xf32>
      %add3A_580 = arith.constant 2 : i32
      %add3A_581 = vector.broadcast %add3A_580 : i32 to vector<16xi32>
      %add3A_582 = arith.addi %add3A_573, %add3A_581 : vector<16xi32>
      %gather3A_583 = tpu.vector_load_idx %arg8[%add3A_582] : memref<576xf32, #tpu.memory_space<vmem>>[vector<16xi32>], vector<16xf32>,
      %max3A_584 = arith.maximumf %max3A_579, %gather3A_583 : vector<16xf32>
      %add3A_585 = arith.constant 3 : i32
      %add3A_586 = vector.broadcast %add3A_585 : i32 to vector<16xi32>
      %add3A_587 = arith.addi %add3A_573, %add3A_586 : vector<16xi32>
      %gather3A_588 = tpu.vector_load_idx %arg8[%add3A_587] : memref<576xf32, #tpu.memory_space<vmem>>[vector<16xi32>], vector<16xf32>,
      %max3A_589 = arith.maximumf %max3A_584, %gather3A_588 : vector<16xf32>
      %add3A_590 = arith.constant 4 : i32
      %add3A_591 = vector.broadcast %add3A_590 : i32 to vector<16xi32>
      %add3A_592 = arith.addi %add3A_573, %add3A_591 : vector<16xi32>
      %gather3A_593 = tpu.vector_load_idx %arg8[%add3A_592] : memref<576xf32, #tpu.memory_space<vmem>>[vector<16xi32>], vector<16xf32>,
      %max3A_594 = arith.maximumf %max3A_589, %gather3A_593 : vector<16xf32>
      %add3A_595 = arith.constant 5 : i32
      %add3A_596 = vector.broadcast %add3A_595 : i32 to vector<16xi32>
      %add3A_597 = arith.addi %add3A_573, %add3A_596 : vector<16xi32>
      %gather3A_598 = tpu.vector_load_idx %arg8[%add3A_597] : memref<576xf32, #tpu.memory_space<vmem>>[vector<16xi32>], vector<16xf32>,
      %max3A_599 = arith.maximumf %max3A_594, %gather3A_598 : vector<16xf32>
      %add3A_600 = arith.constant 6 : i32
      %add3A_601 = vector.broadcast %add3A_600 : i32 to vector<16xi32>
      %add3A_602 = arith.addi %add3A_573, %add3A_601 : vector<16xi32>
      %gather3A_603 = tpu.vector_load_idx %arg8[%add3A_602] : memref<576xf32, #tpu.memory_space<vmem>>[vector<16xi32>], vector<16xf32>,
      %max3A_604 = arith.maximumf %max3A_599, %gather3A_603 : vector<16xf32>
      %add3A_605 = arith.constant 7 : i32
      %add3A_606 = vector.broadcast %add3A_605 : i32 to vector<16xi32>
      %add3A_607 = arith.addi %add3A_573, %add3A_606 : vector<16xi32>
      %gather3A_608 = tpu.vector_load_idx %arg8[%add3A_607] : memref<576xf32, #tpu.memory_space<vmem>>[vector<16xi32>], vector<16xf32>,
      %max3A_609 = arith.maximumf %max3A_604, %gather3A_608 : vector<16xf32>
      %swap3A_610 = arith.constant 0 : i32
      %swap3A_611 = arith.index_cast %swap3A_610 : i32 to index
      %swap3A_612 = arith.index_cast %scan3A_109 : i32 to index
      %swap3A_613 = arith.constant 48 : index
      %swap3A_614 = tpu.vector_load %arg9[%swap3A_611, %swap3A_612, %swap3A_613] {strides = array<i32>} : memref<1x32x64xf32, #tpu.memory_space<vmem>>, vector<16xf32>,
      tpu.vector_store %arg9[%swap3A_611, %swap3A_612, %swap3A_613], %max3A_609 {strides = array<i32>} : memref<1x32x64xf32, #tpu.memory_space<vmem>>, vector<16xf32>,
      %scan3A_615 = arith.constant 0 : i32
      scf.yield %scan3A_615 : i32
    }
    %scan3A_61 = arith.constant 32 : i32
    %mul3A_62 = arith.constant 2 : i32
    %mul3A_63 = arith.muli %arg1, %mul3A_62 : i32
    %add3A_64 = arith.constant 0 : i32
    %add3A_65 = arith.addi %mul3A_63, %add3A_64 : i32
    %dma_start3A_66 = arith.constant 0 : i32
    %dma_start3A_67 = arith.constant 0 : i32
    %dma_start3A_68 = tpu.memref_slice %arg4[%add3A_65, %dma_start3A_66, %dma_start3A_67] : memref<32x32x64xf32, #tpu.memory_space<hbm>> -> memref<1x32x64xf32, #tpu.memory_space<hbm>>
    %dma_start3A_69 = arith.constant 0 : i32
    %dma_start3A_70 = arith.constant 0 : i32
    %dma_start3A_71 = tpu.memref_slice %arg4[%add3A_65, %dma_start3A_69, %dma_start3A_70] : memref<32x32x64xf32, #tpu.memory_space<hbm>> -> memref<1x32x64xf32, #tpu.memory_space<hbm>>
    tpu.enqueue_dma source(%arg9 : memref<1x32x64xf32, #tpu.memory_space<vmem>>) target(%dma_start3A_71 : memref<1x32x64xf32, #tpu.memory_space<hbm>>) target_semaphore(%arg13 : memref<!tpu.dma_semaphore, #tpu.memory_space<semaphore_mem>>)
    %dma_wait3A_72 = arith.constant 0 : i32
    %dma_wait3A_73 = arith.constant 0 : i32
    %dma_wait3A_74 = tpu.memref_slice %arg2[%add3A_40, %dma_wait3A_72, %dma_wait3A_73] : memref<128x32x8192xf32, #tpu.memory_space<hbm>> -> memref<1x32x512xf32, #tpu.memory_space<hbm>>
    %dma_wait3A_75 = tpu.memref_squeeze %dma_wait3A_74 : memref<1x32x512xf32, #tpu.memory_space<hbm>> -> memref<32x512xf32, #tpu.memory_space<hbm>>
    %dma_wait3A_76 = arith.constant 0 : i32
    %dma_wait3A_77 = arith.constant 0 : i32
    %dma_wait3A_78 = tpu.memref_slice %arg2[%add3A_40, %dma_wait3A_76, %dma_wait3A_77] : memref<128x32x8192xf32, #tpu.memory_space<hbm>> -> memref<1x32x512xf32, #tpu.memory_space<hbm>>
    %dma_wait3A_79 = tpu.memref_squeeze %dma_wait3A_78 : memref<1x32x512xf32, #tpu.memory_space<hbm>> -> memref<32x512xf32, #tpu.memory_space<hbm>>
    tpu.wait_dma2 semaphore(%arg12 : memref<!tpu.dma_semaphore, #tpu.memory_space<semaphore_mem>>) src(%dma_wait3A_79 : memref<32x512xf32, #tpu.memory_space<hbm>>) dst(%arg6 : memref<32x512xf32, #tpu.memory_space<vmem>>)
    %scan3A_80 = arith.constant 0 : i32
    %scan3A_81 = arith.constant 0 : i32
    %scan3A_82 = arith.constant 32 : i32
    %scan3A_83 = arith.addi %scan3A_81, %scan3A_82 : i32
    %scan3A_84 = arith.constant 1 : i32
    %scan3A_85 = scf.for %scan3A_109 = %scan3A_81 to %scan3A_83 step %scan3A_84 iter_args(%scan3A_110 = %scan3A_80) -> (i32)  : i32 {
      %get3A = arith.index_cast %scan3A_109 : i32 to index
      %get3A_111 = arith.constant 0 : index
      %get3A_112 = tpu.vector_load %arg6[%get3A, %get3A_111] {strides = array<i32>} : memref<32x512xf32, #tpu.memory_space<vmem>>, vector<16xf32>,
      %get3A_113 = arith.index_cast %scan3A_109 : i32 to index
      %get3A_114 = arith.constant 0 : index
      %get3A_115 = tpu.vector_load %arg7[%get3A_113, %get3A_114] {strides = array<i32>} : memref<32x512xf32, #tpu.memory_space<vmem>>, vector<16xf32>,
      %add3A_116 = arith.constant 0 : i32
      %add3A_117 = vector.broadcast %add3A_116 : i32 to vector<16xi32>
      %add3A_118 = arith.addi %add3A, %add3A_117 : vector<16xi32>
      %mul3A_119 = arith.mulf %get3A_112, %get3A_115 : vector<16xf32>
      tpu.vector_store_idx %arg8[%add3A_118], %mul3A_119 : memref<576xf32, #tpu.memory_space<vmem>>[vector<16xi32>], vector<16xf32>,
      %get3A_120 = arith.index_cast %scan3A_109 : i32 to index
      %get3A_121 = arith.constant 16 : index
      %get3A_122 = tpu.vector_load %arg6[%get3A_120, %get3A_121] {strides = array<i32>} : memref<32x512xf32, #tpu.memory_space<vmem>>, vector<16xf32>,
      %get3A_123 = arith.index_cast %scan3A_109 : i32 to index
      %get3A_124 = arith.constant 16 : index
      %get3A_125 = tpu.vector_load %arg7[%get3A_123, %get3A_124] {strides = array<i32>} : memref<32x512xf32, #tpu.memory_space<vmem>>, vector<16xf32>,
      %add3A_126 = arith.constant 18 : i32
      %add3A_127 = vector.broadcast %add3A_126 : i32 to vector<16xi32>
      %add3A_128 = arith.addi %add3A, %add3A_127 : vector<16xi32>
      %mul3A_129 = arith.mulf %get3A_122, %get3A_125 : vector<16xf32>
      tpu.vector_store_idx %arg8[%add3A_128], %mul3A_129 : memref<576xf32, #tpu.memory_space<vmem>>[vector<16xi32>], vector<16xf32>,
      %get3A_130 = arith.index_cast %scan3A_109 : i32 to index
      %get3A_131 = arith.constant 32 : index
      %get3A_132 = tpu.vector_load %arg6[%get3A_130, %get3A_131] {strides = array<i32>} : memref<32x512xf32, #tpu.memory_space<vmem>>, vector<16xf32>,
      %get3A_133 = arith.index_cast %scan3A_109 : i32 to index
      %get3A_134 = arith.constant 32 : index
      %get3A_135 = tpu.vector_load %arg7[%get3A_133, %get3A_134] {strides = array<i32>} : memref<32x512xf32, #tpu.memory_space<vmem>>, vector<16xf32>,
      %add3A_136 = arith.constant 36 : i32
      %add3A_137 = vector.broadcast %add3A_136 : i32 to vector<16xi32>
      %add3A_138 = arith.addi %add3A, %add3A_137 : vector<16xi32>
      %mul3A_139 = arith.mulf %get3A_132, %get3A_135 : vector<16xf32>
      tpu.vector_store_idx %arg8[%add3A_138], %mul3A_139 : memref<576xf32, #tpu.memory_space<vmem>>[vector<16xi32>], vector<16xf32>,
      %get3A_140 = arith.index_cast %scan3A_109 : i32 to index
      %get3A_141 = arith.constant 48 : index
      %get3A_142 = tpu.vector_load %arg6[%get3A_140, %get3A_141] {strides = array<i32>} : memref<32x512xf32, #tpu.memory_space<vmem>>, vector<16xf32>,
      %get3A_143 = arith.index_cast %scan3A_109 : i32 to index
      %get3A_144 = arith.constant 48 : index
      %get3A_145 = tpu.vector_load %arg7[%get3A_143, %get3A_144] {strides = array<i32>} : memref<32x512xf32, #tpu.memory_space<vmem>>, vector<16xf32>,
      %add3A_146 = arith.constant 54 : i32
      %add3A_147 = vector.broadcast %add3A_146 : i32 to vector<16xi32>
      %add3A_148 = arith.addi %add3A, %add3A_147 : vector<16xi32>
      %mul3A_149 = arith.mulf %get3A_142, %get3A_145 : vector<16xf32>
      tpu.vector_store_idx %arg8[%add3A_148], %mul3A_149 : memref<576xf32, #tpu.memory_space<vmem>>[vector<16xi32>], vector<16xf32>,
      %get3A_150 = arith.index_cast %scan3A_109 : i32 to index
      %get3A_151 = arith.constant 64 : index
      %get3A_152 = tpu.vector_load %arg6[%get3A_150, %get3A_151] {strides = array<i32>} : memref<32x512xf32, #tpu.memory_space<vmem>>, vector<16xf32>,
      %get3A_153 = arith.index_cast %scan3A_109 : i32 to index
      %get3A_154 = arith.constant 64 : index
      %get3A_155 = tpu.vector_load %arg7[%get3A_153, %get3A_154] {strides = array<i32>} : memref<32x512xf32, #tpu.memory_space<vmem>>, vector<16xf32>,
      %add3A_156 = arith.constant 72 : i32
      %add3A_157 = vector.broadcast %add3A_156 : i32 to vector<16xi32>
      %add3A_158 = arith.addi %add3A, %add3A_157 : vector<16xi32>
      %mul3A_159 = arith.mulf %get3A_152, %get3A_155 : vector<16xf32>
      tpu.vector_store_idx %arg8[%add3A_158], %mul3A_159 : memref<576xf32, #tpu.memory_space<vmem>>[vector<16xi32>], vector<16xf32>,
      %get3A_160 = arith.index_cast %scan3A_109 : i32 to index
      %get3A_161 = arith.constant 80 : index
      %get3A_162 = tpu.vector_load %arg6[%get3A_160, %get3A_161] {strides = array<i32>} : memref<32x512xf32, #tpu.memory_space<vmem>>, vector<16xf32>,
      %get3A_163 = arith.index_cast %scan3A_109 : i32 to index
      %get3A_164 = arith.constant 80 : index
      %get3A_165 = tpu.vector_load %arg7[%get3A_163, %get3A_164] {strides = array<i32>} : memref<32x512xf32, #tpu.memory_space<vmem>>, vector<16xf32>,
      %add3A_166 = arith.constant 90 : i32
      %add3A_167 = vector.broadcast %add3A_166 : i32 to vector<16xi32>
      %add3A_168 = arith.addi %add3A, %add3A_167 : vector<16xi32>
      %mul3A_169 = arith.mulf %get3A_162, %get3A_165 : vector<16xf32>
      tpu.vector_store_idx %arg8[%add3A_168], %mul3A_169 : memref<576xf32, #tpu.memory_space<vmem>>[vector<16xi32>], vector<16xf32>,
      %get3A_170 = arith.index_cast %scan3A_109 : i32 to index
      %get3A_171 = arith.constant 96 : index
      %get3A_172 = tpu.vector_load %arg6[%get3A_170, %get3A_171] {strides = array<i32>} : memref<32x512xf32, #tpu.memory_space<vmem>>, vector<16xf32>,
      %get3A_173 = arith.index_cast %scan3A_109 : i32 to index
      %get3A_174 = arith.constant 96 : index
      %get3A_175 = tpu.vector_load %arg7[%get3A_173, %get3A_174] {strides = array<i32>} : memref<32x512xf32, #tpu.memory_space<vmem>>, vector<16xf32>,
      %add3A_176 = arith.constant 108 : i32
      %add3A_177 = vector.broadcast %add3A_176 : i32 to vector<16xi32>
      %add3A_178 = arith.addi %add3A, %add3A_177 : vector<16xi32>
      %mul3A_179 = arith.mulf %get3A_172, %get3A_175 : vector<16xf32>
      tpu.vector_store_idx %arg8[%add3A_178], %mul3A_179 : memref<576xf32, #tpu.memory_space<vmem>>[vector<16xi32>], vector<16xf32>,
      %get3A_180 = arith.index_cast %scan3A_109 : i32 to index
      %get3A_181 = arith.constant 112 : index
      %get3A_182 = tpu.vector_load %arg6[%get3A_180, %get3A_181] {strides = array<i32>} : memref<32x512xf32, #tpu.memory_space<vmem>>, vector<16xf32>,
      %get3A_183 = arith.index_cast %scan3A_109 : i32 to index
      %get3A_184 = arith.constant 112 : index
      %get3A_185 = tpu.vector_load %arg7[%get3A_183, %get3A_184] {strides = array<i32>} : memref<32x512xf32, #tpu.memory_space<vmem>>, vector<16xf32>,
      %add3A_186 = arith.constant 126 : i32
      %add3A_187 = vector.broadcast %add3A_186 : i32 to vector<16xi32>
      %add3A_188 = arith.addi %add3A, %add3A_187 : vector<16xi32>
      %mul3A_189 = arith.mulf %get3A_182, %get3A_185 : vector<16xf32>
      tpu.vector_store_idx %arg8[%add3A_188], %mul3A_189 : memref<576xf32, #tpu.memory_space<vmem>>[vector<16xi32>], vector<16xf32>,
      %get3A_190 = arith.index_cast %scan3A_109 : i32 to index
      %get3A_191 = arith.constant 128 : index
      %get3A_192 = tpu.vector_load %arg6[%get3A_190, %get3A_191] {strides = array<i32>} : memref<32x512xf32, #tpu.memory_space<vmem>>, vector<16xf32>,
      %get3A_193 = arith.index_cast %scan3A_109 : i32 to index
      %get3A_194 = arith.constant 128 : index
      %get3A_195 = tpu.vector_load %arg7[%get3A_193, %get3A_194] {strides = array<i32>} : memref<32x512xf32, #tpu.memory_space<vmem>>, vector<16xf32>,
      %add3A_196 = arith.constant 144 : i32
      %add3A_197 = vector.broadcast %add3A_196 : i32 to vector<16xi32>
      %add3A_198 = arith.addi %add3A, %add3A_197 : vector<16xi32>
      %mul3A_199 = arith.mulf %get3A_192, %get3A_195 : vector<16xf32>
      tpu.vector_store_idx %arg8[%add3A_198], %mul3A_199 : memref<576xf32, #tpu.memory_space<vmem>>[vector<16xi32>], vector<16xf32>,
      %get3A_200 = arith.index_cast %scan3A_109 : i32 to index
      %get3A_201 = arith.constant 144 : index
      %get3A_202 = tpu.vector_load %arg6[%get3A_200, %get3A_201] {strides = array<i32>} : memref<32x512xf32, #tpu.memory_space<vmem>>, vector<16xf32>,
      %get3A_203 = arith.index_cast %scan3A_109 : i32 to index
      %get3A_204 = arith.constant 144 : index
      %get3A_205 = tpu.vector_load %arg7[%get3A_203, %get3A_204] {strides = array<i32>} : memref<32x512xf32, #tpu.memory_space<vmem>>, vector<16xf32>,
      %add3A_206 = arith.constant 162 : i32
      %add3A_207 = vector.broadcast %add3A_206 : i32 to vector<16xi32>
      %add3A_208 = arith.addi %add3A, %add3A_207 : vector<16xi32>
      %mul3A_209 = arith.mulf %get3A_202, %get3A_205 : vector<16xf32>
      tpu.vector_store_idx %arg8[%add3A_208], %mul3A_209 : memref<576xf32, #tpu.memory_space<vmem>>[vector<16xi32>], vector<16xf32>,
      %get3A_210 = arith.index_cast %scan3A_109 : i32 to index
      %get3A_211 = arith.constant 160 : index
      %get3A_212 = tpu.vector_load %arg6[%get3A_210, %get3A_211] {strides = array<i32>} : memref<32x512xf32, #tpu.memory_space<vmem>>, vector<16xf32>,
      %get3A_213 = arith.index_cast %scan3A_109 : i32 to index
      %get3A_214 = arith.constant 160 : index
      %get3A_215 = tpu.vector_load %arg7[%get3A_213, %get3A_214] {strides = array<i32>} : memref<32x512xf32, #tpu.memory_space<vmem>>, vector<16xf32>,
      %add3A_216 = arith.constant 180 : i32
      %add3A_217 = vector.broadcast %add3A_216 : i32 to vector<16xi32>
      %add3A_218 = arith.addi %add3A, %add3A_217 : vector<16xi32>
      %mul3A_219 = arith.mulf %get3A_212, %get3A_215 : vector<16xf32>
      tpu.vector_store_idx %arg8[%add3A_218], %mul3A_219 : memref<576xf32, #tpu.memory_space<vmem>>[vector<16xi32>], vector<16xf32>,
      %get3A_220 = arith.index_cast %scan3A_109 : i32 to index
      %get3A_221 = arith.constant 176 : index
      %get3A_222 = tpu.vector_load %arg6[%get3A_220, %get3A_221] {strides = array<i32>} : memref<32x512xf32, #tpu.memory_space<vmem>>, vector<16xf32>,
      %get3A_223 = arith.index_cast %scan3A_109 : i32 to index
      %get3A_224 = arith.constant 176 : index
      %get3A_225 = tpu.vector_load %arg7[%get3A_223, %get3A_224] {strides = array<i32>} : memref<32x512xf32, #tpu.memory_space<vmem>>, vector<16xf32>,
      %add3A_226 = arith.constant 198 : i32
      %add3A_227 = vector.broadcast %add3A_226 : i32 to vector<16xi32>
      %add3A_228 = arith.addi %add3A, %add3A_227 : vector<16xi32>
      %mul3A_229 = arith.mulf %get3A_222, %get3A_225 : vector<16xf32>
      tpu.vector_store_idx %arg8[%add3A_228], %mul3A_229 : memref<576xf32, #tpu.memory_space<vmem>>[vector<16xi32>], vector<16xf32>,
      %get3A_230 = arith.index_cast %scan3A_109 : i32 to index
      %get3A_231 = arith.constant 192 : index
      %get3A_232 = tpu.vector_load %arg6[%get3A_230, %get3A_231] {strides = array<i32>} : memref<32x512xf32, #tpu.memory_space<vmem>>, vector<16xf32>,
      %get3A_233 = arith.index_cast %scan3A_109 : i32 to index
      %get3A_234 = arith.constant 192 : index
      %get3A_235 = tpu.vector_load %arg7[%get3A_233, %get3A_234] {strides = array<i32>} : memref<32x512xf32, #tpu.memory_space<vmem>>, vector<16xf32>,
      %add3A_236 = arith.constant 216 : i32
      %add3A_237 = vector.broadcast %add3A_236 : i32 to vector<16xi32>
      %add3A_238 = arith.addi %add3A, %add3A_237 : vector<16xi32>
      %mul3A_239 = arith.mulf %get3A_232, %get3A_235 : vector<16xf32>
      tpu.vector_store_idx %arg8[%add3A_238], %mul3A_239 : memref<576xf32, #tpu.memory_space<vmem>>[vector<16xi32>], vector<16xf32>,
      %get3A_240 = arith.index_cast %scan3A_109 : i32 to index
      %get3A_241 = arith.constant 208 : index
      %get3A_242 = tpu.vector_load %arg6[%get3A_240, %get3A_241] {strides = array<i32>} : memref<32x512xf32, #tpu.memory_space<vmem>>, vector<16xf32>,
      %get3A_243 = arith.index_cast %scan3A_109 : i32 to index
      %get3A_244 = arith.constant 208 : index
      %get3A_245 = tpu.vector_load %arg7[%get3A_243, %get3A_244] {strides = array<i32>} : memref<32x512xf32, #tpu.memory_space<vmem>>, vector<16xf32>,
      %add3A_246 = arith.constant 234 : i32
      %add3A_247 = vector.broadcast %add3A_246 : i32 to vector<16xi32>
      %add3A_248 = arith.addi %add3A, %add3A_247 : vector<16xi32>
      %mul3A_249 = arith.mulf %get3A_242, %get3A_245 : vector<16xf32>
      tpu.vector_store_idx %arg8[%add3A_248], %mul3A_249 : memref<576xf32, #tpu.memory_space<vmem>>[vector<16xi32>], vector<16xf32>,
      %get3A_250 = arith.index_cast %scan3A_109 : i32 to index
      %get3A_251 = arith.constant 224 : index
      %get3A_252 = tpu.vector_load %arg6[%get3A_250, %get3A_251] {strides = array<i32>} : memref<32x512xf32, #tpu.memory_space<vmem>>, vector<16xf32>,
      %get3A_253 = arith.index_cast %scan3A_109 : i32 to index
      %get3A_254 = arith.constant 224 : index
      %get3A_255 = tpu.vector_load %arg7[%get3A_253, %get3A_254] {strides = array<i32>} : memref<32x512xf32, #tpu.memory_space<vmem>>, vector<16xf32>,
      %add3A_256 = arith.constant 252 : i32
      %add3A_257 = vector.broadcast %add3A_256 : i32 to vector<16xi32>
      %add3A_258 = arith.addi %add3A, %add3A_257 : vector<16xi32>
      %mul3A_259 = arith.mulf %get3A_252, %get3A_255 : vector<16xf32>
      tpu.vector_store_idx %arg8[%add3A_258], %mul3A_259 : memref<576xf32, #tpu.memory_space<vmem>>[vector<16xi32>], vector<16xf32>,
      %get3A_260 = arith.index_cast %scan3A_109 : i32 to index
      %get3A_261 = arith.constant 240 : index
      %get3A_262 = tpu.vector_load %arg6[%get3A_260, %get3A_261] {strides = array<i32>} : memref<32x512xf32, #tpu.memory_space<vmem>>, vector<16xf32>,
      %get3A_263 = arith.index_cast %scan3A_109 : i32 to index
      %get3A_264 = arith.constant 240 : index
      %get3A_265 = tpu.vector_load %arg7[%get3A_263, %get3A_264] {strides = array<i32>} : memref<32x512xf32, #tpu.memory_space<vmem>>, vector<16xf32>,
      %add3A_266 = arith.constant 270 : i32
      %add3A_267 = vector.broadcast %add3A_266 : i32 to vector<16xi32>
      %add3A_268 = arith.addi %add3A, %add3A_267 : vector<16xi32>
      %mul3A_269 = arith.mulf %get3A_262, %get3A_265 : vector<16xf32>
      tpu.vector_store_idx %arg8[%add3A_268], %mul3A_269 : memref<576xf32, #tpu.memory_space<vmem>>[vector<16xi32>], vector<16xf32>,
      %get3A_270 = arith.index_cast %scan3A_109 : i32 to index
      %get3A_271 = arith.constant 256 : index
      %get3A_272 = tpu.vector_load %arg6[%get3A_270, %get3A_271] {strides = array<i32>} : memref<32x512xf32, #tpu.memory_space<vmem>>, vector<16xf32>,
      %get3A_273 = arith.index_cast %scan3A_109 : i32 to index
      %get3A_274 = arith.constant 256 : index
      %get3A_275 = tpu.vector_load %arg7[%get3A_273, %get3A_274] {strides = array<i32>} : memref<32x512xf32, #tpu.memory_space<vmem>>, vector<16xf32>,
      %add3A_276 = arith.constant 288 : i32
      %add3A_277 = vector.broadcast %add3A_276 : i32 to vector<16xi32>
      %add3A_278 = arith.addi %add3A, %add3A_277 : vector<16xi32>
      %mul3A_279 = arith.mulf %get3A_272, %get3A_275 : vector<16xf32>
      tpu.vector_store_idx %arg8[%add3A_278], %mul3A_279 : memref<576xf32, #tpu.memory_space<vmem>>[vector<16xi32>], vector<16xf32>,
      %get3A_280 = arith.index_cast %scan3A_109 : i32 to index
      %get3A_281 = arith.constant 272 : index
      %get3A_282 = tpu.vector_load %arg6[%get3A_280, %get3A_281] {strides = array<i32>} : memref<32x512xf32, #tpu.memory_space<vmem>>, vector<16xf32>,
      %get3A_283 = arith.index_cast %scan3A_109 : i32 to index
      %get3A_284 = arith.constant 272 : index
      %get3A_285 = tpu.vector_load %arg7[%get3A_283, %get3A_284] {strides = array<i32>} : memref<32x512xf32, #tpu.memory_space<vmem>>, vector<16xf32>,
      %add3A_286 = arith.constant 306 : i32
      %add3A_287 = vector.broadcast %add3A_286 : i32 to vector<16xi32>
      %add3A_288 = arith.addi %add3A, %add3A_287 : vector<16xi32>
      %mul3A_289 = arith.mulf %get3A_282, %get3A_285 : vector<16xf32>
      tpu.vector_store_idx %arg8[%add3A_288], %mul3A_289 : memref<576xf32, #tpu.memory_space<vmem>>[vector<16xi32>], vector<16xf32>,
      %get3A_290 = arith.index_cast %scan3A_109 : i32 to index
      %get3A_291 = arith.constant 288 : index
      %get3A_292 = tpu.vector_load %arg6[%get3A_290, %get3A_291] {strides = array<i32>} : memref<32x512xf32, #tpu.memory_space<vmem>>, vector<16xf32>,
      %get3A_293 = arith.index_cast %scan3A_109 : i32 to index
      %get3A_294 = arith.constant 288 : index
      %get3A_295 = tpu.vector_load %arg7[%get3A_293, %get3A_294] {strides = array<i32>} : memref<32x512xf32, #tpu.memory_space<vmem>>, vector<16xf32>,
      %add3A_296 = arith.constant 324 : i32
      %add3A_297 = vector.broadcast %add3A_296 : i32 to vector<16xi32>
      %add3A_298 = arith.addi %add3A, %add3A_297 : vector<16xi32>
      %mul3A_299 = arith.mulf %get3A_292, %get3A_295 : vector<16xf32>
      tpu.vector_store_idx %arg8[%add3A_298], %mul3A_299 : memref<576xf32, #tpu.memory_space<vmem>>[vector<16xi32>], vector<16xf32>,
      %get3A_300 = arith.index_cast %scan3A_109 : i32 to index
      %get3A_301 = arith.constant 304 : index
      %get3A_302 = tpu.vector_load %arg6[%get3A_300, %get3A_301] {strides = array<i32>} : memref<32x512xf32, #tpu.memory_space<vmem>>, vector<16xf32>,
      %get3A_303 = arith.index_cast %scan3A_109 : i32 to index
      %get3A_304 = arith.constant 304 : index
      %get3A_305 = tpu.vector_load %arg7[%get3A_303, %get3A_304] {strides = array<i32>} : memref<32x512xf32, #tpu.memory_space<vmem>>, vector<16xf32>,
      %add3A_306 = arith.constant 342 : i32
      %add3A_307 = vector.broadcast %add3A_306 : i32 to vector<16xi32>
      %add3A_308 = arith.addi %add3A, %add3A_307 : vector<16xi32>
      %mul3A_309 = arith.mulf %get3A_302, %get3A_305 : vector<16xf32>
      tpu.vector_store_idx %arg8[%add3A_308], %mul3A_309 : memref<576xf32, #tpu.memory_space<vmem>>[vector<16xi32>], vector<16xf32>,
      %get3A_310 = arith.index_cast %scan3A_109 : i32 to index
      %get3A_311 = arith.constant 320 : index
      %get3A_312 = tpu.vector_load %arg6[%get3A_310, %get3A_311] {strides = array<i32>} : memref<32x512xf32, #tpu.memory_space<vmem>>, vector<16xf32>,
      %get3A_313 = arith.index_cast %scan3A_109 : i32 to index
      %get3A_314 = arith.constant 320 : index
      %get3A_315 = tpu.vector_load %arg7[%get3A_313, %get3A_314] {strides = array<i32>} : memref<32x512xf32, #tpu.memory_space<vmem>>, vector<16xf32>,
      %add3A_316 = arith.constant 360 : i32
      %add3A_317 = vector.broadcast %add3A_316 : i32 to vector<16xi32>
      %add3A_318 = arith.addi %add3A, %add3A_317 : vector<16xi32>
      %mul3A_319 = arith.mulf %get3A_312, %get3A_315 : vector<16xf32>
      tpu.vector_store_idx %arg8[%add3A_318], %mul3A_319 : memref<576xf32, #tpu.memory_space<vmem>>[vector<16xi32>], vector<16xf32>,
      %get3A_320 = arith.index_cast %scan3A_109 : i32 to index
      %get3A_321 = arith.constant 336 : index
      %get3A_322 = tpu.vector_load %arg6[%get3A_320, %get3A_321] {strides = array<i32>} : memref<32x512xf32, #tpu.memory_space<vmem>>, vector<16xf32>,
      %get3A_323 = arith.index_cast %scan3A_109 : i32 to index
      %get3A_324 = arith.constant 336 : index
      %get3A_325 = tpu.vector_load %arg7[%get3A_323, %get3A_324] {strides = array<i32>} : memref<32x512xf32, #tpu.memory_space<vmem>>, vector<16xf32>,
      %add3A_326 = arith.constant 378 : i32
      %add3A_327 = vector.broadcast %add3A_326 : i32 to vector<16xi32>
      %add3A_328 = arith.addi %add3A, %add3A_327 : vector<16xi32>
      %mul3A_329 = arith.mulf %get3A_322, %get3A_325 : vector<16xf32>
      tpu.vector_store_idx %arg8[%add3A_328], %mul3A_329 : memref<576xf32, #tpu.memory_space<vmem>>[vector<16xi32>], vector<16xf32>,
      %get3A_330 = arith.index_cast %scan3A_109 : i32 to index
      %get3A_331 = arith.constant 352 : index
      %get3A_332 = tpu.vector_load %arg6[%get3A_330, %get3A_331] {strides = array<i32>} : memref<32x512xf32, #tpu.memory_space<vmem>>, vector<16xf32>,
      %get3A_333 = arith.index_cast %scan3A_109 : i32 to index
      %get3A_334 = arith.constant 352 : index
      %get3A_335 = tpu.vector_load %arg7[%get3A_333, %get3A_334] {strides = array<i32>} : memref<32x512xf32, #tpu.memory_space<vmem>>, vector<16xf32>,
      %add3A_336 = arith.constant 396 : i32
      %add3A_337 = vector.broadcast %add3A_336 : i32 to vector<16xi32>
      %add3A_338 = arith.addi %add3A, %add3A_337 : vector<16xi32>
      %mul3A_339 = arith.mulf %get3A_332, %get3A_335 : vector<16xf32>
      tpu.vector_store_idx %arg8[%add3A_338], %mul3A_339 : memref<576xf32, #tpu.memory_space<vmem>>[vector<16xi32>], vector<16xf32>,
      %get3A_340 = arith.index_cast %scan3A_109 : i32 to index
      %get3A_341 = arith.constant 368 : index
      %get3A_342 = tpu.vector_load %arg6[%get3A_340, %get3A_341] {strides = array<i32>} : memref<32x512xf32, #tpu.memory_space<vmem>>, vector<16xf32>,
      %get3A_343 = arith.index_cast %scan3A_109 : i32 to index
      %get3A_344 = arith.constant 368 : index
      %get3A_345 = tpu.vector_load %arg7[%get3A_343, %get3A_344] {strides = array<i32>} : memref<32x512xf32, #tpu.memory_space<vmem>>, vector<16xf32>,
      %add3A_346 = arith.constant 414 : i32
      %add3A_347 = vector.broadcast %add3A_346 : i32 to vector<16xi32>
      %add3A_348 = arith.addi %add3A, %add3A_347 : vector<16xi32>
      %mul3A_349 = arith.mulf %get3A_342, %get3A_345 : vector<16xf32>
      tpu.vector_store_idx %arg8[%add3A_348], %mul3A_349 : memref<576xf32, #tpu.memory_space<vmem>>[vector<16xi32>], vector<16xf32>,
      %get3A_350 = arith.index_cast %scan3A_109 : i32 to index
      %get3A_351 = arith.constant 384 : index
      %get3A_352 = tpu.vector_load %arg6[%get3A_350, %get3A_351] {strides = array<i32>} : memref<32x512xf32, #tpu.memory_space<vmem>>, vector<16xf32>,
      %get3A_353 = arith.index_cast %scan3A_109 : i32 to index
      %get3A_354 = arith.constant 384 : index
      %get3A_355 = tpu.vector_load %arg7[%get3A_353, %get3A_354] {strides = array<i32>} : memref<32x512xf32, #tpu.memory_space<vmem>>, vector<16xf32>,
      %add3A_356 = arith.constant 432 : i32
      %add3A_357 = vector.broadcast %add3A_356 : i32 to vector<16xi32>
      %add3A_358 = arith.addi %add3A, %add3A_357 : vector<16xi32>
      %mul3A_359 = arith.mulf %get3A_352, %get3A_355 : vector<16xf32>
      tpu.vector_store_idx %arg8[%add3A_358], %mul3A_359 : memref<576xf32, #tpu.memory_space<vmem>>[vector<16xi32>], vector<16xf32>,
      %get3A_360 = arith.index_cast %scan3A_109 : i32 to index
      %get3A_361 = arith.constant 400 : index
      %get3A_362 = tpu.vector_load %arg6[%get3A_360, %get3A_361] {strides = array<i32>} : memref<32x512xf32, #tpu.memory_space<vmem>>, vector<16xf32>,
      %get3A_363 = arith.index_cast %scan3A_109 : i32 to index
      %get3A_364 = arith.constant 400 : index
      %get3A_365 = tpu.vector_load %arg7[%get3A_363, %get3A_364] {strides = array<i32>} : memref<32x512xf32, #tpu.memory_space<vmem>>, vector<16xf32>,
      %add3A_366 = arith.constant 450 : i32
      %add3A_367 = vector.broadcast %add3A_366 : i32 to vector<16xi32>
      %add3A_368 = arith.addi %add3A, %add3A_367 : vector<16xi32>
      %mul3A_369 = arith.mulf %get3A_362, %get3A_365 : vector<16xf32>
      tpu.vector_store_idx %arg8[%add3A_368], %mul3A_369 : memref<576xf32, #tpu.memory_space<vmem>>[vector<16xi32>], vector<16xf32>,
      %get3A_370 = arith.index_cast %scan3A_109 : i32 to index
      %get3A_371 = arith.constant 416 : index
      %get3A_372 = tpu.vector_load %arg6[%get3A_370, %get3A_371] {strides = array<i32>} : memref<32x512xf32, #tpu.memory_space<vmem>>, vector<16xf32>,
      %get3A_373 = arith.index_cast %scan3A_109 : i32 to index
      %get3A_374 = arith.constant 416 : index
      %get3A_375 = tpu.vector_load %arg7[%get3A_373, %get3A_374] {strides = array<i32>} : memref<32x512xf32, #tpu.memory_space<vmem>>, vector<16xf32>,
      %add3A_376 = arith.constant 468 : i32
      %add3A_377 = vector.broadcast %add3A_376 : i32 to vector<16xi32>
      %add3A_378 = arith.addi %add3A, %add3A_377 : vector<16xi32>
      %mul3A_379 = arith.mulf %get3A_372, %get3A_375 : vector<16xf32>
      tpu.vector_store_idx %arg8[%add3A_378], %mul3A_379 : memref<576xf32, #tpu.memory_space<vmem>>[vector<16xi32>], vector<16xf32>,
      %get3A_380 = arith.index_cast %scan3A_109 : i32 to index
      %get3A_381 = arith.constant 432 : index
      %get3A_382 = tpu.vector_load %arg6[%get3A_380, %get3A_381] {strides = array<i32>} : memref<32x512xf32, #tpu.memory_space<vmem>>, vector<16xf32>,
      %get3A_383 = arith.index_cast %scan3A_109 : i32 to index
      %get3A_384 = arith.constant 432 : index
      %get3A_385 = tpu.vector_load %arg7[%get3A_383, %get3A_384] {strides = array<i32>} : memref<32x512xf32, #tpu.memory_space<vmem>>, vector<16xf32>,
      %add3A_386 = arith.constant 486 : i32
      %add3A_387 = vector.broadcast %add3A_386 : i32 to vector<16xi32>
      %add3A_388 = arith.addi %add3A, %add3A_387 : vector<16xi32>
      %mul3A_389 = arith.mulf %get3A_382, %get3A_385 : vector<16xf32>
      tpu.vector_store_idx %arg8[%add3A_388], %mul3A_389 : memref<576xf32, #tpu.memory_space<vmem>>[vector<16xi32>], vector<16xf32>,
      %get3A_390 = arith.index_cast %scan3A_109 : i32 to index
      %get3A_391 = arith.constant 448 : index
      %get3A_392 = tpu.vector_load %arg6[%get3A_390, %get3A_391] {strides = array<i32>} : memref<32x512xf32, #tpu.memory_space<vmem>>, vector<16xf32>,
      %get3A_393 = arith.index_cast %scan3A_109 : i32 to index
      %get3A_394 = arith.constant 448 : index
      %get3A_395 = tpu.vector_load %arg7[%get3A_393, %get3A_394] {strides = array<i32>} : memref<32x512xf32, #tpu.memory_space<vmem>>, vector<16xf32>,
      %add3A_396 = arith.constant 504 : i32
      %add3A_397 = vector.broadcast %add3A_396 : i32 to vector<16xi32>
      %add3A_398 = arith.addi %add3A, %add3A_397 : vector<16xi32>
      %mul3A_399 = arith.mulf %get3A_392, %get3A_395 : vector<16xf32>
      tpu.vector_store_idx %arg8[%add3A_398], %mul3A_399 : memref<576xf32, #tpu.memory_space<vmem>>[vector<16xi32>], vector<16xf32>,
      %get3A_400 = arith.index_cast %scan3A_109 : i32 to index
      %get3A_401 = arith.constant 464 : index
      %get3A_402 = tpu.vector_load %arg6[%get3A_400, %get3A_401] {strides = array<i32>} : memref<32x512xf32, #tpu.memory_space<vmem>>, vector<16xf32>,
      %get3A_403 = arith.index_cast %scan3A_109 : i32 to index
      %get3A_404 = arith.constant 464 : index
      %get3A_405 = tpu.vector_load %arg7[%get3A_403, %get3A_404] {strides = array<i32>} : memref<32x512xf32, #tpu.memory_space<vmem>>, vector<16xf32>,
      %add3A_406 = arith.constant 522 : i32
      %add3A_407 = vector.broadcast %add3A_406 : i32 to vector<16xi32>
      %add3A_408 = arith.addi %add3A, %add3A_407 : vector<16xi32>
      %mul3A_409 = arith.mulf %get3A_402, %get3A_405 : vector<16xf32>
      tpu.vector_store_idx %arg8[%add3A_408], %mul3A_409 : memref<576xf32, #tpu.memory_space<vmem>>[vector<16xi32>], vector<16xf32>,
      %get3A_410 = arith.index_cast %scan3A_109 : i32 to index
      %get3A_411 = arith.constant 480 : index
      %get3A_412 = tpu.vector_load %arg6[%get3A_410, %get3A_411] {strides = array<i32>} : memref<32x512xf32, #tpu.memory_space<vmem>>, vector<16xf32>,
      %get3A_413 = arith.index_cast %scan3A_109 : i32 to index
      %get3A_414 = arith.constant 480 : index
      %get3A_415 = tpu.vector_load %arg7[%get3A_413, %get3A_414] {strides = array<i32>} : memref<32x512xf32, #tpu.memory_space<vmem>>, vector<16xf32>,
      %add3A_416 = arith.constant 540 : i32
      %add3A_417 = vector.broadcast %add3A_416 : i32 to vector<16xi32>
      %add3A_418 = arith.addi %add3A, %add3A_417 : vector<16xi32>
      %mul3A_419 = arith.mulf %get3A_412, %get3A_415 : vector<16xf32>
      tpu.vector_store_idx %arg8[%add3A_418], %mul3A_419 : memref<576xf32, #tpu.memory_space<vmem>>[vector<16xi32>], vector<16xf32>,
      %get3A_420 = arith.index_cast %scan3A_109 : i32 to index
      %get3A_421 = arith.constant 496 : index
      %get3A_422 = tpu.vector_load %arg6[%get3A_420, %get3A_421] {strides = array<i32>} : memref<32x512xf32, #tpu.memory_space<vmem>>, vector<16xf32>,
      %get3A_423 = arith.index_cast %scan3A_109 : i32 to index
      %get3A_424 = arith.constant 496 : index
      %get3A_425 = tpu.vector_load %arg7[%get3A_423, %get3A_424] {strides = array<i32>} : memref<32x512xf32, #tpu.memory_space<vmem>>, vector<16xf32>,
      %add3A_426 = arith.constant 558 : i32
      %add3A_427 = vector.broadcast %add3A_426 : i32 to vector<16xi32>
      %add3A_428 = arith.addi %add3A, %add3A_427 : vector<16xi32>
      %mul3A_429 = arith.mulf %get3A_422, %get3A_425 : vector<16xf32>
      tpu.vector_store_idx %arg8[%add3A_428], %mul3A_429 : memref<576xf32, #tpu.memory_space<vmem>>[vector<16xi32>], vector<16xf32>,
      %mul3A_430 = arith.constant 9 : i32
      %mul3A_431 = vector.broadcast %mul3A_430 : i32 to vector<16xi32>
      %mul3A_432 = arith.muli %mul3A_431, %iota3A : vector<16xi32>
      %add3A_433 = arith.constant 0 : i32
      %add3A_434 = vector.broadcast %add3A_433 : i32 to vector<16xi32>
      %add3A_435 = arith.addi %add3A_434, %mul3A_432 : vector<16xi32>
      %gather3A = tpu.vector_load_idx %arg8[%add3A_435] : memref<576xf32, #tpu.memory_space<vmem>>[vector<16xi32>], vector<16xf32>,
      %add3A_436 = arith.constant 1 : i32
      %add3A_437 = vector.broadcast %add3A_436 : i32 to vector<16xi32>
      %add3A_438 = arith.addi %add3A_435, %add3A_437 : vector<16xi32>
      %gather3A_439 = tpu.vector_load_idx %arg8[%add3A_438] : memref<576xf32, #tpu.memory_space<vmem>>[vector<16xi32>], vector<16xf32>,
      %max3A = arith.maximumf %gather3A, %gather3A_439 : vector<16xf32>
      %add3A_440 = arith.constant 2 : i32
      %add3A_441 = vector.broadcast %add3A_440 : i32 to vector<16xi32>
      %add3A_442 = arith.addi %add3A_435, %add3A_441 : vector<16xi32>
      %gather3A_443 = tpu.vector_load_idx %arg8[%add3A_442] : memref<576xf32, #tpu.memory_space<vmem>>[vector<16xi32>], vector<16xf32>,
      %max3A_444 = arith.maximumf %max3A, %gather3A_443 : vector<16xf32>
      %add3A_445 = arith.constant 3 : i32
      %add3A_446 = vector.broadcast %add3A_445 : i32 to vector<16xi32>
      %add3A_447 = arith.addi %add3A_435, %add3A_446 : vector<16xi32>
      %gather3A_448 = tpu.vector_load_idx %arg8[%add3A_447] : memref<576xf32, #tpu.memory_space<vmem>>[vector<16xi32>], vector<16xf32>,
      %max3A_449 = arith.maximumf %max3A_444, %gather3A_448 : vector<16xf32>
      %add3A_450 = arith.constant 4 : i32
      %add3A_451 = vector.broadcast %add3A_450 : i32 to vector<16xi32>
      %add3A_452 = arith.addi %add3A_435, %add3A_451 : vector<16xi32>
      %gather3A_453 = tpu.vector_load_idx %arg8[%add3A_452] : memref<576xf32, #tpu.memory_space<vmem>>[vector<16xi32>], vector<16xf32>,
      %max3A_454 = arith.maximumf %max3A_449, %gather3A_453 : vector<16xf32>
      %add3A_455 = arith.constant 5 : i32
      %add3A_456 = vector.broadcast %add3A_455 : i32 to vector<16xi32>
      %add3A_457 = arith.addi %add3A_435, %add3A_456 : vector<16xi32>
      %gather3A_458 = tpu.vector_load_idx %arg8[%add3A_457] : memref<576xf32, #tpu.memory_space<vmem>>[vector<16xi32>], vector<16xf32>,
      %max3A_459 = arith.maximumf %max3A_454, %gather3A_458 : vector<16xf32>
      %add3A_460 = arith.constant 6 : i32
      %add3A_461 = vector.broadcast %add3A_460 : i32 to vector<16xi32>
      %add3A_462 = arith.addi %add3A_435, %add3A_461 : vector<16xi32>
      %gather3A_463 = tpu.vector_load_idx %arg8[%add3A_462] : memref<576xf32, #tpu.memory_space<vmem>>[vector<16xi32>], vector<16xf32>,
      %max3A_464 = arith.maximumf %max3A_459, %gather3A_463 : vector<16xf32>
      %add3A_465 = arith.constant 7 : i32
      %add3A_466 = vector.broadcast %add3A_465 : i32 to vector<16xi32>
      %add3A_467 = arith.addi %add3A_435, %add3A_466 : vector<16xi32>
      %gather3A_468 = tpu.vector_load_idx %arg8[%add3A_467] : memref<576xf32, #tpu.memory_space<vmem>>[vector<16xi32>], vector<16xf32>,
      %max3A_469 = arith.maximumf %max3A_464, %gather3A_468 : vector<16xf32>
      %swap3A = arith.constant 0 : i32
      %swap3A_470 = arith.index_cast %swap3A : i32 to index
      %swap3A_471 = arith.index_cast %scan3A_109 : i32 to index
      %swap3A_472 = arith.constant 0 : index
      %swap3A_473 = tpu.vector_load %arg10[%swap3A_470, %swap3A_471, %swap3A_472] {strides = array<i32>} : memref<1x32x64xf32, #tpu.memory_space<vmem>>, vector<16xf32>,
      tpu.vector_store %arg10[%swap3A_470, %swap3A_471, %swap3A_472], %max3A_469 {strides = array<i32>} : memref<1x32x64xf32, #tpu.memory_space<vmem>>, vector<16xf32>,
      %mul3A_474 = arith.constant 9 : i32
      %mul3A_475 = vector.broadcast %mul3A_474 : i32 to vector<16xi32>
      %mul3A_476 = arith.muli %mul3A_475, %iota3A : vector<16xi32>
      %add3A_477 = arith.constant 144 : i32
      %add3A_478 = vector.broadcast %add3A_477 : i32 to vector<16xi32>
      %add3A_479 = arith.addi %add3A_478, %mul3A_476 : vector<16xi32>
      %gather3A_480 = tpu.vector_load_idx %arg8[%add3A_479] : memref<576xf32, #tpu.memory_space<vmem>>[vector<16xi32>], vector<16xf32>,
      %add3A_481 = arith.constant 1 : i32
      %add3A_482 = vector.broadcast %add3A_481 : i32 to vector<16xi32>
      %add3A_483 = arith.addi %add3A_479, %add3A_482 : vector<16xi32>
      %gather3A_484 = tpu.vector_load_idx %arg8[%add3A_483] : memref<576xf32, #tpu.memory_space<vmem>>[vector<16xi32>], vector<16xf32>,
      %max3A_485 = arith.maximumf %gather3A_480, %gather3A_484 : vector<16xf32>
      %add3A_486 = arith.constant 2 : i32
      %add3A_487 = vector.broadcast %add3A_486 : i32 to vector<16xi32>
      %add3A_488 = arith.addi %add3A_479, %add3A_487 : vector<16xi32>
      %gather3A_489 = tpu.vector_load_idx %arg8[%add3A_488] : memref<576xf32, #tpu.memory_space<vmem>>[vector<16xi32>], vector<16xf32>,
      %max3A_490 = arith.maximumf %max3A_485, %gather3A_489 : vector<16xf32>
      %add3A_491 = arith.constant 3 : i32
      %add3A_492 = vector.broadcast %add3A_491 : i32 to vector<16xi32>
      %add3A_493 = arith.addi %add3A_479, %add3A_492 : vector<16xi32>
      %gather3A_494 = tpu.vector_load_idx %arg8[%add3A_493] : memref<576xf32, #tpu.memory_space<vmem>>[vector<16xi32>], vector<16xf32>,
      %max3A_495 = arith.maximumf %max3A_490, %gather3A_494 : vector<16xf32>
      %add3A_496 = arith.constant 4 : i32
      %add3A_497 = vector.broadcast %add3A_496 : i32 to vector<16xi32>
      %add3A_498 = arith.addi %add3A_479, %add3A_497 : vector<16xi32>
      %gather3A_499 = tpu.vector_load_idx %arg8[%add3A_498] : memref<576xf32, #tpu.memory_space<vmem>>[vector<16xi32>], vector<16xf32>,
      %max3A_500 = arith.maximumf %max3A_495, %gather3A_499 : vector<16xf32>
      %add3A_501 = arith.constant 5 : i32
      %add3A_502 = vector.broadcast %add3A_501 : i32 to vector<16xi32>
      %add3A_503 = arith.addi %add3A_479, %add3A_502 : vector<16xi32>
      %gather3A_504 = tpu.vector_load_idx %arg8[%add3A_503] : memref<576xf32, #tpu.memory_space<vmem>>[vector<16xi32>], vector<16xf32>,
      %max3A_505 = arith.maximumf %max3A_500, %gather3A_504 : vector<16xf32>
      %add3A_506 = arith.constant 6 : i32
      %add3A_507 = vector.broadcast %add3A_506 : i32 to vector<16xi32>
      %add3A_508 = arith.addi %add3A_479, %add3A_507 : vector<16xi32>
      %gather3A_509 = tpu.vector_load_idx %arg8[%add3A_508] : memref<576xf32, #tpu.memory_space<vmem>>[vector<16xi32>], vector<16xf32>,
      %max3A_510 = arith.maximumf %max3A_505, %gather3A_509 : vector<16xf32>
      %add3A_511 = arith.constant 7 : i32
      %add3A_512 = vector.broadcast %add3A_511 : i32 to vector<16xi32>
      %add3A_513 = arith.addi %add3A_479, %add3A_512 : vector<16xi32>
      %gather3A_514 = tpu.vector_load_idx %arg8[%add3A_513] : memref<576xf32, #tpu.memory_space<vmem>>[vector<16xi32>], vector<16xf32>,
      %max3A_515 = arith.maximumf %max3A_510, %gather3A_514 : vector<16xf32>
      %swap3A_516 = arith.constant 0 : i32
      %swap3A_517 = arith.index_cast %swap3A_516 : i32 to index
      %swap3A_518 = arith.index_cast %scan3A_109 : i32 to index
      %swap3A_519 = arith.constant 16 : index
      %swap3A_520 = tpu.vector_load %arg10[%swap3A_517, %swap3A_518, %swap3A_519] {strides = array<i32>} : memref<1x32x64xf32, #tpu.memory_space<vmem>>, vector<16xf32>,
      tpu.vector_store %arg10[%swap3A_517, %swap3A_518, %swap3A_519], %max3A_515 {strides = array<i32>} : memref<1x32x64xf32, #tpu.memory_space<vmem>>, vector<16xf32>,
      %mul3A_521 = arith.constant 9 : i32
      %mul3A_522 = vector.broadcast %mul3A_521 : i32 to vector<16xi32>
      %mul3A_523 = arith.muli %mul3A_522, %iota3A : vector<16xi32>
      %add3A_524 = arith.constant 288 : i32
      %add3A_525 = vector.broadcast %add3A_524 : i32 to vector<16xi32>
      %add3A_526 = arith.addi %add3A_525, %mul3A_523 : vector<16xi32>
      %gather3A_527 = tpu.vector_load_idx %arg8[%add3A_526] : memref<576xf32, #tpu.memory_space<vmem>>[vector<16xi32>], vector<16xf32>,
      %add3A_528 = arith.constant 1 : i32
      %add3A_529 = vector.broadcast %add3A_528 : i32 to vector<16xi32>
      %add3A_530 = arith.addi %add3A_526, %add3A_529 : vector<16xi32>
      %gather3A_531 = tpu.vector_load_idx %arg8[%add3A_530] : memref<576xf32, #tpu.memory_space<vmem>>[vector<16xi32>], vector<16xf32>,
      %max3A_532 = arith.maximumf %gather3A_527, %gather3A_531 : vector<16xf32>
      %add3A_533 = arith.constant 2 : i32
      %add3A_534 = vector.broadcast %add3A_533 : i32 to vector<16xi32>
      %add3A_535 = arith.addi %add3A_526, %add3A_534 : vector<16xi32>
      %gather3A_536 = tpu.vector_load_idx %arg8[%add3A_535] : memref<576xf32, #tpu.memory_space<vmem>>[vector<16xi32>], vector<16xf32>,
      %max3A_537 = arith.maximumf %max3A_532, %gather3A_536 : vector<16xf32>
      %add3A_538 = arith.constant 3 : i32
      %add3A_539 = vector.broadcast %add3A_538 : i32 to vector<16xi32>
      %add3A_540 = arith.addi %add3A_526, %add3A_539 : vector<16xi32>
      %gather3A_541 = tpu.vector_load_idx %arg8[%add3A_540] : memref<576xf32, #tpu.memory_space<vmem>>[vector<16xi32>], vector<16xf32>,
      %max3A_542 = arith.maximumf %max3A_537, %gather3A_541 : vector<16xf32>
      %add3A_543 = arith.constant 4 : i32
      %add3A_544 = vector.broadcast %add3A_543 : i32 to vector<16xi32>
      %add3A_545 = arith.addi %add3A_526, %add3A_544 : vector<16xi32>
      %gather3A_546 = tpu.vector_load_idx %arg8[%add3A_545] : memref<576xf32, #tpu.memory_space<vmem>>[vector<16xi32>], vector<16xf32>,
      %max3A_547 = arith.maximumf %max3A_542, %gather3A_546 : vector<16xf32>
      %add3A_548 = arith.constant 5 : i32
      %add3A_549 = vector.broadcast %add3A_548 : i32 to vector<16xi32>
      %add3A_550 = arith.addi %add3A_526, %add3A_549 : vector<16xi32>
      %gather3A_551 = tpu.vector_load_idx %arg8[%add3A_550] : memref<576xf32, #tpu.memory_space<vmem>>[vector<16xi32>], vector<16xf32>,
      %max3A_552 = arith.maximumf %max3A_547, %gather3A_551 : vector<16xf32>
      %add3A_553 = arith.constant 6 : i32
      %add3A_554 = vector.broadcast %add3A_553 : i32 to vector<16xi32>
      %add3A_555 = arith.addi %add3A_526, %add3A_554 : vector<16xi32>
      %gather3A_556 = tpu.vector_load_idx %arg8[%add3A_555] : memref<576xf32, #tpu.memory_space<vmem>>[vector<16xi32>], vector<16xf32>,
      %max3A_557 = arith.maximumf %max3A_552, %gather3A_556 : vector<16xf32>
      %add3A_558 = arith.constant 7 : i32
      %add3A_559 = vector.broadcast %add3A_558 : i32 to vector<16xi32>
      %add3A_560 = arith.addi %add3A_526, %add3A_559 : vector<16xi32>
      %gather3A_561 = tpu.vector_load_idx %arg8[%add3A_560] : memref<576xf32, #tpu.memory_space<vmem>>[vector<16xi32>], vector<16xf32>,
      %max3A_562 = arith.maximumf %max3A_557, %gather3A_561 : vector<16xf32>
      %swap3A_563 = arith.constant 0 : i32
      %swap3A_564 = arith.index_cast %swap3A_563 : i32 to index
      %swap3A_565 = arith.index_cast %scan3A_109 : i32 to index
      %swap3A_566 = arith.constant 32 : index
      %swap3A_567 = tpu.vector_load %arg10[%swap3A_564, %swap3A_565, %swap3A_566] {strides = array<i32>} : memref<1x32x64xf32, #tpu.memory_space<vmem>>, vector<16xf32>,
      tpu.vector_store %arg10[%swap3A_564, %swap3A_565, %swap3A_566], %max3A_562 {strides = array<i32>} : memref<1x32x64xf32, #tpu.memory_space<vmem>>, vector<16xf32>,
      %mul3A_568 = arith.constant 9 : i32
      %mul3A_569 = vector.broadcast %mul3A_568 : i32 to vector<16xi32>
      %mul3A_570 = arith.muli %mul3A_569, %iota3A : vector<16xi32>
      %add3A_571 = arith.constant 432 : i32
      %add3A_572 = vector.broadcast %add3A_571 : i32 to vector<16xi32>
      %add3A_573 = arith.addi %add3A_572, %mul3A_570 : vector<16xi32>
      %gather3A_574 = tpu.vector_load_idx %arg8[%add3A_573] : memref<576xf32, #tpu.memory_space<vmem>>[vector<16xi32>], vector<16xf32>,
      %add3A_575 = arith.constant 1 : i32
      %add3A_576 = vector.broadcast %add3A_575 : i32 to vector<16xi32>
      %add3A_577 = arith.addi %add3A_573, %add3A_576 : vector<16xi32>
      %gather3A_578 = tpu.vector_load_idx %arg8[%add3A_577] : memref<576xf32, #tpu.memory_space<vmem>>[vector<16xi32>], vector<16xf32>,
      %max3A_579 = arith.maximumf %gather3A_574, %gather3A_578 : vector<16xf32>
      %add3A_580 = arith.constant 2 : i32
      %add3A_581 = vector.broadcast %add3A_580 : i32 to vector<16xi32>
      %add3A_582 = arith.addi %add3A_573, %add3A_581 : vector<16xi32>
      %gather3A_583 = tpu.vector_load_idx %arg8[%add3A_582] : memref<576xf32, #tpu.memory_space<vmem>>[vector<16xi32>], vector<16xf32>,
      %max3A_584 = arith.maximumf %max3A_579, %gather3A_583 : vector<16xf32>
      %add3A_585 = arith.constant 3 : i32
      %add3A_586 = vector.broadcast %add3A_585 : i32 to vector<16xi32>
      %add3A_587 = arith.addi %add3A_573, %add3A_586 : vector<16xi32>
      %gather3A_588 = tpu.vector_load_idx %arg8[%add3A_587] : memref<576xf32, #tpu.memory_space<vmem>>[vector<16xi32>], vector<16xf32>,
      %max3A_589 = arith.maximumf %max3A_584, %gather3A_588 : vector<16xf32>
      %add3A_590 = arith.constant 4 : i32
      %add3A_591 = vector.broadcast %add3A_590 : i32 to vector<16xi32>
      %add3A_592 = arith.addi %add3A_573, %add3A_591 : vector<16xi32>
      %gather3A_593 = tpu.vector_load_idx %arg8[%add3A_592] : memref<576xf32, #tpu.memory_space<vmem>>[vector<16xi32>], vector<16xf32>,
      %max3A_594 = arith.maximumf %max3A_589, %gather3A_593 : vector<16xf32>
      %add3A_595 = arith.constant 5 : i32
      %add3A_596 = vector.broadcast %add3A_595 : i32 to vector<16xi32>
      %add3A_597 = arith.addi %add3A_573, %add3A_596 : vector<16xi32>
      %gather3A_598 = tpu.vector_load_idx %arg8[%add3A_597] : memref<576xf32, #tpu.memory_space<vmem>>[vector<16xi32>], vector<16xf32>,
      %max3A_599 = arith.maximumf %max3A_594, %gather3A_598 : vector<16xf32>
      %add3A_600 = arith.constant 6 : i32
      %add3A_601 = vector.broadcast %add3A_600 : i32 to vector<16xi32>
      %add3A_602 = arith.addi %add3A_573, %add3A_601 : vector<16xi32>
      %gather3A_603 = tpu.vector_load_idx %arg8[%add3A_602] : memref<576xf32, #tpu.memory_space<vmem>>[vector<16xi32>], vector<16xf32>,
      %max3A_604 = arith.maximumf %max3A_599, %gather3A_603 : vector<16xf32>
      %add3A_605 = arith.constant 7 : i32
      %add3A_606 = vector.broadcast %add3A_605 : i32 to vector<16xi32>
      %add3A_607 = arith.addi %add3A_573, %add3A_606 : vector<16xi32>
      %gather3A_608 = tpu.vector_load_idx %arg8[%add3A_607] : memref<576xf32, #tpu.memory_space<vmem>>[vector<16xi32>], vector<16xf32>,
      %max3A_609 = arith.maximumf %max3A_604, %gather3A_608 : vector<16xf32>
      %swap3A_610 = arith.constant 0 : i32
      %swap3A_611 = arith.index_cast %swap3A_610 : i32 to index
      %swap3A_612 = arith.index_cast %scan3A_109 : i32 to index
      %swap3A_613 = arith.constant 48 : index
      %swap3A_614 = tpu.vector_load %arg10[%swap3A_611, %swap3A_612, %swap3A_613] {strides = array<i32>} : memref<1x32x64xf32, #tpu.memory_space<vmem>>, vector<16xf32>,
      tpu.vector_store %arg10[%swap3A_611, %swap3A_612, %swap3A_613], %max3A_609 {strides = array<i32>} : memref<1x32x64xf32, #tpu.memory_space<vmem>>, vector<16xf32>,
      %scan3A_615 = arith.constant 0 : i32
      scf.yield %scan3A_615 : i32
    }
    %scan3A_86 = arith.constant 32 : i32
    %mul3A_87 = arith.constant 2 : i32
    %mul3A_88 = arith.muli %arg1, %mul3A_87 : i32
    %add3A_89 = arith.constant 1 : i32
    %add3A_90 = arith.addi %mul3A_88, %add3A_89 : i32
    %dma_start3A_91 = arith.constant 0 : i32
    %dma_start3A_92 = arith.constant 0 : i32
    %dma_start3A_93 = tpu.memref_slice %arg4[%add3A_90, %dma_start3A_91, %dma_start3A_92] : memref<32x32x64xf32, #tpu.memory_space<hbm>> -> memref<1x32x64xf32, #tpu.memory_space<hbm>>
    %dma_start3A_94 = arith.constant 0 : i32
    %dma_start3A_95 = arith.constant 0 : i32
    %dma_start3A_96 = tpu.memref_slice %arg4[%add3A_90, %dma_start3A_94, %dma_start3A_95] : memref<32x32x64xf32, #tpu.memory_space<hbm>> -> memref<1x32x64xf32, #tpu.memory_space<hbm>>
    tpu.enqueue_dma source(%arg10 : memref<1x32x64xf32, #tpu.memory_space<vmem>>) target(%dma_start3A_96 : memref<1x32x64xf32, #tpu.memory_space<hbm>>) target_semaphore(%arg13 : memref<!tpu.dma_semaphore, #tpu.memory_space<semaphore_mem>>)
    %dma_wait3A_97 = arith.constant 0 : i32
    %dma_wait3A_98 = arith.constant 0 : i32
    %dma_wait3A_99 = tpu.memref_slice %arg4[%add3A_65, %dma_wait3A_97, %dma_wait3A_98] : memref<32x32x64xf32, #tpu.memory_space<hbm>> -> memref<1x32x64xf32, #tpu.memory_space<hbm>>
    %dma_wait3A_100 = arith.constant 0 : i32
    %dma_wait3A_101 = arith.constant 0 : i32
    %dma_wait3A_102 = tpu.memref_slice %arg4[%add3A_65, %dma_wait3A_100, %dma_wait3A_101] : memref<32x32x64xf32, #tpu.memory_space<hbm>> -> memref<1x32x64xf32, #tpu.memory_space<hbm>>
    tpu.wait_dma2 semaphore(%arg13 : memref<!tpu.dma_semaphore, #tpu.memory_space<semaphore_mem>>) src(%arg9 : memref<1x32x64xf32, #tpu.memory_space<vmem>>) dst(%dma_wait3A_102 : memref<1x32x64xf32, #tpu.memory_space<hbm>>)
    %dma_wait3A_103 = arith.constant 0 : i32
    %dma_wait3A_104 = arith.constant 0 : i32
    %dma_wait3A_105 = tpu.memref_slice %arg4[%add3A_90, %dma_wait3A_103, %dma_wait3A_104] : memref<32x32x64xf32, #tpu.memory_space<hbm>> -> memref<1x32x64xf32, #tpu.memory_space<hbm>>
    %dma_wait3A_106 = arith.constant 0 : i32
    %dma_wait3A_107 = arith.constant 0 : i32
    %dma_wait3A_108 = tpu.memref_slice %arg4[%add3A_90, %dma_wait3A_106, %dma_wait3A_107] : memref<32x32x64xf32, #tpu.memory_space<hbm>> -> memref<1x32x64xf32, #tpu.memory_space<hbm>>
    tpu.wait_dma2 semaphore(%arg13 : memref<!tpu.dma_semaphore, #tpu.memory_space<semaphore_mem>>) src(%arg10 : memref<1x32x64xf32, #tpu.memory_space<vmem>>) dst(%dma_wait3A_108 : memref<1x32x64xf32, #tpu.memory_space<hbm>>)
    return
  }
}

module attributes {stable_mosaic.version = 14 : i64} {
  func.func @_mm_kernel(%arg0: memref<32x32x64xf32, #tpu.memory_space<vmem>>, %arg1: memref<32x64xf32, #tpu.memory_space<vmem>>, %arg2: memref<64x64xf32, #tpu.memory_space<vmem>>, %arg3: memref<32x64x64xf32, #tpu.memory_space<vmem>>) attributes {dimension_semantics = [], scalar_prefetch = 0 : i64, scratch_operands = 0 : i64, tpu.core_type = #tpu.core_type<tc>} {
    %get3A = arith.constant 0 : index
    %get3A_0 = arith.constant 0 : index
    %get3A_1 = arith.constant 0 : index
    %get3A_2 = vector.load %arg0[%get3A, %get3A_0, %get3A_1] : memref<32x32x64xf32, #tpu.memory_space<vmem>>, vector<32x32x64xf32>
    %get3A_3 = arith.constant 0 : index
    %get3A_4 = arith.constant 0 : index
    %get3A_5 = vector.load %arg1[%get3A_3, %get3A_4] : memref<32x64xf32, #tpu.memory_space<vmem>>, vector<32x64xf32>
    %get3A_6 = arith.constant 0 : index
    %get3A_7 = arith.constant 0 : index
    %get3A_8 = vector.load %arg2[%get3A_6, %get3A_7] : memref<64x64xf32, #tpu.memory_space<vmem>>, vector<64x64xf32>
    %dot_general3A = arith.constant dense<0.000000e+00> : vector<32x64x64xf32>
    %dot_general3A_9 = tpu.matmul %get3A_2, %get3A_5, %dot_general3A {dimension_numbers = #tpu.dot_dimension_numbers<[1], [0], [0, 2], [1], [0, 0, 0, 2, 1, 1], [], []>, transpose_lhs_hint = false} : vector<32x32x64xf32>, vector<32x64xf32>, vector<32x64x64xf32> -> vector<32x64x64xf32>
    %transpose3A = tpu.transpose %dot_general3A_9, [0, 2, 1] : vector<32x64x64xf32> -> vector<32x64x64xf32>
    %broadcast_in_dim3A = vector.shape_cast %get3A_8 : vector<64x64xf32> to vector<1x64x64xf32>
    %add3A = vector.broadcast %broadcast_in_dim3A : vector<1x64x64xf32> to vector<32x64x64xf32>
    %add3A_10 = arith.addf %transpose3A, %add3A : vector<32x64x64xf32>
    %swap3A = arith.constant 0 : index
    %swap3A_11 = arith.constant 0 : index
    %swap3A_12 = arith.constant 0 : index
    %swap3A_13 = vector.load %arg3[%swap3A, %swap3A_11, %swap3A_12] : memref<32x64x64xf32, #tpu.memory_space<vmem>>, vector<32x64x64xf32>
    tpu.vector_store %arg3[%swap3A, %swap3A_11, %swap3A_12], %add3A_10 {strides = array<i32>} : memref<32x64x64xf32, #tpu.memory_space<vmem>>, vector<32x64x64xf32>,
    return
  }
}

module attributes {stable_mosaic.version = 14 : i64} {
  func.func @_tc_kernel(%arg0: i32, %arg1: memref<16x32x512xf32, #tpu.memory_space<vmem>>, %arg2: memref<16x32x512xf32, #tpu.memory_space<vmem>>, %arg3: memref<32x512xf32, #tpu.memory_space<vmem>>, %arg4: memref<32x64xf32, #tpu.memory_space<vmem>>, %arg5: memref<64x64xf32, #tpu.memory_space<vmem>>, %arg6: memref<32x64x64xf32, #tpu.memory_space<vmem>>) attributes {dimension_semantics = [#tpu.dimension_semantics<arbitrary>], iteration_bounds = array<i64: 3>, scalar_prefetch = 0 : i64, scratch_operands = 0 : i64, tpu.core_type = #tpu.core_type<tc>, window_params = [{transform_indices = @transform_0, window_bounds = array<i64: 16, 32, 512>}, {transform_indices = @transform_1, window_bounds = array<i64: 16, 32, 512>}, {transform_indices = @transform_2, window_bounds = array<i64: 32, 512>}, {pipeline_mode = #tpu.pipeline_mode<synchronous>, transform_indices = @transform_3, window_bounds = array<i64: 32, 64>}, {pipeline_mode = #tpu.pipeline_mode<synchronous>, transform_indices = @transform_4, window_bounds = array<i64: 64, 64>}, {transform_indices = @transform_5, window_bounds = array<i64: 32, 64, 64>}]} {
    %get3A = arith.constant 0 : index
    %get3A_0 = arith.constant 0 : index
    %get3A_1 = vector.load %arg3[%get3A, %get3A_0] : memref<32x512xf32, #tpu.memory_space<vmem>>, vector<32x512xf32>
    %get3A_2 = arith.constant 0 : index
    %get3A_3 = arith.constant 0 : index
    %get3A_4 = arith.constant 0 : index
    %get3A_5 = vector.load %arg1[%get3A_2, %get3A_3, %get3A_4] : memref<16x32x512xf32, #tpu.memory_space<vmem>>, vector<16x32x512xf32>
    %broadcast_in_dim3A = vector.shape_cast %get3A_1 : vector<32x512xf32> to vector<1x32x512xf32>
    %mul3A = vector.broadcast %broadcast_in_dim3A : vector<1x32x512xf32> to vector<16x32x512xf32>
    %mul3A_6 = arith.mulf %get3A_5, %mul3A : vector<16x32x512xf32>
    %roll3A = arith.constant 511 : i32
    %roll3A_7 = tpu.dynamic_rotate %mul3A_6 by %roll3A dim 2 : vector<16x32x512xf32>, i32 -> vector<16x32x512xf32>
    %max3A = arith.maximumf %mul3A_6, %roll3A_7 : vector<16x32x512xf32>
    %roll3A_8 = arith.constant 510 : i32
    %roll3A_9 = tpu.dynamic_rotate %max3A by %roll3A_8 dim 2 : vector<16x32x512xf32>, i32 -> vector<16x32x512xf32>
    %max3A_10 = arith.maximumf %max3A, %roll3A_9 : vector<16x32x512xf32>
    %roll3A_11 = arith.constant 508 : i32
    %roll3A_12 = tpu.dynamic_rotate %max3A_10 by %roll3A_11 dim 2 : vector<16x32x512xf32>, i32 -> vector<16x32x512xf32>
    %max3A_13 = arith.maximumf %max3A_10, %roll3A_12 : vector<16x32x512xf32>
    %get3A_14 = arith.constant 0 : index
    %get3A_15 = arith.constant 0 : index
    %get3A_16 = arith.constant 0 : index
    %get3A_17 = vector.load %arg2[%get3A_14, %get3A_15, %get3A_16] : memref<16x32x512xf32, #tpu.memory_space<vmem>>, vector<16x32x512xf32>
    %broadcast_in_dim3A_18 = vector.shape_cast %get3A_1 : vector<32x512xf32> to vector<1x32x512xf32>
    %mul3A_19 = vector.broadcast %broadcast_in_dim3A_18 : vector<1x32x512xf32> to vector<16x32x512xf32>
    %mul3A_20 = arith.mulf %get3A_17, %mul3A_19 : vector<16x32x512xf32>
    %roll3A_21 = arith.constant 511 : i32
    %roll3A_22 = tpu.dynamic_rotate %mul3A_20 by %roll3A_21 dim 2 : vector<16x32x512xf32>, i32 -> vector<16x32x512xf32>
    %max3A_23 = arith.maximumf %mul3A_20, %roll3A_22 : vector<16x32x512xf32>
    %roll3A_24 = arith.constant 510 : i32
    %roll3A_25 = tpu.dynamic_rotate %max3A_23 by %roll3A_24 dim 2 : vector<16x32x512xf32>, i32 -> vector<16x32x512xf32>
    %max3A_26 = arith.maximumf %max3A_23, %roll3A_25 : vector<16x32x512xf32>
    %roll3A_27 = arith.constant 508 : i32
    %roll3A_28 = tpu.dynamic_rotate %max3A_26 by %roll3A_27 dim 2 : vector<16x32x512xf32>, i32 -> vector<16x32x512xf32>
    %max3A_29 = arith.maximumf %max3A_26, %roll3A_28 : vector<16x32x512xf32>
    %concatenate3A = tpu.concatenate %max3A_13, %max3A_29 in 0 : vector<16x32x512xf32>, vector<16x32x512xf32> -> vector<32x32x512xf32>
    %iota3A = tpu.iota {dimensions = array<i32: 0>} : vector<512x64xi32>
    %iota3A_30 = tpu.iota {dimensions = array<i32: 1>} : vector<512x64xi32>
    %mul3A_31 = arith.constant 8 : i32
    %mul3A_32 = vector.broadcast %mul3A_31 : i32 to vector<512x64xi32>
    %mul3A_33 = arith.muli %iota3A_30, %mul3A_32 : vector<512x64xi32>
    %eq3A = arith.cmpi eq, %iota3A, %mul3A_33 : vector<512x64xi32>
    %convert_element_type3A = arith.extui %eq3A : vector<512x64xi1> to vector<512x64xi32>
    %convert_element_type3A_34 = arith.sitofp %convert_element_type3A : vector<512x64xi32> to vector<512x64xf32>
    %dot_general3A = arith.constant dense<0.000000e+00> : vector<32x32x64xf32>
    %dot_general3A_35 = tpu.matmul %concatenate3A, %convert_element_type3A_34, %dot_general3A {dimension_numbers = #tpu.dot_dimension_numbers<[2], [0], [0, 1], [1], [0, 0, 0, 1, 1, 1], [], []>, transpose_lhs_hint = false} : vector<32x32x512xf32>, vector<512x64xf32>, vector<32x32x64xf32> -> vector<32x32x64xf32>
    %get3A_36 = arith.constant 0 : index
    %get3A_37 = arith.constant 0 : index
    %get3A_38 = vector.load %arg4[%get3A_36, %get3A_37] : memref<32x64xf32, #tpu.memory_space<vmem>>, vector<32x64xf32>
    %get3A_39 = arith.constant 0 : index
    %get3A_40 = arith.constant 0 : index
    %get3A_41 = vector.load %arg5[%get3A_39, %get3A_40] : memref<64x64xf32, #tpu.memory_space<vmem>>, vector<64x64xf32>
    %dot_general3A_42 = arith.constant dense<0.000000e+00> : vector<32x64x64xf32>
    %dot_general3A_43 = tpu.matmul %dot_general3A_35, %get3A_38, %dot_general3A_42 {dimension_numbers = #tpu.dot_dimension_numbers<[1], [0], [0, 2], [1], [0, 0, 0, 2, 1, 1], [], []>, transpose_lhs_hint = false} : vector<32x32x64xf32>, vector<32x64xf32>, vector<32x64x64xf32> -> vector<32x64x64xf32>
    %transpose3A = tpu.transpose %dot_general3A_43, [0, 2, 1] : vector<32x64x64xf32> -> vector<32x64x64xf32>
    %broadcast_in_dim3A_44 = vector.shape_cast %get3A_41 : vector<64x64xf32> to vector<1x64x64xf32>
    %add3A = vector.broadcast %broadcast_in_dim3A_44 : vector<1x64x64xf32> to vector<32x64x64xf32>
    %add3A_45 = arith.addf %transpose3A, %add3A : vector<32x64x64xf32>
    %swap3A = arith.constant 0 : index
    %swap3A_46 = arith.constant 0 : index
    %swap3A_47 = arith.constant 0 : index
    %swap3A_48 = vector.load %arg6[%swap3A, %swap3A_46, %swap3A_47] : memref<32x64x64xf32, #tpu.memory_space<vmem>>, vector<32x64x64xf32>
    tpu.vector_store %arg6[%swap3A, %swap3A_46, %swap3A_47], %add3A_45 {strides = array<i32>} : memref<32x64x64xf32, #tpu.memory_space<vmem>>, vector<32x64x64xf32>,
    return
  }
  func.func @transform_0(%arg0: i32) -> (i32, i32, i32) {
    %mul3A = arith.constant 2 : i32
    %mul3A_0 = arith.muli %mul3A, %arg0 : i32
    %c0_i32 = arith.constant 0 : i32
    %c0_i32_1 = arith.constant 0 : i32
    %c0_i32_2 = arith.constant 0 : i32
    return %mul3A_0, %c0_i32, %c0_i32_1 : i32, i32, i32
  }
  func.func @transform_1(%arg0: i32) -> (i32, i32, i32) {
    %mul3A = arith.constant 2 : i32
    %mul3A_0 = arith.muli %mul3A, %arg0 : i32
    %add3A = arith.constant 1 : i32
    %add3A_1 = arith.addi %mul3A_0, %add3A : i32
    %c0_i32 = arith.constant 0 : i32
    %c0_i32_2 = arith.constant 0 : i32
    %c0_i32_3 = arith.constant 0 : i32
    return %add3A_1, %c0_i32, %c0_i32_2 : i32, i32, i32
  }
  func.func @transform_2(%arg0: i32) -> (i32, i32) {
    %c0_i32 = arith.constant 0 : i32
    %c0_i32_0 = arith.constant 0 : i32
    %c0_i32_1 = arith.constant 0 : i32
    return %c0_i32, %c0_i32_0 : i32, i32
  }
  func.func @transform_3(%arg0: i32) -> (i32, i32) {
    %c0_i32 = arith.constant 0 : i32
    %c0_i32_0 = arith.constant 0 : i32
    %c0_i32_1 = arith.constant 0 : i32
    return %c0_i32, %c0_i32_0 : i32, i32
  }
  func.func @transform_4(%arg0: i32) -> (i32, i32) {
    %c0_i32 = arith.constant 0 : i32
    %c0_i32_0 = arith.constant 0 : i32
    %c0_i32_1 = arith.constant 0 : i32
    return %c0_i32, %c0_i32_0 : i32, i32
  }
  func.func @transform_5(%arg0: i32) -> (i32, i32, i32) {
    %c0_i32 = arith.constant 0 : i32
    %c0_i32_0 = arith.constant 0 : i32
    %c0_i32_1 = arith.constant 0 : i32
    return %arg0, %c0_i32, %c0_i32_0 : i32, i32, i32
  }
}

</mosaic_0001>

<sc_bundles>
// kernel: kernel.5.cloned.1.call-start
scs
__scs_entry_jumppad:
0x0: {  	(pc) =	sbr.rel $0x88, $3  }
0x1: {  	(tag) =	ssettag $0x0;
	lr =	simm.s32 $0x1  }
0x2: {  	[smem:$0x3F9D] =	sst lr;
	_ =	strace $0xD0000000  }
0x3: {  	_ = 	snop  }
0x4: {  	_ = 	snop  }
0x5: {  	_ = 	snop  }
0x6: {  	_ = 	snop  }
0x7: {  	_ = 	snop  }
__scs_overlays_trampoline_lowered:
0x8: {  	[smem:$0x3FAC] =	sst s0  }
0x9: {  	[smem:$0x3FAD] =	sst s1  }
0xa: {  	[smem:$0x3FAE] =	sst s2  }
0xb: {  	[smem:$0x3FAF] =	sst s3  }
0xc: {  	[smem:$0x3FB0] =	sst s4  }
0xd: {  	[smem:$0x3FB1] =	sst s5  }
0xe: {  	[smem:$0x3FB2] =	sst s6  }
0xf: {  	[smem:$0x3FB3] =	sst s7  }
0x10: {  	[smem:$0x3FB4] =	sst s8  }
0x11: {  	[smem:$0x3FB5] =	sst s9;
	s0 =	simm.s32 @!p0 $0x0  }
0x12: {  	s1 =	sld [smem:$0x3F9B];
	s0 =	simm.s32 @p0 $0x1  }
0x13: {  	[smem:$0x3FB6] =	sst s0;
	s0 =	simm.s32 @!p1 $0x0  }
0x14: {  	s2 =	sld [smem:$0x3F9A];
	s0 =	simm.s32 @p1 $0x1  }
0x15: {  	[smem:$0x3FB7] =	sst s0;
	s0 =	simm.s32 @!p2 $0x0  }
0x16: {  	s3 =	sld [smem:$0x3FDB];
	s0 =	simm.s32 @p2 $0x1  }
0x17: {  	s4 =	simm.s32 $0x1BF5;
	[smem:$0x3FB9] =	sst s0  }
0x18: {  	s0 =	sld [smem:$0x3F9C];
	_ =	swait.ge [sflag:s4], $0x0  }
0x19: {  	s7 =	sld [smem:$0x3F9D]  }
0x1a: {  	s8 =	sadd.s32 $0xFFFFE003, lr  }
0x1b: {  	s9 =	sadd.s32 $0xFFFFFEF7, lr;
	s5 =	simm.s32 $0xFFFFFFFF;
	p2 =	slt.u32 s8, $0xFFFFF086  }
0x1c: {  	p1 =	slt.u32 s9, $0xF7A;
	s5 =	simm.s32 @!p2 $0x0  }
0x1d: {  	s5 =	simm.s32 @p1 $0x1;
	p0 =	seq.s32 s7, s2  }
0x1e: {  	s7 =	smul.u32 @!p0 $0xF7A, s2;
	p2 =	seq.s32 @!p0 s5, $0x0  }
0x1f: {  	s9 =	smul.u32 $0xF7A, s1;
	s8 =	simm.s32 @!p0 $0x1BF5;
	p2 =	por !p2, p0  }
0x20: {  	[sflag:s8] =	ssyncset.s32 @!p0 $0xFFFFF086;
	s6 =	sadd.s32 @!p0 s3, s7;
	s7 =	simm.s32 @!p0 $0x108  }
0x21: {  	s3 =	sadd.s32 s3, s9;
	s6 =	sadd.s32 @!p0 $0x88, s6;
	s7 =	simm.s32 @p2 $0x1082  }
0x22: {  	[simem:s7], [sflag:s8] =	dma.local @!p0 [hbm:s6], $0xF7A  }
0x23: {  	s9 =	sor.u32 $0xD0000000, s2;
	s6 =	simm.s32 $0x108;
	_ =	swait.ge @!p0 [sflag:s8], $0x0  }
0x24: {  	s3 =	sadd.s32 $0x88, s3;
	s6 =	simm.s32 @!p1 $0x1082;
	[sflag:s4] =	ssyncset.s32 $0xFFFFF086  }
0x25: {  	[simem:s6], [sflag:s4] =	dma.local [hbm:s3], $0xF7A  }
0x26: {  	[smem:$0x3F9D] =	sst s1;
	(tag) =	ssettag s2;
	_ =	strace s9  }
0x27: {  	s1 =	sld [smem:$0x3FAD]  }
0x28: {  	s2 =	sld [smem:$0x3FAE]  }
0x29: {  	s4 =	sld [smem:$0x3FB0]  }
0x2a: {  	p0 =	seq.s32 s5, $0x0;
	s5 =	sld [smem:$0x3FB1]  }
0x2b: {  	s6 =	sld [smem:$0x3FB2]  }
0x2c: {  	s7 =	sld [smem:$0x3FB3]  }
0x2d: {  	s3 =	simm.s32 $0x108;
	s8 =	sld [smem:$0x3FB4]  }
0x2e: {  	s3 =	simm.s32 @!p0 $0x1082;
	s9 =	sld [smem:$0x3FB5]  }
0x2f: {  	lr =	sadd.s32 s0, s3;
	s0 =	sld [smem:$0x3FAC]  }
0x30: {  	s3 =	sld [smem:$0x3FAF]  }
0x31: {  	[smem:$0x3FB8] =	sst s10  }
0x32: {  	s10 =	sld [smem:$0x3FB6];
	_ =	sdelay $0x3  }
0x33: {  	p0 =	seq.s32 s10, $0x1;
	s10 =	sld [smem:$0x3FB8];
	_ =	sdelay $0x3  }
0x34: {  	[smem:$0x3FB8] =	sst s10  }
0x35: {  	s10 =	sld [smem:$0x3FB7];
	_ =	sdelay $0x3  }
0x36: {  	p1 =	seq.s32 s10, $0x1;
	s10 =	sld [smem:$0x3FB8];
	_ =	sdelay $0x3  }
0x37: {  	[smem:$0x3FB8] =	sst s10  }
0x38: {  	s10 =	sld [smem:$0x3FB9]  }
0x39: {  	_ = 	snop;
	(pc) =	sbr.ind lr, $3  }
0x3a: {  	_ = 	snop  }
0x3b: {  	_ = 	snop  }
0x3c: {  	p2 =	seq.s32 s10, $0x1;
	s10 =	sld [smem:$0x3FB8]  }
0x3d: {  	_ =	shalt  }
0x3e: {  	_ =	shalt  }
0x3f: {  	_ =	shalt  }
0x40: {  	_ =	shalt  }
0x41: {  	_ =	shalt  }
0x42: {  	_ =	shalt  }
0x43: {  	_ =	shalt  }
0x44: {  	_ =	shalt  }
0x45: {  	_ =	shalt  }
0x46: {  	_ =	shalt  }
0x47: {  	_ =	shalt  }
0x48: {  	_ =	shalt  }
0x49: {  	_ =	shalt  }
0x4a: {  	_ =	shalt  }
0x4b: {  	_ =	shalt  }
0x4c: {  	_ =	shalt  }
0x4d: {  	_ =	shalt  }
0x4e: {  	_ =	shalt  }
0x4f: {  	_ =	shalt  }
0x50: {  	_ =	shalt  }
0x51: {  	_ =	shalt  }
0x52: {  	_ =	shalt  }
0x53: {  	_ =	shalt  }
0x54: {  	_ =	shalt  }
0x55: {  	_ =	shalt  }
0x56: {  	_ =	shalt  }
0x57: {  	_ =	shalt  }
0x58: {  	_ =	shalt  }
0x59: {  	_ =	shalt  }
0x5a: {  	_ =	shalt  }
0x5b: {  	_ =	shalt  }
0x5c: {  	_ =	shalt  }
0x5d: {  	_ =	shalt  }
0x5e: {  	_ =	shalt  }
0x5f: {  	_ =	shalt  }
0x60: {  	_ =	shalt  }
0x61: {  	_ =	shalt  }
0x62: {  	_ =	shalt  }
0x63: {  	_ =	shalt  }
0x64: {  	_ =	shalt  }
0x65: {  	_ =	shalt  }
0x66: {  	_ =	shalt  }
0x67: {  	_ =	shalt  }
0x68: {  	_ =	shalt  }
0x69: {  	_ =	shalt  }
0x6a: {  	_ =	shalt  }
0x6b: {  	_ =	shalt  }
0x6c: {  	_ =	shalt  }
0x6d: {  	_ =	shalt  }
0x6e: {  	_ =	shalt  }
0x6f: {  	_ =	shalt  }
0x70: {  	_ =	shalt  }
0x71: {  	_ =	shalt  }
0x72: {  	_ =	shalt  }
0x73: {  	_ =	shalt  }
0x74: {  	_ =	shalt  }
0x75: {  	_ =	shalt  }
0x76: {  	_ =	shalt  }
0x77: {  	_ =	shalt  }
0x78: {  	_ =	shalt  }
0x79: {  	_ =	shalt  }
0x7a: {  	_ =	shalt  }
0x7b: {  	_ =	shalt  }
0x7c: {  	_ =	shalt  }
0x7d: {  	_ =	shalt  }
0x7e: {  	_ =	shalt  }
0x7f: {  	_ =	shalt  }
0x80: {  	_ =	shalt  }
0x81: {  	_ =	shalt  }
0x82: {  	_ =	shalt  }
0x83: {  	_ =	shalt  }
0x84: {  	_ =	shalt  }
0x85: {  	_ =	shalt  }
0x86: {  	_ =	shalt  }
0x87: {  	_ =	shalt  }
.Lfunc_end0:
.L_simem_size_0:
called_computation_lowered:
.L_overlay_start_0:
0x88: {  	s0 =	sld [smem:$0x3FD9]  }
0x89: {  	s1 =	sld [smem:$0x3FFE];
	_ =	sdelay $0x3  }
0x8a: {  	s0 =	sadd.s32 s1, s0  }
0x8b: {  	[smem:$0x3FC4] =	sst s0  }
0x8c: {  	_ = 	snop  }
0x8d: {  	s0 =	sld [smem:$0x3FC9]  }
0x8e: {  	s17 =	sld [smem:$0x3FC8]  }
0x8f: {  	s2 =	sld [smem:$0x3FD0];
	(tm) =	ssettm $0x1  }
0x90: {  	s3 =	sld [smem:$0x3FFB];
	_ =	sdelay $0x3  }
0x91: {  	_ =	strace s3  }
0x92: {  	s3 =	sld [smem:$0x3FFC];
	_ =	sdelay $0x3  }
0x93: {  	_ =	strace s3  }
0x94: {  	s3 =	sld [smem:$0x3FFD];
	_ =	sdelay $0x3  }
0x95: {  	_ =	strace s3  }
0x96: {  	_ =	strace $0x8FFFFFFF  }
0x97: {  	s18 =	sld [smem:$0x3FDB];
	_ =	sdelay $0x1  }
0x98: {  	s4 =	simm.s32 $_scs_section_size  }
0x99: {  	s5 =	simm.s32 $_size__tile_overlayer_lowered;
	s6 =	simm.s32 $_tile_overlayer_lowered  }
0x9a: {  	s21 =	simm.s32 $0x1BFF;
	s20 =	sshll.u32 s6, $0x1;
	s3 =	sadd.s32 s4, s18  }
0x9b: {  	s7 =	simm.s32 $0x0;
	s19 =	sshll.u32 s5, $0x1;
	s5 =	sadd.s32 s20, s3  }
0x9c: {  	[timem:s7], [sflag:s21] =	dma.local [hbm:s5], s19  }
0x9d: {  	_ =	swait.ge [sflag:s21], s19  }
0x9e: {  	s4 =	ssub.s32 $0x0, s19;
	[sflag:s21] =	ssyncset.done $0x0  }
0x9f: {  	[sflag:s21] =	ssyncadd.s32 s4;
	_ =	sdelay $0x1  }
0xa0: {  	s22 =	simm.s32 $0x1B8B  }
0xa1: {  	_ =	swait.ge [sflag:s22], $0x1  }
0xa2: {  	[sflag:s22] =	ssyncset.done $0x0  }
0xa3: {  	s23 =	simm.s32 $0x1B8E;
	[sflag:s22] =	ssyncadd.s32 $0xFFFFFFFF  }
0xa4: {  	s24 =	simm.s32 $execute0_lowered;
	[smem:$0x3FD2] =	sst s23  }
0xa5: {  	s4 =	sshll.u32 s24, $0x1;
	_ =	strace $0x80000046;
	[dreg:$0x1] =	wrdreg $0xFFFFFFFF  }
0xa6: {  	s25 =	simm.s32 $_size_execute0_lowered;
	s3 =	sadd.s32 s3, s4;
	[dreg:$0x0] =	wrdreg $0x0  }
0xa7: {  	s4 =	sshll.u32 s25, $0x1;
	[dreg:$0x2] =	wrdreg s3  }
0xa8: {  	[dreg:$0x3] =	wrdreg s4  }
0xa9: {  	[dreg:$0x4] =	wrdreg $0xC0  }
0xaa: {  	_ =	task [dreg:s7], $0x5FFFF  }
0xab: {  	[dreg:$0x1] =	wrdreg $0xFFFFFFFF  }
0xac: {  	[dreg:$0x0] =	wrdreg $0x60  }
0xad: {  	[dreg:$0x2] =	wrdreg s0  }
0xae: {  	[dreg:$0x3] =	wrdreg s17  }
0xaf: {  	[dreg:$0x4] =	wrdreg s2  }
0xb0: {  	[dreg:$0x5] =	wrdreg $0x9  }
0xb1: {  	_ =	task.clear_ibuf [dreg:s7], $0x6FFFF;
	_ =	strace $0x90000046  }
0xb2: {  	s26 =	simm.s32 $0x9;
	_ =	strace $0x80000048  }
0xb3: {  	_ =	swait.ge [sflag:s26], $0x1  }
0xb4: {  	[sflag:s26] =	ssyncadd.s32 $0xFFFFFFFF  }
0xb5: {  	_ =	strace $0x90000048  }
0xb6: {  	_ =	sfence  }
0xb7: {  	s28 =	sld [smem:$0x0];
	_ =	sdelay $0x1  }
0xb8: {  	s29 =	srdreg.scid  }
0xb9: {  	s30 =	sshll.u32 s29, $0xD;
	s31 =	sshrl.u32 s29, $0x2  }
0xba: {  	s1 =	sand.u32 $0x1, s29;
	s2 =	sand.u32 $0x4000, s30;
	s0 =	sadd.s32 s31, s28  }
0xbb: {  	s1 =	sor.u32 s2, s1;
	s0 =	sshll.u32 s0, $0x11  }
0xbc: {  	s0 =	sor.u32 s0, s1  }
0xbd: {  	s0 =	sadd.s32 $0x8F2B, s0  }
0xbe: {  	[sflag:s0] =	ssyncadd.remote.s32 $0x1  }
0xbf: {  	_ =	sfence.sel $0xFFFF  }
0xc0: {  	[dreg:$0x0] =	wrdreg $0xFFFFFFFF;
	(pc) =	sbr.abs _section_cstart, $3  }
0xc1: {  	[dreg:$0x1] =	wrdreg $0xFFFFFFFF  }
0xc2: {  	_ =	task.clear_ibuf [dreg:s7], $0x2FFFF;
	_ =	strace $0x9FFFFFFF  }
0xc3: {  	(tm) =	ssettm $0x7FFFFFFF  }
tec
execute0_lowered:
.L_overlay_start_1:
0x0: {  	(tag) =	ssettag $0x1  }
0x1: {  	s3 =	rddreg [dreg:$0x0]  }
0x2: {  	s5 =	rddreg [dreg:$0x1]  }
0x3: {  	s2 =	rddreg [dreg:$0x2];
	s1 =	stileid.u32  }
0x4: {  	s0 =	rddreg [dreg:$0x3];
	s4 =	simm.s32 $0x0;
	s6 =	sshll.u32 s1, $0x10  }
0x5: {  	s7 =	simm.s32 $0x1000;
	[smem:$0x7FF] =	sst s4;
	s3 =	sadd.s32 s6, s3  }
0x6: {  	s8 =	simm.s32 $0x10000;
	_ =	strace $0x80000047;
	s6 =	sadd.s32 $0x300000, s3  }
0x7: {  	[tilespmem:s4], [sflag:$0x1] =	stream.strided.gather [hbm4b:s6+s7], $0x4000, s8, s7, $0x38;
	[tilespmem:$0xE280] =	vst v63  }
0x8: {  	s25 =	simm.s32 $0x4000;
	s3 =	sadd.s32 $0x308000, s3  }
0x9: {  	[tilespmem:s25], [sflag:$0x2] =	stream.strided.gather [hbm4b:s3+s7], $0x4000, s8, s7, $0x38;
	[tilespmem:$0xE280] =	vst v63  }
0xa: {  	s26 =	simm.s32 $0x8000;
	s28 =	simm.s32 $0x4  }
0xb: {  	[tilespmem:s26], [sflag:$0x4] =	stream.strided.gather [hbm4b:s5+s7], $0x4000, s8, s7, $0x38;
	[tilespmem:$0xE280] =	vst v63  }
0xc: {  	_ =	swait.ge [sflag:s28], $0x4000  }
0xd: {  	[sflag:s28] =	ssyncset.done $0x0  }
0xe: {  	s29 =	simm.s32 $0x1;
	v0 =	vimm.s32 $0x76543210;
	[sflag:s28] =	ssyncadd.s32 $0xFFFFC000  }
0xf: {  	v1 =	vimm.s32 $0xFEDCBA9;
	v0 =	vunpack.c.l.s4.s8 v0;
	_ =	swait.ge [sflag:s29], $0x4000  }
0x10: {  	v1 =	vunpack.c.l.s4.s8 v1;
	s30 =	sand.u32 $0x3000, s4;
	s31 =	sand.u32 $0x380, s4;
	[sflag:s29] =	ssyncset.done $0x0  }
0x11: {  	v0 =	vunpack.c.0.s8.s32 v0;
	s5 =	sor.u32 s31, s30;
	[sflag:s29] =	ssyncadd.s32 $0xFFFFC000  }
0x12: {  	v1 =	vunpack.c.0.s8.s32 v1;
	v2 =	vld [tilespmem:s5+$0x0]  }
0x13: {  	vm0 =	vcmask $0x1F00;
	v0 =	vand.u32 $0xF, v0;
	v3 =	vld [tilespmem:s5+$0x8000]  }
0x14: {  	v1 =	vand.u32 $0xF, v1;
	v0 =	vnsel vm0, $0x10, v0;
	vm0 =	vcmask $0x3B20  }
0x15: {  	v5 =	vsel vm0, v1, v0;
	_ =	sdelay $0x1  }
0x16: {  	v4 =	vimm.s32 $0x19181716  }
0x17: {  	v4 =	vunpack.c.0.s8.s32 v4;
	s3 =	simm.s32 $0xC000;
	v1 =	vmul.f32 v3, v2  }
0x18: {  	v0 =	vimm.s32 $0x1E1D1C1B;
	v2 =	vimm.s32 $0x2221201F;
	v3 =	vimm.s32 $0x15141312  }
0x19: {  	v0 =	vunpack.c.0.s8.s32 v0;
	v2 =	vunpack.c.0.s8.s32 v2;
	v3 =	vunpack.c.0.s8.s32 v3;
	[tilespmem:v5+s3+$0x0] =	vst.idx.msk $0xffff, v1  }
0x1a: {  	vm15 =	vcmask $0x1F10;
	v1 =	vld [tilespmem:s5+$0x10]  }
0x1b: {  	v0 =	vsel vm15, v2, v0;
	v2 =	vsel vm15, v4, v3;
	v3 =	vld [tilespmem:s5+$0x8010]  }
0x1c: {  	[tilespmem:$0x1FF90] =	vst v5;
	v5 =	vcombine.low v2, v0;
	_ =	sdelay $0x3  }
0x1d: {  	v4 =	vimm.s32 $0x2B2A2928;
	v0 =	vimm.s32 $0x302F2E2D;
	v1 =	vmul.f32 v3, v1  }
0x1e: {  	v2 =	vimm.s32 $0x34333231;
	v4 =	vunpack.c.0.s8.s32 v4;
	v3 =	vimm.s32 $0x27262524  }
0x1f: {  	v0 =	vunpack.c.0.s8.s32 v0;
	v2 =	vunpack.c.0.s8.s32 v2;
	v3 =	vunpack.c.0.s8.s32 v3;
	[tilespmem:v5+s3+$0x0] =	vst.idx.msk $0xffff, v1  }
0x20: {  	v1 =	vld [tilespmem:s5+$0x20]  }
0x21: {  	v0 =	vsel vm15, v2, v0;
	v2 =	vsel vm15, v4, v3;
	v3 =	vld [tilespmem:s5+$0x8020]  }
0x22: {  	[tilespmem:$0x1FFA0] =	vst v5;
	v5 =	vcombine.low v2, v0;
	_ =	sdelay $0x3  }
0x23: {  	v4 =	vimm.s32 $0x3D3C3B3A;
	v0 =	vimm.s32 $0x4241403F;
	v1 =	vmul.f32 v3, v1  }
0x24: {  	v2 =	vimm.s32 $0x46454443;
	v4 =	vunpack.c.0.s8.s32 v4;
	v3 =	vimm.s32 $0x39383736  }
0x25: {  	v0 =	vunpack.c.0.s8.s32 v0;
	v2 =	vunpack.c.0.s8.s32 v2;
	v3 =	vunpack.c.0.s8.s32 v3;
	[tilespmem:v5+s3+$0x0] =	vst.idx.msk $0xffff, v1  }
0x26: {  	v1 =	vld [tilespmem:s5+$0x30]  }
0x27: {  	v0 =	vsel vm15, v2, v0;
	v2 =	vsel vm15, v4, v3;
	v3 =	vld [tilespmem:s5+$0x8030]  }
0x28: {  	[tilespmem:$0x1FFB0] =	vst v5;
	v5 =	vcombine.low v2, v0;
	_ =	sdelay $0x3  }
0x29: {  	v4 =	vimm.s32 $0x4F4E4D4C;
	v0 =	vimm.s32 $0x54535251;
	v1 =	vmul.f32 v3, v1  }
0x2a: {  	v2 =	vimm.s32 $0x58575655;
	v4 =	vunpack.c.0.s8.s32 v4;
	v3 =	vimm.s32 $0x4B4A4948  }
0x2b: {  	v0 =	vunpack.c.0.s8.s32 v0;
	v2 =	vunpack.c.0.s8.s32 v2;
	v3 =	vunpack.c.0.s8.s32 v3;
	[tilespmem:v5+s3+$0x0] =	vst.idx.msk $0xffff, v1  }
0x2c: {  	v1 =	vld [tilespmem:s5+$0x40]  }
0x2d: {  	v0 =	vsel vm15, v2, v0;
	v2 =	vsel vm15, v4, v3;
	v3 =	vld [tilespmem:s5+$0x8040]  }
0x2e: {  	[tilespmem:$0x1FFC0] =	vst v5;
	v5 =	vcombine.low v2, v0;
	_ =	sdelay $0x3  }
0x2f: {  	v4 =	vimm.s32 $0x61605F5E;
	v0 =	vimm.s32 $0x66656463;
	v1 =	vmul.f32 v3, v1  }
0x30: {  	v2 =	vimm.s32 $0x6A696867;
	v4 =	vunpack.c.0.s8.s32 v4;
	v3 =	vimm.s32 $0x5D5C5B5A  }
0x31: {  	v0 =	vunpack.c.0.s8.s32 v0;
	v2 =	vunpack.c.0.s8.s32 v2;
	v3 =	vunpack.c.0.s8.s32 v3;
	[tilespmem:v5+s3+$0x0] =	vst.idx.msk $0xffff, v1  }
0x32: {  	v1 =	vld [tilespmem:s5+$0x50]  }
0x33: {  	v0 =	vsel vm15, v2, v0;
	v2 =	vsel vm15, v4, v3;
	v3 =	vld [tilespmem:s5+$0x8050]  }
0x34: {  	[tilespmem:$0x1FFD0] =	vst v5;
	v5 =	vcombine.low v2, v0;
	_ =	sdelay $0x3  }
0x35: {  	v4 =	vimm.s32 $0x73727170;
	v0 =	vimm.s32 $0x78777675;
	v1 =	vmul.f32 v3, v1  }
0x36: {  	v2 =	vimm.s32 $0x7C7B7A79;
	v4 =	vunpack.c.0.s8.s32 v4;
	v3 =	vimm.s32 $0x6F6E6D6C  }
0x37: {  	v0 =	vunpack.c.0.s8.s32 v0;
	v2 =	vunpack.c.0.s8.s32 v2;
	v3 =	vunpack.c.0.s8.s32 v3;
	[tilespmem:v5+s3+$0x0] =	vst.idx.msk $0xffff, v1  }
0x38: {  	v1 =	vld [tilespmem:s5+$0x60]  }
0x39: {  	v0 =	vsel vm15, v2, v0;
	v2 =	vsel vm15, v4, v3;
	v3 =	vld [tilespmem:s5+$0x8060]  }
0x3a: {  	v6 =	vcombine.low v2, v0;
	_ =	sdelay $0x1  }
0x3b: {  	[tilespmem:$0x1FFE0] =	vst v5  }
0x3c: {  	v5 =	vimm.s32 $0x85848382;
	v4 =	vimm.s32 $0x81807F7E;
	v0 =	vimm.s32 $0x8A898887  }
0x3d: {  	v2 =	vimm.s32 $0x8E8D8C8B;
	v0 =	vunpack.c.0.s8.s32 v0;
	v1 =	vmul.f32 v3, v1  }
0x3e: {  	v2 =	vunpack.c.0.s8.s32 v2;
	v3 =	vunpack.c.0.s8.s32 v4;
	v4 =	vunpack.c.0.s8.s32 v5  }
0x3f: {  	[tilespmem:v6+s3+$0x0] =	vst.idx.msk $0xffff, v1  }
0x40: {  	v0 =	vsel vm15, v2, v0;
	v1 =	vsel vm15, v4, v3;
	v2 =	vld [tilespmem:s5+$0x70]  }
0x41: {  	v0 =	vcombine.low v1, v0;
	v1 =	vld [tilespmem:s5+$0x8070];
	_ =	sdelay $0x1  }
0x42: {  	[tilespmem:$0x1FFF0] =	vst v6;
	v6 =	vand.u32 $0xFF, v0;
	_ =	sdelay $0x1  }
0x43: {  	v5 =	vimm.s32 $0x97969594;
	v3 =	vimm.s32 $0xA09F9E9D;
	v0 =	vimm.s32 $0x9C9B9A99  }
0x44: {  	v4 =	vimm.s32 $0x93929190;
	v0 =	vunpack.c.0.s8.s32 v0;
	v1 =	vmul.f32 v1, v2  }
0x45: {  	v2 =	vunpack.c.0.s8.s32 v3;
	v3 =	vunpack.c.0.s8.s32 v4;
	v4 =	vunpack.c.0.s8.s32 v5  }
0x46: {  	[tilespmem:v6+s3+$0x0] =	vst.idx.msk $0xffff, v1  }
0x47: {  	v0 =	vsel vm15, v2, v0;
	v1 =	vsel vm15, v4, v3;
	v2 =	vld [tilespmem:s5+$0x400]  }
0x48: {  	v0 =	vcombine.low v1, v0;
	v1 =	vld [tilespmem:s5+$0x8400];
	_ =	sdelay $0x1  }
0x49: {  	v8 =	vand.u32 $0xFF, v0;
	_ =	sdelay $0x1  }
0x4a: {  	v5 =	vimm.s32 $0xA9A8A7A6;
	v3 =	vimm.s32 $0xB2B1B0AF;
	v0 =	vimm.s32 $0xAEADACAB  }
0x4b: {  	v4 =	vimm.s32 $0xA5A4A3A2;
	v0 =	vunpack.c.0.s8.s32 v0;
	v1 =	vmul.f32 v1, v2  }
0x4c: {  	v2 =	vunpack.c.0.s8.s32 v3;
	v3 =	vunpack.c.0.s8.s32 v4;
	v4 =	vunpack.c.0.s8.s32 v5  }
0x4d: {  	[tilespmem:v8+s3+$0x0] =	vst.idx.msk $0xffff, v1  }
0x4e: {  	v0 =	vsel vm15, v2, v0;
	v1 =	vsel vm15, v4, v3;
	v2 =	vld [tilespmem:s5+$0x410]  }
0x4f: {  	v0 =	vcombine.low v1, v0;
	v1 =	vld [tilespmem:s5+$0x8410];
	_ =	sdelay $0x1  }
0x50: {  	v9 =	vand.u32 $0xFF, v0;
	_ =	sdelay $0x1  }
0x51: {  	v5 =	vimm.s32 $0xBBBAB9B8;
	v3 =	vimm.s32 $0xC4C3C2C1;
	v0 =	vimm.s32 $0xC0BFBEBD  }
0x52: {  	v4 =	vimm.s32 $0xB7B6B5B4;
	v0 =	vunpack.c.0.s8.s32 v0;
	v1 =	vmul.f32 v1, v2  }
0x53: {  	v2 =	vunpack.c.0.s8.s32 v3;
	v3 =	vunpack.c.0.s8.s32 v4;
	v4 =	vunpack.c.0.s8.s32 v5  }
0x54: {  	[tilespmem:v9+s3+$0x0] =	vst.idx.msk $0xffff, v1  }
0x55: {  	v0 =	vsel vm15, v2, v0;
	v1 =	vsel vm15, v4, v3;
	v2 =	vld [tilespmem:s5+$0x420]  }
0x56: {  	v0 =	vcombine.low v1, v0;
	v1 =	vld [tilespmem:s5+$0x8420];
	_ =	sdelay $0x1  }
0x57: {  	v10 =	vand.u32 $0xFF, v0;
	_ =	sdelay $0x1  }
0x58: {  	v5 =	vimm.s32 $0xCDCCCBCA;
	v3 =	vimm.s32 $0xD6D5D4D3;
	v0 =	vimm.s32 $0xD2D1D0CF  }
0x59: {  	v4 =	vimm.s32 $0xC9C8C7C6;
	v0 =	vunpack.c.0.s8.s32 v0;
	v1 =	vmul.f32 v1, v2  }
0x5a: {  	v2 =	vunpack.c.0.s8.s32 v3;
	v3 =	vunpack.c.0.s8.s32 v4;
	v4 =	vunpack.c.0.s8.s32 v5  }
0x5b: {  	[tilespmem:v10+s3+$0x0] =	vst.idx.msk $0xffff, v1  }
0x5c: {  	v0 =	vsel vm15, v2, v0;
	v1 =	vsel vm15, v4, v3;
	v2 =	vld [tilespmem:s5+$0x430]  }
0x5d: {  	v0 =	vcombine.low v1, v0;
	v1 =	vld [tilespmem:s5+$0x8430];
	_ =	sdelay $0x1  }
0x5e: {  	v11 =	vand.u32 $0xFF, v0;
	_ =	sdelay $0x1  }
0x5f: {  	v5 =	vimm.s32 $0xDFDEDDDC;
	v3 =	vimm.s32 $0xE8E7E6E5;
	v0 =	vimm.s32 $0xE4E3E2E1  }
0x60: {  	v4 =	vimm.s32 $0xDBDAD9D8;
	v0 =	vunpack.c.0.s8.s32 v0;
	v1 =	vmul.f32 v1, v2  }
0x61: {  	v2 =	vunpack.c.0.s8.s32 v3;
	v3 =	vunpack.c.0.s8.s32 v4;
	v4 =	vunpack.c.0.s8.s32 v5  }
0x62: {  	[tilespmem:v11+s3+$0x0] =	vst.idx.msk $0xffff, v1  }
0x63: {  	v0 =	vsel vm15, v2, v0;
	v1 =	vsel vm15, v4, v3;
	v2 =	vld [tilespmem:s5+$0x440]  }
0x64: {  	v0 =	vcombine.low v1, v0;
	v1 =	vld [tilespmem:s5+$0x8440]  }
0x65: {  	v3 =	vimm.s32 $0xF6F5F4F3  }
0x66: {  	v12 =	vand.u32 $0xFF, v0;
	v0 =	vunpack.c.0.s8.s32 v3;
	v3 =	vimm.s32 $0xFFFEFDFC  }
0x67: {  	v13 =	vimm.s32 $0xF1F0EFEE;
	v5 =	vimm.s32 $0xEDECEBEA;
	v3 =	vunpack.c.0.s8.s32 v3  }
0x68: {  	vm0 =	vcmask $0xF00;
	v5 =	vunpack.c.0.s8.s32 v5;
	v4 =	vimm.s32 $0xFAF9F8F7  }
0x69: {  	v4 =	vunpack.c.0.s8.s32 v4;
	v3 =	vand.u32 $0xFF, v3;
	v1 =	vmul.f32 v1, v2  }
0x6a: {  	v2 =	vunpack.c.0.s8.s32 v13;
	v3 =	vnsel vm0, $0x10C, v3;
	vm0 =	vcmask $0x1310  }
0x6b: {  	vm1 =	vcmask $0x1714;
	vm2 =	vcmask $0x1B18;
	v3 =	vsel vm0, $0x100, v3;
	[tilespmem:v12+s3+$0x0] =	vst.idx.msk $0xffff, v1  }
0x6c: {  	v0 =	vsel vm15, v4, v0;
	v1 =	vsel vm15, v2, v5;
	v2 =	vsel vm1, $0x101, v3;
	v3 =	vld [tilespmem:s5+$0x450]  }
0x6d: {  	v0 =	vcombine.low v1, v0;
	v1 =	vsel vm2, $0x102, v2;
	v2 =	vld [tilespmem:s5+$0x8450];
	_ =	sdelay $0x1  }
0x6e: {  	vm3 =	vcmask $0x1F1C;
	vm4 =	vcmask $0x2320;
	v13 =	vand.u32 $0xFF, v0  }
0x6f: {  	vm5 =	vcmask $0x2724;
	vm6 =	vcmask $0x2B28;
	vm11 =	vcmask $0x300  }
0x70: {  	vm7 =	vcmask $0x2F2C;
	vm12 =	vcmask $0x704;
	v1 =	vsel vm3, $0x103, v1  }
0x71: {  	v0 =	vsel vm4, $0x105, v1;
	v1 =	vimm.s32 $0x11E;
	v2 =	vmul.f32 v2, v3  }
0x72: {  	vm13 =	vcmask $0xB08;
	v0 =	vsel vm5, $0x106, v0;
	v1 =	vsel vm11, $0x10E, v1  }
0x73: {  	vm8 =	vcmask $0x3330;
	v0 =	vsel vm6, $0x107, v0;
	v1 =	vsel vm12, $0x10F, v1;
	[tilespmem:v13+s3+$0x0] =	vst.idx.msk $0xffff, v2  }
0x74: {  	vm14 =	vcmask $0xF0C;
	v0 =	vsel vm7, $0x108, v0;
	v1 =	vsel vm13, $0x110, v1;
	v2 =	vld [tilespmem:s5+$0x460]  }
0x75: {  	vm9 =	vcmask $0x3734;
	v0 =	vsel vm8, $0x109, v0;
	v1 =	vsel vm14, $0x111, v1;
	v3 =	vld [tilespmem:s5+$0x8460]  }
0x76: {  	vm10 =	vcmask $0x3B38;
	v0 =	vsel vm9, $0x10A, v0;
	v1 =	vsel vm0, $0x112, v1  }
0x77: {  	v14 =	vsel vm10, $0x10B, v0;
	v0 =	vsel vm1, $0x113, v1  }
0x78: {  	v0 =	vsel vm2, $0x114, v0  }
0x79: {  	v0 =	vsel vm3, $0x115, v0  }
0x7a: {  	v1 =	vimm.s32 $0x130;
	v0 =	vsel vm4, $0x117, v0;
	v2 =	vmul.f32 v3, v2  }
0x7b: {  	v1 =	vsel vm11, $0x120, v1;
	v0 =	vsel vm5, $0x118, v0  }
0x7c: {  	v1 =	vsel vm12, $0x121, v1;
	v0 =	vsel vm6, $0x119, v0;
	[tilespmem:v14+s3+$0x0] =	vst.idx.msk $0xffff, v2  }
0x7d: {  	v1 =	vsel vm13, $0x122, v1;
	v0 =	vsel vm7, $0x11A, v0;
	v2 =	vld [tilespmem:s5+$0x470]  }
0x7e: {  	v1 =	vsel vm14, $0x123, v1;
	v0 =	vsel vm8, $0x11B, v0;
	v3 =	vld [tilespmem:s5+$0x8470]  }
0x7f: {  	v1 =	vsel vm0, $0x124, v1;
	v0 =	vsel vm9, $0x11C, v0  }
0x80: {  	v15 =	vsel vm10, $0x11D, v0;
	v0 =	vsel vm1, $0x125, v1  }
0x81: {  	v0 =	vsel vm2, $0x126, v0  }
0x82: {  	v0 =	vsel vm3, $0x127, v0  }
0x83: {  	v1 =	vimm.s32 $0x142;
	v0 =	vsel vm4, $0x129, v0;
	v2 =	vmul.f32 v3, v2  }
0x84: {  	v1 =	vsel vm11, $0x132, v1;
	v0 =	vsel vm5, $0x12A, v0  }
0x85: {  	v1 =	vsel vm12, $0x133, v1;
	v0 =	vsel vm6, $0x12B, v0;
	[tilespmem:v15+s3+$0x0] =	vst.idx.msk $0xffff, v2  }
0x86: {  	v1 =	vsel vm13, $0x134, v1;
	v0 =	vsel vm7, $0x12C, v0;
	v2 =	vld [tilespmem:s5+$0x800]  }
0x87: {  	v1 =	vsel vm14, $0x135, v1;
	v0 =	vsel vm8, $0x12D, v0;
	v3 =	vld [tilespmem:s5+$0x8800]  }
0x88: {  	v1 =	vsel vm0, $0x136, v1;
	v0 =	vsel vm9, $0x12E, v0  }
0x89: {  	v16 =	vsel vm10, $0x12F, v0;
	v0 =	vsel vm1, $0x137, v1  }
0x8a: {  	v0 =	vsel vm2, $0x138, v0  }
0x8b: {  	v0 =	vsel vm3, $0x139, v0  }
0x8c: {  	v1 =	vimm.s32 $0x154;
	v0 =	vsel vm4, $0x13B, v0;
	v2 =	vmul.f32 v3, v2  }
0x8d: {  	v1 =	vsel vm11, $0x144, v1;
	v0 =	vsel vm5, $0x13C, v0  }
0x8e: {  	v1 =	vsel vm12, $0x145, v1;
	v0 =	vsel vm6, $0x13D, v0;
	[tilespmem:v16+s3+$0x0] =	vst.idx.msk $0xffff, v2  }
0x8f: {  	v1 =	vsel vm13, $0x146, v1;
	v0 =	vsel vm7, $0x13E, v0;
	v2 =	vld [tilespmem:s5+$0x810]  }
0x90: {  	v1 =	vsel vm14, $0x147, v1;
	v3 =	vld [tilespmem:s5+$0x8810];
	v0 =	vsel vm8, $0x13F, v0  }
0x91: {  	v1 =	vsel vm0, $0x148, v1;
	v0 =	vsel vm9, $0x140, v0  }
0x92: {  	v17 =	vsel vm10, $0x141, v0;
	v0 =	vsel vm1, $0x149, v1  }
0x93: {  	v0 =	vsel vm2, $0x14A, v0  }
0x94: {  	v0 =	vsel vm3, $0x14B, v0  }
0x95: {  	v1 =	vimm.s32 $0x166;
	v2 =	vmul.f32 v3, v2;
	v0 =	vsel vm4, $0x14D, v0  }
0x96: {  	v1 =	vsel vm11, $0x156, v1;
	v0 =	vsel vm5, $0x14E, v0  }
0x97: {  	v1 =	vsel vm12, $0x157, v1;
	v0 =	vsel vm6, $0x14F, v0;
	[tilespmem:v17+s3+$0x0] =	vst.idx.msk $0xffff, v2  }
0x98: {  	v1 =	vsel vm13, $0x158, v1;
	v0 =	vsel vm7, $0x150, v0;
	v2 =	vld [tilespmem:s5+$0x820]  }
0x99: {  	v1 =	vsel vm14, $0x159, v1;
	v3 =	vld [tilespmem:s5+$0x8820];
	v0 =	vsel vm8, $0x151, v0  }
0x9a: {  	v1 =	vsel vm0, $0x15A, v1;
	v0 =	vsel vm9, $0x152, v0  }
0x9b: {  	v18 =	vsel vm10, $0x153, v0;
	v0 =	vsel vm1, $0x15B, v1  }
0x9c: {  	v0 =	vsel vm2, $0x15C, v0  }
0x9d: {  	v0 =	vsel vm3, $0x15D, v0  }
0x9e: {  	v1 =	vimm.s32 $0x178;
	v2 =	vmul.f32 v3, v2;
	v0 =	vsel vm4, $0x15F, v0  }
0x9f: {  	v1 =	vsel vm11, $0x168, v1;
	v0 =	vsel vm5, $0x160, v0  }
0xa0: {  	v1 =	vsel vm12, $0x169, v1;
	v0 =	vsel vm6, $0x161, v0;
	[tilespmem:v18+s3+$0x0] =	vst.idx.msk $0xffff, v2  }
0xa1: {  	v1 =	vsel vm13, $0x16A, v1;
	v0 =	vsel vm7, $0x162, v0;
	v2 =	vld [tilespmem:s5+$0x830]  }
0xa2: {  	v1 =	vsel vm14, $0x16B, v1;
	v3 =	vld [tilespmem:s5+$0x8830];
	v0 =	vsel vm8, $0x163, v0  }
0xa3: {  	v1 =	vsel vm0, $0x16C, v1;
	v0 =	vsel vm9, $0x164, v0  }
0xa4: {  	v19 =	vsel vm10, $0x165, v0;
	v0 =	vsel vm1, $0x16D, v1  }
0xa5: {  	v0 =	vsel vm2, $0x16E, v0  }
0xa6: {  	v0 =	vsel vm3, $0x16F, v0  }
0xa7: {  	v1 =	vimm.s32 $0x18A;
	v2 =	vmul.f32 v3, v2;
	v0 =	vsel vm4, $0x171, v0  }
0xa8: {  	v1 =	vsel vm11, $0x17A, v1;
	v0 =	vsel vm5, $0x172, v0  }
0xa9: {  	v1 =	vsel vm12, $0x17B, v1;
	v0 =	vsel vm6, $0x173, v0;
	[tilespmem:v19+s3+$0x0] =	vst.idx.msk $0xffff, v2  }
0xaa: {  	v1 =	vsel vm13, $0x17C, v1;
	v0 =	vsel vm7, $0x174, v0;
	v2 =	vld [tilespmem:s5+$0x840]  }
0xab: {  	v1 =	vsel vm14, $0x17D, v1;
	v3 =	vld [tilespmem:s5+$0x8840];
	v0 =	vsel vm8, $0x175, v0  }
0xac: {  	v1 =	vsel vm0, $0x17E, v1;
	v0 =	vsel vm9, $0x176, v0  }
0xad: {  	v20 =	vsel vm10, $0x177, v0;
	v0 =	vsel vm1, $0x17F, v1  }
0xae: {  	v0 =	vsel vm2, $0x180, v0  }
0xaf: {  	v0 =	vsel vm3, $0x181, v0  }
0xb0: {  	v1 =	vimm.s32 $0x19C;
	v2 =	vmul.f32 v3, v2;
	v0 =	vsel vm4, $0x183, v0  }
0xb1: {  	v1 =	vsel vm11, $0x18C, v1;
	v0 =	vsel vm5, $0x184, v0  }
0xb2: {  	v1 =	vsel vm12, $0x18D, v1;
	v0 =	vsel vm6, $0x185, v0;
	[tilespmem:v20+s3+$0x0] =	vst.idx.msk $0xffff, v2  }
0xb3: {  	v1 =	vsel vm13, $0x18E, v1;
	v0 =	vsel vm7, $0x186, v0;
	v2 =	vld [tilespmem:s5+$0x850]  }
0xb4: {  	v1 =	vsel vm14, $0x18F, v1;
	v3 =	vld [tilespmem:s5+$0x8850];
	v0 =	vsel vm8, $0x187, v0  }
0xb5: {  	v1 =	vsel vm0, $0x190, v1;
	v0 =	vsel vm9, $0x188, v0  }
0xb6: {  	v21 =	vsel vm10, $0x189, v0;
	v0 =	vsel vm1, $0x191, v1  }
0xb7: {  	v0 =	vsel vm2, $0x192, v0  }
0xb8: {  	v0 =	vsel vm3, $0x193, v0  }
0xb9: {  	v1 =	vimm.s32 $0x1AE;
	v2 =	vmul.f32 v3, v2;
	v0 =	vsel vm4, $0x195, v0  }
0xba: {  	v1 =	vsel vm11, $0x19E, v1;
	v0 =	vsel vm5, $0x196, v0  }
0xbb: {  	v1 =	vsel vm12, $0x19F, v1;
	v0 =	vsel vm6, $0x197, v0;
	[tilespmem:v21+s3+$0x0] =	vst.idx.msk $0xffff, v2  }
0xbc: {  	v1 =	vsel vm13, $0x1A0, v1;
	v0 =	vsel vm7, $0x198, v0;
	v2 =	vld [tilespmem:s5+$0x860]  }
0xbd: {  	v1 =	vsel vm14, $0x1A1, v1;
	v3 =	vld [tilespmem:s5+$0x8860];
	v0 =	vsel vm8, $0x199, v0  }
0xbe: {  	v1 =	vsel vm0, $0x1A2, v1;
	v0 =	vsel vm9, $0x19A, v0  }
0xbf: {  	v22 =	vsel vm10, $0x19B, v0;
	v0 =	vsel vm1, $0x1A3, v1  }
0xc0: {  	v0 =	vsel vm2, $0x1A4, v0  }
0xc1: {  	v0 =	vsel vm3, $0x1A5, v0  }
0xc2: {  	v1 =	vimm.s32 $0x1C0;
	v2 =	vmul.f32 v3, v2;
	v0 =	vsel vm4, $0x1A7, v0  }
0xc3: {  	v1 =	vsel vm11, $0x1B0, v1;
	v0 =	vsel vm5, $0x1A8, v0  }
0xc4: {  	v1 =	vsel vm12, $0x1B1, v1;
	v0 =	vsel vm6, $0x1A9, v0;
	[tilespmem:v22+s3+$0x0] =	vst.idx.msk $0xffff, v2  }
0xc5: {  	v1 =	vsel vm13, $0x1B2, v1;
	v0 =	vsel vm7, $0x1AA, v0;
	v2 =	vld [tilespmem:s5+$0x870]  }
0xc6: {  	v1 =	vsel vm14, $0x1B3, v1;
	v3 =	vld [tilespmem:s5+$0x8870];
	v0 =	vsel vm8, $0x1AB, v0  }
0xc7: {  	v1 =	vsel vm0, $0x1B4, v1;
	v0 =	vsel vm9, $0x1AC, v0  }
0xc8: {  	v23 =	vsel vm10, $0x1AD, v0;
	v0 =	vsel vm1, $0x1B5, v1  }
0xc9: {  	v0 =	vsel vm2, $0x1B6, v0  }
0xca: {  	v0 =	vsel vm3, $0x1B7, v0  }
0xcb: {  	v1 =	vimm.s32 $0x1D2;
	v2 =	vmul.f32 v3, v2;
	v0 =	vsel vm4, $0x1B9, v0  }
0xcc: {  	v1 =	vsel vm11, $0x1C2, v1;
	v0 =	vsel vm5, $0x1BA, v0  }
0xcd: {  	v1 =	vsel vm12, $0x1C3, v1;
	v0 =	vsel vm6, $0x1BB, v0;
	[tilespmem:v23+s3+$0x0] =	vst.idx.msk $0xffff, v2  }
0xce: {  	v1 =	vsel vm13, $0x1C4, v1;
	v0 =	vsel vm7, $0x1BC, v0;
	v2 =	vld [tilespmem:s5+$0xC00]  }
0xcf: {  	v1 =	vsel vm14, $0x1C5, v1;
	v3 =	vld [tilespmem:s5+$0x8C00];
	v0 =	vsel vm8, $0x1BD, v0  }
0xd0: {  	v1 =	vsel vm0, $0x1C6, v1;
	v0 =	vsel vm9, $0x1BE, v0  }
0xd1: {  	v24 =	vsel vm10, $0x1BF, v0;
	v0 =	vsel vm1, $0x1C7, v1  }
0xd2: {  	v0 =	vsel vm2, $0x1C8, v0  }
0xd3: {  	v0 =	vsel vm3, $0x1C9, v0  }
0xd4: {  	v1 =	vimm.s32 $0x1E4;
	v2 =	vmul.f32 v3, v2;
	v0 =	vsel vm4, $0x1CB, v0  }
0xd5: {  	v1 =	vsel vm11, $0x1D4, v1;
	v0 =	vsel vm5, $0x1CC, v0  }
0xd6: {  	v1 =	vsel vm12, $0x1D5, v1;
	v0 =	vsel vm6, $0x1CD, v0;
	[tilespmem:v24+s3+$0x0] =	vst.idx.msk $0xffff, v2  }
0xd7: {  	v1 =	vsel vm13, $0x1D6, v1;
	v0 =	vsel vm7, $0x1CE, v0;
	v2 =	vld [tilespmem:s5+$0xC10]  }
0xd8: {  	v1 =	vsel vm14, $0x1D7, v1;
	v3 =	vld [tilespmem:s5+$0x8C10];
	v0 =	vsel vm8, $0x1CF, v0  }
0xd9: {  	v1 =	vsel vm0, $0x1D8, v1;
	v0 =	vsel vm9, $0x1D0, v0  }
0xda: {  	v25 =	vsel vm10, $0x1D1, v0;
	v0 =	vsel vm1, $0x1D9, v1  }
0xdb: {  	v0 =	vsel vm2, $0x1DA, v0  }
0xdc: {  	v0 =	vsel vm3, $0x1DB, v0  }
0xdd: {  	v1 =	vimm.s32 $0x1F6;
	v2 =	vmul.f32 v3, v2;
	v0 =	vsel vm4, $0x1DD, v0  }
0xde: {  	v1 =	vsel vm11, $0x1E6, v1;
	v0 =	vsel vm5, $0x1DE, v0  }
0xdf: {  	v1 =	vsel vm12, $0x1E7, v1;
	v0 =	vsel vm6, $0x1DF, v0;
	[tilespmem:v25+s3+$0x0] =	vst.idx.msk $0xffff, v2  }
0xe0: {  	v1 =	vsel vm13, $0x1E8, v1;
	v0 =	vsel vm7, $0x1E0, v0;
	v2 =	vld [tilespmem:s5+$0xC20]  }
0xe1: {  	v1 =	vsel vm14, $0x1E9, v1;
	v3 =	vld [tilespmem:s5+$0x8C20];
	v0 =	vsel vm8, $0x1E1, v0  }
0xe2: {  	v1 =	vsel vm0, $0x1EA, v1;
	v0 =	vsel vm9, $0x1E2, v0  }
0xe3: {  	v26 =	vsel vm10, $0x1E3, v0;
	v0 =	vsel vm1, $0x1EB, v1  }
0xe4: {  	v0 =	vsel vm2, $0x1EC, v0  }
0xe5: {  	v0 =	vsel vm3, $0x1ED, v0  }
0xe6: {  	v1 =	vimm.s32 $0x208;
	v2 =	vmul.f32 v3, v2;
	v0 =	vsel vm4, $0x1EF, v0  }
0xe7: {  	v1 =	vsel vm11, $0x1F8, v1;
	v0 =	vsel vm5, $0x1F0, v0  }
0xe8: {  	v1 =	vsel vm12, $0x1F9, v1;
	v0 =	vsel vm6, $0x1F1, v0;
	[tilespmem:v26+s3+$0x0] =	vst.idx.msk $0xffff, v2  }
0xe9: {  	v1 =	vsel vm13, $0x1FA, v1;
	v0 =	vsel vm7, $0x1F2, v0;
	v2 =	vld [tilespmem:s5+$0xC30]  }
0xea: {  	v1 =	vsel vm14, $0x1FB, v1;
	v3 =	vld [tilespmem:s5+$0x8C30];
	v0 =	vsel vm8, $0x1F3, v0  }
0xeb: {  	v1 =	vsel vm0, $0x1FC, v1;
	v0 =	vsel vm9, $0x1F4, v0  }
0xec: {  	v27 =	vsel vm10, $0x1F5, v0;
	v0 =	vsel vm1, $0x1FD, v1  }
0xed: {  	v0 =	vsel vm2, $0x1FE, v0  }
0xee: {  	v0 =	vsel vm3, $0x1FF, v0  }
0xef: {  	v1 =	vimm.s32 $0x21A;
	v2 =	vmul.f32 v3, v2;
	v0 =	vsel vm4, $0x201, v0  }
0xf0: {  	v1 =	vsel vm11, $0x20A, v1;
	v0 =	vsel vm5, $0x202, v0  }
0xf1: {  	v1 =	vsel vm12, $0x20B, v1;
	v0 =	vsel vm6, $0x203, v0;
	[tilespmem:v27+s3+$0x0] =	vst.idx.msk $0xffff, v2  }
0xf2: {  	v1 =	vsel vm13, $0x20C, v1;
	v0 =	vsel vm7, $0x204, v0;
	v2 =	vld [tilespmem:s5+$0xC40]  }
0xf3: {  	v1 =	vsel vm14, $0x20D, v1;
	v3 =	vld [tilespmem:s5+$0x8C40];
	v0 =	vsel vm8, $0x205, v0  }
0xf4: {  	v1 =	vsel vm0, $0x20E, v1;
	v0 =	vsel vm9, $0x206, v0  }
0xf5: {  	v28 =	vsel vm10, $0x207, v0;
	v0 =	vsel vm1, $0x20F, v1  }
0xf6: {  	v0 =	vsel vm2, $0x210, v0  }
0xf7: {  	v0 =	vsel vm3, $0x211, v0  }
0xf8: {  	v1 =	vimm.s32 $0x22C;
	v2 =	vmul.f32 v3, v2;
	v0 =	vsel vm4, $0x213, v0  }
0xf9: {  	v1 =	vsel vm11, $0x21C, v1;
	v0 =	vsel vm5, $0x214, v0  }
0xfa: {  	v1 =	vsel vm12, $0x21D, v1;
	v0 =	vsel vm6, $0x215, v0;
	[tilespmem:v28+s3+$0x0] =	vst.idx.msk $0xffff, v2  }
0xfb: {  	v1 =	vsel vm13, $0x21E, v1;
	v0 =	vsel vm7, $0x216, v0;
	v2 =	vld [tilespmem:s5+$0xC50]  }
0xfc: {  	v1 =	vsel vm14, $0x21F, v1;
	v3 =	vld [tilespmem:s5+$0x8C50];
	v0 =	vsel vm8, $0x217, v0  }
0xfd: {  	v1 =	vsel vm0, $0x220, v1;
	v0 =	vsel vm9, $0x218, v0  }
0xfe: {  	v29 =	vsel vm10, $0x219, v0;
	v0 =	vsel vm1, $0x221, v1  }
0xff: {  	v0 =	vsel vm2, $0x222, v0  }
0x100: {  	v0 =	vsel vm3, $0x223, v0  }
0x101: {  	v1 =	vimm.s32 $0x23E;
	v2 =	vmul.f32 v3, v2;
	v0 =	vsel vm4, $0x225, v0  }
0x102: {  	v1 =	vsel vm11, $0x22E, v1;
	v0 =	vsel vm5, $0x226, v0  }
0x103: {  	v1 =	vsel vm12, $0x22F, v1;
	v0 =	vsel vm6, $0x227, v0;
	[tilespmem:v29+s3+$0x0] =	vst.idx.msk $0xffff, v2  }
0x104: {  	v1 =	vsel vm13, $0x230, v1;
	v0 =	vsel vm7, $0x228, v0;
	v2 =	vld [tilespmem:s5+$0xC60]  }
0x105: {  	v1 =	vsel vm14, $0x231, v1;
	v3 =	vld [tilespmem:s5+$0x8C60];
	v0 =	vsel vm8, $0x229, v0  }
0x106: {  	v1 =	vsel vm0, $0x232, v1;
	v0 =	vsel vm9, $0x22A, v0  }
0x107: {  	v31 =	vsel vm10, $0x22B, v0;
	v0 =	vsel vm1, $0x233, v1  }
0x108: {  	v0 =	vsel vm2, $0x234, v0  }
0x109: {  	v0 =	vsel vm3, $0x235, v0  }
0x10a: {  	v1 =	vmul.f32 v3, v2;
	v0 =	vsel vm4, $0x237, v0  }
0x10b: {  	v0 =	vsel vm5, $0x238, v0  }
0x10c: {  	v0 =	vsel vm6, $0x239, v0;
	[tilespmem:v31+s3+$0x0] =	vst.idx.msk $0xffff, v1  }
0x10d: {  	v0 =	vsel vm7, $0x23A, v0;
	v1 =	vld [tilespmem:s5+$0xC70]  }
0x10e: {  	v2 =	vlaneseq.u32;
	v3 =	vld [tilespmem:s5+$0x8C70];
	v0 =	vsel vm8, $0x23B, v0  }
0x10f: {  	v55 =	vmul.u32 $0x9, v2;
	v0 =	vsel vm9, $0x23C, v0  }
0x110: {  	v56 =	vsel vm10, $0x23D, v0  }
0x111: {  	v57 =	vadd.s32 $0x1, v55;
	v58 =	vadd.s32 $0x2, v55  }
0x112: {  	v59 =	vadd.s32 $0x3, v55;
	v61 =	vadd.s32 $0x4, v55;
	v63 =	vadd.s32 $0x5, v55  }
0x113: {  	v62 =	vadd.s32 $0x6, v55;
	v60 =	vadd.s32 $0x7, v55;
	v0 =	vmul.f32 v3, v1  }
0x114: {  	v47 =	vadd.s32 $0x90, v55;
	v48 =	vadd.s32 $0x91, v55;
	v49 =	vadd.s32 $0x92, v55  }
0x115: {  	v50 =	vadd.s32 $0x93, v55;
	v51 =	vadd.s32 $0x94, v55;
	v52 =	vadd.s32 $0x95, v55;
	[tilespmem:v56+s3+$0x0] =	vst.idx.msk $0xffff, v0  }
0x116: {  	v54 =	vadd.s32 $0x96, v55;
	v53 =	vadd.s32 $0x97, v55;
	v37 =	vadd.s32 $0x120, v55;
	v0 =	vld.idx.msk [tilespmem:v55+s3+$0x0], $0xffff  }
0x117: {  	v42 =	vadd.s32 $0x121, v55;
	v40 =	vadd.s32 $0x122, v55;
	v41 =	vadd.s32 $0x123, v55;
	v1 =	vld.idx.msk [tilespmem:v57+s3+$0x0], $0xffff  }
0x118: {  	v43 =	vadd.s32 $0x124, v55;
	v44 =	vadd.s32 $0x125, v55;
	v45 =	vadd.s32 $0x126, v55;
	v2 =	vld.idx.msk [tilespmem:v58+s3+$0x0], $0xffff  }
0x119: {  	v46 =	vadd.s32 $0x127, v55;
	v30 =	vadd.s32 $0x1B0, v55;
	v32 =	vadd.s32 $0x1B1, v55;
	v3 =	vld.idx.msk [tilespmem:v59+s3+$0x0], $0xffff  }
0x11a: {  	v33 =	vadd.s32 $0x1B2, v55;
	v34 =	vadd.s32 $0x1B3, v55;
	v35 =	vadd.s32 $0x1B4, v55;
	v4 =	vld.idx.msk [tilespmem:v61+s3+$0x0], $0xffff  }
0x11b: {  	s6 =	simm.s32 $0x80;
	v7 =	vmovc v6;
	v38 =	vadd.s32 $0x1B5, v55;
	v39 =	vadd.s32 $0x1B6, v55;
	v36 =	vadd.s32 $0x1B7, v55;
	s5 =	simm.s32 $0x0;
	v5 =	vld.idx.msk [tilespmem:v63+s3+$0x0], $0xffff  }
.LBB2_1:
0x11c: {  	v6 =	vld.idx.msk [tilespmem:v62+s3+$0x0], $0xffff;
	v0 =	vmax.f32 v0, v1  }
0x11d: {  	v1 =	vld.idx.msk [tilespmem:v60+s3+$0x0], $0xffff;
	v0 =	vmax.f32 v0, v2  }
0x11e: {  	v0 =	vmax.f32 v0, v3  }
0x11f: {  	v0 =	vmax.f32 v0, v4  }
0x120: {  	v0 =	vmax.f32 v0, v5  }
0x121: {  	v0 =	vmax.f32 v0, v6  }
0x122: {  	s8 =	sshra.s32 s5, $0x2;
	v0 =	vmax.f32 v0, v1  }
0x123: {  	[tilespmem:s8+$0xC280] =	vst v0  }
0x124: {  	v0 =	vld.idx.msk [tilespmem:v47+s3+$0x0], $0xffff  }
0x125: {  	v1 =	vld.idx.msk [tilespmem:v48+s3+$0x0], $0xffff  }
0x126: {  	v2 =	vld.idx.msk [tilespmem:v49+s3+$0x0], $0xffff  }
0x127: {  	v3 =	vld.idx.msk [tilespmem:v50+s3+$0x0], $0xffff  }
0x128: {  	v4 =	vld.idx.msk [tilespmem:v51+s3+$0x0], $0xffff  }
0x129: {  	v5 =	vld.idx.msk [tilespmem:v52+s3+$0x0], $0xffff  }
0x12a: {  	v6 =	vld.idx.msk [tilespmem:v54+s3+$0x0], $0xffff;
	v0 =	vmax.f32 v0, v1  }
0x12b: {  	v1 =	vld.idx.msk [tilespmem:v53+s3+$0x0], $0xffff;
	v0 =	vmax.f32 v0, v2  }
0x12c: {  	v0 =	vmax.f32 v0, v3  }
0x12d: {  	v0 =	vmax.f32 v0, v4  }
0x12e: {  	v0 =	vmax.f32 v0, v5  }
0x12f: {  	v0 =	vmax.f32 v0, v6  }
0x130: {  	v0 =	vmax.f32 v0, v1  }
0x131: {  	[tilespmem:s8+$0xC290] =	vst v0  }
0x132: {  	v0 =	vld.idx.msk [tilespmem:v42+s3+$0x0], $0xffff  }
0x133: {  	v1 =	vld.idx.msk [tilespmem:v37+s3+$0x0], $0xffff  }
0x134: {  	v2 =	vld.idx.msk [tilespmem:v40+s3+$0x0], $0xffff  }
0x135: {  	v3 =	vld.idx.msk [tilespmem:v41+s3+$0x0], $0xffff  }
0x136: {  	v4 =	vld.idx.msk [tilespmem:v43+s3+$0x0], $0xffff  }
0x137: {  	v5 =	vld.idx.msk [tilespmem:v44+s3+$0x0], $0xffff  }
0x138: {  	v6 =	vld.idx.msk [tilespmem:v45+s3+$0x0], $0xffff;
	v0 =	vmax.f32 v1, v0  }
0x139: {  	v1 =	vld.idx.msk [tilespmem:v46+s3+$0x0], $0xffff;
	v0 =	vmax.f32 v0, v2  }
0x13a: {  	v0 =	vmax.f32 v0, v3  }
0x13b: {  	v0 =	vmax.f32 v0, v4  }
0x13c: {  	v0 =	vmax.f32 v0, v5  }
0x13d: {  	v0 =	vmax.f32 v0, v6  }
0x13e: {  	v0 =	vmax.f32 v0, v1  }
0x13f: {  	[tilespmem:s8+$0xC2A0] =	vst v0  }
0x140: {  	v0 =	vld.idx.msk [tilespmem:v32+s3+$0x0], $0xffff  }
0x141: {  	v1 =	vld.idx.msk [tilespmem:v30+s3+$0x0], $0xffff  }
0x142: {  	v2 =	vld.idx.msk [tilespmem:v33+s3+$0x0], $0xffff  }
0x143: {  	v3 =	vld.idx.msk [tilespmem:v34+s3+$0x0], $0xffff  }
0x144: {  	v4 =	vld.idx.msk [tilespmem:v35+s3+$0x0], $0xffff  }
0x145: {  	v5 =	vld.idx.msk [tilespmem:v38+s3+$0x0], $0xffff  }
0x146: {  	v6 =	vld.idx.msk [tilespmem:v39+s3+$0x0], $0xffff;
	v0 =	vmax.f32 v1, v0  }
0x147: {  	v1 =	vld.idx.msk [tilespmem:v36+s3+$0x0], $0xffff;
	v0 =	vmax.f32 v0, v2  }
0x148: {  	v0 =	vmax.f32 v0, v3  }
0x149: {  	v0 =	vmax.f32 v0, v4  }
0x14a: {  	v0 =	vmax.f32 v0, v5  }
0x14b: {  	s4 =	sadd.s32 $0x200, s4;
	s7 =	smov.u32 s6;
	v0 =	vmax.f32 v0, v6  }
0x14c: {  	s9 =	sand.u32 $0x3000, s4;
	s7 =	sand.u32 $0x380, s7;
	v0 =	vmax.f32 v0, v1  }
0x14d: {  	s7 =	sor.u32 s7, s9;
	[tilespmem:s8+$0xC2B0] =	vst v0  }
0x14e: {  	v0 =	vld [tilespmem:s7+$0x0]  }
0x14f: {  	v1 =	vld [tilespmem:s7+$0x8000];
	_ =	sdelay $0x4  }
0x150: {  	v0 =	vmul.f32 v1, v0;
	v1 =	vld [tilespmem:$0x1FF90];
	_ =	sdelay $0x7  }
0x151: {  	[tilespmem:v1+s3+$0x0] =	vst.idx.msk $0xffff, v0  }
0x152: {  	v0 =	vld [tilespmem:s7+$0x10]  }
0x153: {  	v1 =	vld [tilespmem:s7+$0x8010];
	_ =	sdelay $0x4  }
0x154: {  	v0 =	vmul.f32 v1, v0;
	v1 =	vld [tilespmem:$0x1FFA0];
	_ =	sdelay $0x7  }
0x155: {  	[tilespmem:v1+s3+$0x0] =	vst.idx.msk $0xffff, v0  }
0x156: {  	v0 =	vld [tilespmem:s7+$0x20]  }
0x157: {  	v1 =	vld [tilespmem:s7+$0x8020];
	_ =	sdelay $0x4  }
0x158: {  	v0 =	vmul.f32 v1, v0;
	v1 =	vld [tilespmem:$0x1FFB0];
	_ =	sdelay $0x7  }
0x159: {  	[tilespmem:v1+s3+$0x0] =	vst.idx.msk $0xffff, v0  }
0x15a: {  	v0 =	vld [tilespmem:s7+$0x30]  }
0x15b: {  	v1 =	vld [tilespmem:s7+$0x8030];
	_ =	sdelay $0x4  }
0x15c: {  	v0 =	vmul.f32 v1, v0;
	v1 =	vld [tilespmem:$0x1FFC0];
	_ =	sdelay $0x7  }
0x15d: {  	[tilespmem:v1+s3+$0x0] =	vst.idx.msk $0xffff, v0  }
0x15e: {  	v0 =	vld [tilespmem:s7+$0x40]  }
0x15f: {  	v1 =	vld [tilespmem:s7+$0x8040];
	_ =	sdelay $0x4  }
0x160: {  	v0 =	vmul.f32 v1, v0;
	v1 =	vld [tilespmem:$0x1FFD0];
	_ =	sdelay $0x7  }
0x161: {  	[tilespmem:v1+s3+$0x0] =	vst.idx.msk $0xffff, v0  }
0x162: {  	v0 =	vld [tilespmem:s7+$0x50]  }
0x163: {  	v1 =	vld [tilespmem:s7+$0x8050];
	_ =	sdelay $0x4  }
0x164: {  	v0 =	vmul.f32 v1, v0;
	v1 =	vld [tilespmem:$0x1FFE0];
	_ =	sdelay $0x7  }
0x165: {  	[tilespmem:v1+s3+$0x0] =	vst.idx.msk $0xffff, v0  }
0x166: {  	v0 =	vld [tilespmem:s7+$0x60]  }
0x167: {  	v1 =	vld [tilespmem:s7+$0x8060];
	_ =	sdelay $0x4  }
0x168: {  	v0 =	vmul.f32 v1, v0;
	v1 =	vld [tilespmem:$0x1FFF0];
	_ =	sdelay $0x7  }
0x169: {  	[tilespmem:v1+s3+$0x0] =	vst.idx.msk $0xffff, v0  }
0x16a: {  	v0 =	vld [tilespmem:s7+$0x70]  }
0x16b: {  	v1 =	vld [tilespmem:s7+$0x8070];
	_ =	sdelay $0x4  }
0x16c: {  	v0 =	vmul.f32 v1, v0;
	_ =	sdelay $0x1  }
0x16d: {  	[tilespmem:v7+s3+$0x0] =	vst.idx.msk $0xffff, v0  }
0x16e: {  	v0 =	vld [tilespmem:s7+$0x400]  }
0x16f: {  	v1 =	vld [tilespmem:s7+$0x8400];
	_ =	sdelay $0x4  }
0x170: {  	v0 =	vmul.f32 v1, v0;
	_ =	sdelay $0x1  }
0x171: {  	[tilespmem:v8+s3+$0x0] =	vst.idx.msk $0xffff, v0  }
0x172: {  	v0 =	vld [tilespmem:s7+$0x410]  }
0x173: {  	v1 =	vld [tilespmem:s7+$0x8410];
	_ =	sdelay $0x4  }
0x174: {  	v0 =	vmul.f32 v1, v0;
	_ =	sdelay $0x1  }
0x175: {  	[tilespmem:v9+s3+$0x0] =	vst.idx.msk $0xffff, v0  }
0x176: {  	v0 =	vld [tilespmem:s7+$0x420]  }
0x177: {  	v1 =	vld [tilespmem:s7+$0x8420];
	_ =	sdelay $0x4  }
0x178: {  	v0 =	vmul.f32 v1, v0;
	_ =	sdelay $0x1  }
0x179: {  	[tilespmem:v10+s3+$0x0] =	vst.idx.msk $0xffff, v0  }
0x17a: {  	v0 =	vld [tilespmem:s7+$0x430]  }
0x17b: {  	v1 =	vld [tilespmem:s7+$0x8430];
	_ =	sdelay $0x4  }
0x17c: {  	v0 =	vmul.f32 v1, v0;
	_ =	sdelay $0x1  }
0x17d: {  	[tilespmem:v11+s3+$0x0] =	vst.idx.msk $0xffff, v0  }
0x17e: {  	v0 =	vld [tilespmem:s7+$0x440]  }
0x17f: {  	v1 =	vld [tilespmem:s7+$0x8440];
	_ =	sdelay $0x4  }
0x180: {  	v0 =	vmul.f32 v1, v0;
	_ =	sdelay $0x1  }
0x181: {  	[tilespmem:v12+s3+$0x0] =	vst.idx.msk $0xffff, v0  }
0x182: {  	v0 =	vld [tilespmem:s7+$0x450]  }
0x183: {  	v1 =	vld [tilespmem:s7+$0x8450];
	_ =	sdelay $0x4  }
0x184: {  	v0 =	vmul.f32 v1, v0;
	_ =	sdelay $0x1  }
0x185: {  	[tilespmem:v13+s3+$0x0] =	vst.idx.msk $0xffff, v0  }
0x186: {  	v0 =	vld [tilespmem:s7+$0x460]  }
0x187: {  	v1 =	vld [tilespmem:s7+$0x8460];
	_ =	sdelay $0x4  }
0x188: {  	v0 =	vmul.f32 v1, v0;
	_ =	sdelay $0x1  }
0x189: {  	[tilespmem:v14+s3+$0x0] =	vst.idx.msk $0xffff, v0  }
0x18a: {  	v0 =	vld [tilespmem:s7+$0x470]  }
0x18b: {  	v1 =	vld [tilespmem:s7+$0x8470];
	_ =	sdelay $0x4  }
0x18c: {  	v0 =	vmul.f32 v1, v0;
	_ =	sdelay $0x1  }
0x18d: {  	[tilespmem:v15+s3+$0x0] =	vst.idx.msk $0xffff, v0  }
0x18e: {  	v0 =	vld [tilespmem:s7+$0x800]  }
0x18f: {  	v1 =	vld [tilespmem:s7+$0x8800];
	_ =	sdelay $0x4  }
0x190: {  	v0 =	vmul.f32 v1, v0;
	_ =	sdelay $0x1  }
0x191: {  	[tilespmem:v16+s3+$0x0] =	vst.idx.msk $0xffff, v0  }
0x192: {  	v0 =	vld [tilespmem:s7+$0x810]  }
0x193: {  	v1 =	vld [tilespmem:s7+$0x8810];
	_ =	sdelay $0x4  }
0x194: {  	v0 =	vmul.f32 v1, v0;
	_ =	sdelay $0x1  }
0x195: {  	[tilespmem:v17+s3+$0x0] =	vst.idx.msk $0xffff, v0  }
0x196: {  	v0 =	vld [tilespmem:s7+$0x820]  }
0x197: {  	v1 =	vld [tilespmem:s7+$0x8820];
	_ =	sdelay $0x4  }
0x198: {  	v0 =	vmul.f32 v1, v0;
	_ =	sdelay $0x1  }
0x199: {  	[tilespmem:v18+s3+$0x0] =	vst.idx.msk $0xffff, v0  }
0x19a: {  	v0 =	vld [tilespmem:s7+$0x830]  }
0x19b: {  	v1 =	vld [tilespmem:s7+$0x8830];
	_ =	sdelay $0x4  }
0x19c: {  	v0 =	vmul.f32 v1, v0;
	_ =	sdelay $0x1  }
0x19d: {  	[tilespmem:v19+s3+$0x0] =	vst.idx.msk $0xffff, v0  }
0x19e: {  	v0 =	vld [tilespmem:s7+$0x840]  }
0x19f: {  	v1 =	vld [tilespmem:s7+$0x8840];
	_ =	sdelay $0x4  }
0x1a0: {  	v0 =	vmul.f32 v1, v0;
	_ =	sdelay $0x1  }
0x1a1: {  	[tilespmem:v20+s3+$0x0] =	vst.idx.msk $0xffff, v0  }
0x1a2: {  	v0 =	vld [tilespmem:s7+$0x850]  }
0x1a3: {  	v1 =	vld [tilespmem:s7+$0x8850];
	_ =	sdelay $0x4  }
0x1a4: {  	v0 =	vmul.f32 v1, v0;
	_ =	sdelay $0x1  }
0x1a5: {  	[tilespmem:v21+s3+$0x0] =	vst.idx.msk $0xffff, v0  }
0x1a6: {  	v0 =	vld [tilespmem:s7+$0x860]  }
0x1a7: {  	v1 =	vld [tilespmem:s7+$0x8860];
	_ =	sdelay $0x4  }
0x1a8: {  	v0 =	vmul.f32 v1, v0;
	_ =	sdelay $0x1  }
0x1a9: {  	[tilespmem:v22+s3+$0x0] =	vst.idx.msk $0xffff, v0  }
0x1aa: {  	v0 =	vld [tilespmem:s7+$0x870]  }
0x1ab: {  	v1 =	vld [tilespmem:s7+$0x8870];
	_ =	sdelay $0x4  }
0x1ac: {  	v0 =	vmul.f32 v1, v0;
	_ =	sdelay $0x1  }
0x1ad: {  	[tilespmem:v23+s3+$0x0] =	vst.idx.msk $0xffff, v0  }
0x1ae: {  	v0 =	vld [tilespmem:s7+$0xC00]  }
0x1af: {  	v1 =	vld [tilespmem:s7+$0x8C00];
	_ =	sdelay $0x4  }
0x1b0: {  	v0 =	vmul.f32 v1, v0;
	_ =	sdelay $0x1  }
0x1b1: {  	[tilespmem:v24+s3+$0x0] =	vst.idx.msk $0xffff, v0  }
0x1b2: {  	v0 =	vld [tilespmem:s7+$0xC10]  }
0x1b3: {  	v1 =	vld [tilespmem:s7+$0x8C10];
	_ =	sdelay $0x4  }
0x1b4: {  	v0 =	vmul.f32 v1, v0;
	_ =	sdelay $0x1  }
0x1b5: {  	[tilespmem:v25+s3+$0x0] =	vst.idx.msk $0xffff, v0  }
0x1b6: {  	v0 =	vld [tilespmem:s7+$0xC20]  }
0x1b7: {  	v1 =	vld [tilespmem:s7+$0x8C20];
	_ =	sdelay $0x4  }
0x1b8: {  	v0 =	vmul.f32 v1, v0;
	_ =	sdelay $0x1  }
0x1b9: {  	[tilespmem:v26+s3+$0x0] =	vst.idx.msk $0xffff, v0  }
0x1ba: {  	v0 =	vld [tilespmem:s7+$0xC30]  }
0x1bb: {  	v1 =	vld [tilespmem:s7+$0x8C30];
	_ =	sdelay $0x4  }
0x1bc: {  	v0 =	vmul.f32 v1, v0;
	_ =	sdelay $0x1  }
0x1bd: {  	[tilespmem:v27+s3+$0x0] =	vst.idx.msk $0xffff, v0  }
0x1be: {  	v0 =	vld [tilespmem:s7+$0xC40]  }
0x1bf: {  	v1 =	vld [tilespmem:s7+$0x8C40];
	_ =	sdelay $0x4  }
0x1c0: {  	v0 =	vmul.f32 v1, v0;
	_ =	sdelay $0x1  }
0x1c1: {  	[tilespmem:v28+s3+$0x0] =	vst.idx.msk $0xffff, v0  }
0x1c2: {  	v0 =	vld [tilespmem:s7+$0xC50]  }
0x1c3: {  	v1 =	vld [tilespmem:s7+$0x8C50];
	_ =	sdelay $0x4  }
0x1c4: {  	v0 =	vmul.f32 v1, v0;
	_ =	sdelay $0x1  }
0x1c5: {  	[tilespmem:v29+s3+$0x0] =	vst.idx.msk $0xffff, v0  }
0x1c6: {  	v0 =	vld [tilespmem:s7+$0xC60]  }
0x1c7: {  	v1 =	vld [tilespmem:s7+$0x8C60];
	_ =	sdelay $0x4  }
0x1c8: {  	v0 =	vmul.f32 v1, v0;
	_ =	sdelay $0x1  }
0x1c9: {  	[tilespmem:v31+s3+$0x0] =	vst.idx.msk $0xffff, v0  }
0x1ca: {  	v0 =	vld [tilespmem:s7+$0xC70]  }
0x1cb: {  	v1 =	vld [tilespmem:s7+$0x8C70];
	_ =	sdelay $0x4  }
0x1cc: {  	v0 =	vmul.f32 v1, v0;
	_ =	sdelay $0x1  }
0x1cd: {  	[tilespmem:v56+s3+$0x0] =	vst.idx.msk $0xffff, v0  }
0x1ce: {  	p0 =	sne.s32 s6, $0xF80;
	v0 =	vld.idx.msk [tilespmem:v55+s3+$0x0], $0xffff  }
.Ltmp0:
0x1cf: {  	v1 =	vld.idx.msk [tilespmem:v57+s3+$0x0], $0xffff;
	(pc) =	sbr.rel @p0 .LBB2_1-.Ltmp0, $4  }
0x1d0: {  	v2 =	vld.idx.msk [tilespmem:v58+s3+$0x0], $0xffff  }
0x1d1: {  	v3 =	vld.idx.msk [tilespmem:v59+s3+$0x0], $0xffff  }
0x1d2: {  	v4 =	vld.idx.msk [tilespmem:v61+s3+$0x0], $0xffff  }
0x1d3: {  	s6 =	sadd.s32 $0x80, s6;
	s5 =	smov.u32 s4;
	v5 =	vld.idx.msk [tilespmem:v63+s3+$0x0], $0xffff  }
0x1d4: {  	_ =	sdelay $0x3  }
0x1d5: {  	v6 =	vld.idx.msk [tilespmem:v62+s3+$0x0], $0xffff;
	v0 =	vmax.f32 v0, v1  }
0x1d6: {  	v1 =	vld.idx.msk [tilespmem:v60+s3+$0x0], $0xffff;
	v0 =	vmax.f32 v0, v2  }
0x1d7: {  	v0 =	vmax.f32 v0, v3  }
0x1d8: {  	v0 =	vmax.f32 v0, v4  }
0x1d9: {  	v0 =	vmax.f32 v0, v5  }
0x1da: {  	v0 =	vmax.f32 v0, v6  }
0x1db: {  	s4 =	sshra.s32 s5, $0x2;
	v0 =	vmax.f32 v0, v1  }
0x1dc: {  	[tilespmem:s4+$0xC280] =	vst v0  }
0x1dd: {  	v0 =	vld.idx.msk [tilespmem:v47+s3+$0x0], $0xffff  }
0x1de: {  	v1 =	vld.idx.msk [tilespmem:v48+s3+$0x0], $0xffff  }
0x1df: {  	v2 =	vld.idx.msk [tilespmem:v49+s3+$0x0], $0xffff  }
0x1e0: {  	v3 =	vld.idx.msk [tilespmem:v50+s3+$0x0], $0xffff  }
0x1e1: {  	v4 =	vld.idx.msk [tilespmem:v51+s3+$0x0], $0xffff  }
0x1e2: {  	v5 =	vld.idx.msk [tilespmem:v52+s3+$0x0], $0xffff  }
0x1e3: {  	v6 =	vld.idx.msk [tilespmem:v54+s3+$0x0], $0xffff;
	v0 =	vmax.f32 v0, v1  }
0x1e4: {  	v1 =	vld.idx.msk [tilespmem:v53+s3+$0x0], $0xffff;
	v0 =	vmax.f32 v0, v2  }
0x1e5: {  	v0 =	vmax.f32 v0, v3  }
0x1e6: {  	v0 =	vmax.f32 v0, v4  }
0x1e7: {  	v0 =	vmax.f32 v0, v5  }
0x1e8: {  	v0 =	vmax.f32 v0, v6  }
0x1e9: {  	v0 =	vmax.f32 v0, v1  }
0x1ea: {  	[tilespmem:s4+$0xC290] =	vst v0  }
0x1eb: {  	v0 =	vld.idx.msk [tilespmem:v42+s3+$0x0], $0xffff  }
0x1ec: {  	v1 =	vld.idx.msk [tilespmem:v37+s3+$0x0], $0xffff  }
0x1ed: {  	v2 =	vld.idx.msk [tilespmem:v40+s3+$0x0], $0xffff  }
0x1ee: {  	v3 =	vld.idx.msk [tilespmem:v41+s3+$0x0], $0xffff  }
0x1ef: {  	v4 =	vld.idx.msk [tilespmem:v43+s3+$0x0], $0xffff  }
0x1f0: {  	v5 =	vld.idx.msk [tilespmem:v44+s3+$0x0], $0xffff  }
0x1f1: {  	v6 =	vld.idx.msk [tilespmem:v45+s3+$0x0], $0xffff;
	v0 =	vmax.f32 v1, v0  }
0x1f2: {  	v1 =	vld.idx.msk [tilespmem:v46+s3+$0x0], $0xffff;
	v0 =	vmax.f32 v0, v2  }
0x1f3: {  	v0 =	vmax.f32 v0, v3  }
0x1f4: {  	v0 =	vmax.f32 v0, v4  }
0x1f5: {  	v0 =	vmax.f32 v0, v5  }
0x1f6: {  	v0 =	vmax.f32 v0, v6  }
0x1f7: {  	v0 =	vmax.f32 v0, v1  }
0x1f8: {  	[tilespmem:s4+$0xC2A0] =	vst v0  }
0x1f9: {  	v0 =	vld.idx.msk [tilespmem:v32+s3+$0x0], $0xffff  }
0x1fa: {  	v1 =	vld.idx.msk [tilespmem:v30+s3+$0x0], $0xffff  }
0x1fb: {  	v2 =	vld.idx.msk [tilespmem:v33+s3+$0x0], $0xffff  }
0x1fc: {  	v3 =	vld.idx.msk [tilespmem:v34+s3+$0x0], $0xffff  }
0x1fd: {  	v4 =	vld.idx.msk [tilespmem:v35+s3+$0x0], $0xffff  }
0x1fe: {  	v5 =	vld.idx.msk [tilespmem:v38+s3+$0x0], $0xffff  }
0x1ff: {  	v6 =	vld.idx.msk [tilespmem:v39+s3+$0x0], $0xffff;
	v0 =	vmax.f32 v1, v0  }
0x200: {  	v1 =	vld.idx.msk [tilespmem:v36+s3+$0x0], $0xffff;
	v0 =	vmax.f32 v0, v2  }
0x201: {  	v0 =	vmax.f32 v0, v3  }
0x202: {  	v0 =	vmax.f32 v0, v4  }
0x203: {  	v0 =	vmax.f32 v0, v5  }
0x204: {  	v0 =	vmax.f32 v0, v6  }
0x205: {  	s5 =	simm.s32 $0x0;
	s3 =	sshll.u32 s1, $0xA;
	v0 =	vmax.f32 v0, v1  }
0x206: {  	s6 =	simm.s32 $0xC280;
	s30 =	simm.s32 $0x2;
	s29 =	sadd.s32 s2, s3;
	[tilespmem:s4+$0xC2B0] =	vst v0  }
0x207: {  	v0 =	vimm.s32 $0x76543210;
	[hbm4b:s29+s5] =	stream.linear.scatter [tilespmem:s6], [sflag:$0x3], $0x1000, $0x38;
	[tilespmem:$0xE280] =	vst v63  }
0x208: {  	v1 =	vimm.s32 $0xFEDCBA9;
	v0 =	vunpack.c.l.s4.s8 v0;
	_ =	swait.ge [sflag:s30], $0x4000  }
0x209: {  	s31 =	sand.u32 $0x3000, s5;
	s7 =	sand.u32 $0x380, s5;
	v1 =	vunpack.c.l.s4.s8 v1;
	[sflag:s30] =	ssyncset.done $0x0  }
0x20a: {  	s6 =	sor.u32 s7, s31;
	v0 =	vunpack.c.0.s8.s32 v0;
	[sflag:s30] =	ssyncadd.s32 $0xFFFFC000  }
0x20b: {  	v1 =	vunpack.c.0.s8.s32 v1;
	v2 =	vld [tilespmem:s6+$0x4000]  }
0x20c: {  	vm11 =	vcmask $0x1F00;
	v0 =	vand.u32 $0xF, v0;
	v3 =	vld [tilespmem:s6+$0x8000]  }
0x20d: {  	v1 =	vand.u32 $0xF, v1;
	v0 =	vnsel vm11, $0x10, v0;
	vm11 =	vcmask $0x3B20  }
0x20e: {  	v5 =	vsel vm11, v1, v0;
	_ =	sdelay $0x1  }
0x20f: {  	v4 =	vimm.s32 $0x19181716  }
0x210: {  	v4 =	vunpack.c.0.s8.s32 v4;
	s4 =	simm.s32 $0xC000;
	v1 =	vmul.f32 v3, v2  }
0x211: {  	v0 =	vimm.s32 $0x1E1D1C1B;
	v2 =	vimm.s32 $0x2221201F;
	v3 =	vimm.s32 $0x15141312  }
0x212: {  	v0 =	vunpack.c.0.s8.s32 v0;
	v2 =	vunpack.c.0.s8.s32 v2;
	v3 =	vunpack.c.0.s8.s32 v3;
	[tilespmem:v5+s4+$0x0] =	vst.idx.msk $0xffff, v1  }
0x213: {  	v1 =	vld [tilespmem:s6+$0x4010]  }
0x214: {  	v0 =	vsel vm15, v2, v0;
	v2 =	vsel vm15, v4, v3;
	v3 =	vld [tilespmem:s6+$0x8010]  }
0x215: {  	[tilespmem:$0x1FF20] =	vst v5;
	v5 =	vcombine.low v2, v0;
	_ =	sdelay $0x3  }
0x216: {  	v4 =	vimm.s32 $0x2B2A2928;
	v0 =	vimm.s32 $0x302F2E2D;
	v1 =	vmul.f32 v3, v1  }
0x217: {  	v2 =	vimm.s32 $0x34333231;
	v4 =	vunpack.c.0.s8.s32 v4;
	v3 =	vimm.s32 $0x27262524  }
0x218: {  	v0 =	vunpack.c.0.s8.s32 v0;
	v2 =	vunpack.c.0.s8.s32 v2;
	v3 =	vunpack.c.0.s8.s32 v3;
	[tilespmem:v5+s4+$0x0] =	vst.idx.msk $0xffff, v1  }
0x219: {  	v1 =	vld [tilespmem:s6+$0x4020]  }
0x21a: {  	v0 =	vsel vm15, v2, v0;
	v2 =	vsel vm15, v4, v3;
	v3 =	vld [tilespmem:s6+$0x8020]  }
0x21b: {  	[tilespmem:$0x1FF30] =	vst v5;
	v5 =	vcombine.low v2, v0;
	_ =	sdelay $0x3  }
0x21c: {  	v4 =	vimm.s32 $0x3D3C3B3A;
	v0 =	vimm.s32 $0x4241403F;
	v1 =	vmul.f32 v3, v1  }
0x21d: {  	v2 =	vimm.s32 $0x46454443;
	v4 =	vunpack.c.0.s8.s32 v4;
	v3 =	vimm.s32 $0x39383736  }
0x21e: {  	v0 =	vunpack.c.0.s8.s32 v0;
	v2 =	vunpack.c.0.s8.s32 v2;
	v3 =	vunpack.c.0.s8.s32 v3;
	[tilespmem:v5+s4+$0x0] =	vst.idx.msk $0xffff, v1  }
0x21f: {  	v1 =	vld [tilespmem:s6+$0x4030]  }
0x220: {  	v0 =	vsel vm15, v2, v0;
	v2 =	vsel vm15, v4, v3;
	v3 =	vld [tilespmem:s6+$0x8030]  }
0x221: {  	[tilespmem:$0x1FF40] =	vst v5;
	v5 =	vcombine.low v2, v0;
	_ =	sdelay $0x3  }
0x222: {  	v4 =	vimm.s32 $0x4F4E4D4C;
	v0 =	vimm.s32 $0x54535251;
	v1 =	vmul.f32 v3, v1  }
0x223: {  	v2 =	vimm.s32 $0x58575655;
	v4 =	vunpack.c.0.s8.s32 v4;
	v3 =	vimm.s32 $0x4B4A4948  }
0x224: {  	v0 =	vunpack.c.0.s8.s32 v0;
	v2 =	vunpack.c.0.s8.s32 v2;
	v3 =	vunpack.c.0.s8.s32 v3;
	[tilespmem:v5+s4+$0x0] =	vst.idx.msk $0xffff, v1  }
0x225: {  	v1 =	vld [tilespmem:s6+$0x4040]  }
0x226: {  	v0 =	vsel vm15, v2, v0;
	v2 =	vsel vm15, v4, v3;
	v3 =	vld [tilespmem:s6+$0x8040]  }
0x227: {  	[tilespmem:$0x1FF50] =	vst v5;
	v5 =	vcombine.low v2, v0;
	_ =	sdelay $0x3  }
0x228: {  	v4 =	vimm.s32 $0x61605F5E;
	v0 =	vimm.s32 $0x66656463;
	v1 =	vmul.f32 v3, v1  }
0x229: {  	v2 =	vimm.s32 $0x6A696867;
	v4 =	vunpack.c.0.s8.s32 v4;
	v3 =	vimm.s32 $0x5D5C5B5A  }
0x22a: {  	v0 =	vunpack.c.0.s8.s32 v0;
	v2 =	vunpack.c.0.s8.s32 v2;
	v3 =	vunpack.c.0.s8.s32 v3;
	[tilespmem:v5+s4+$0x0] =	vst.idx.msk $0xffff, v1  }
0x22b: {  	v1 =	vld [tilespmem:s6+$0x4050]  }
0x22c: {  	v0 =	vsel vm15, v2, v0;
	v2 =	vsel vm15, v4, v3;
	v3 =	vld [tilespmem:s6+$0x8050]  }
0x22d: {  	[tilespmem:$0x1FF60] =	vst v5;
	v5 =	vcombine.low v2, v0;
	_ =	sdelay $0x3  }
0x22e: {  	v4 =	vimm.s32 $0x73727170;
	v0 =	vimm.s32 $0x78777675;
	v1 =	vmul.f32 v3, v1  }
0x22f: {  	v2 =	vimm.s32 $0x7C7B7A79;
	v4 =	vunpack.c.0.s8.s32 v4;
	v3 =	vimm.s32 $0x6F6E6D6C  }
0x230: {  	v0 =	vunpack.c.0.s8.s32 v0;
	v2 =	vunpack.c.0.s8.s32 v2;
	v3 =	vunpack.c.0.s8.s32 v3;
	[tilespmem:v5+s4+$0x0] =	vst.idx.msk $0xffff, v1  }
0x231: {  	v1 =	vld [tilespmem:s6+$0x4060]  }
0x232: {  	v0 =	vsel vm15, v2, v0;
	v2 =	vsel vm15, v4, v3;
	v3 =	vld [tilespmem:s6+$0x8060]  }
0x233: {  	v6 =	vcombine.low v2, v0;
	_ =	sdelay $0x1  }
0x234: {  	[tilespmem:$0x1FF70] =	vst v5  }
0x235: {  	v5 =	vimm.s32 $0x85848382;
	v4 =	vimm.s32 $0x81807F7E;
	v0 =	vimm.s32 $0x8A898887  }
0x236: {  	v2 =	vimm.s32 $0x8E8D8C8B;
	v0 =	vunpack.c.0.s8.s32 v0;
	v1 =	vmul.f32 v3, v1  }
0x237: {  	v2 =	vunpack.c.0.s8.s32 v2;
	v3 =	vunpack.c.0.s8.s32 v4;
	v4 =	vunpack.c.0.s8.s32 v5  }
0x238: {  	[tilespmem:v6+s4+$0x0] =	vst.idx.msk $0xffff, v1  }
0x239: {  	v0 =	vsel vm15, v2, v0;
	v1 =	vsel vm15, v4, v3;
	v2 =	vld [tilespmem:s6+$0x4070]  }
0x23a: {  	v0 =	vcombine.low v1, v0;
	v1 =	vld [tilespmem:s6+$0x8070];
	_ =	sdelay $0x1  }
0x23b: {  	[tilespmem:$0x1FF80] =	vst v6;
	v6 =	vand.u32 $0xFF, v0;
	_ =	sdelay $0x1  }
0x23c: {  	v5 =	vimm.s32 $0x97969594;
	v3 =	vimm.s32 $0xA09F9E9D;
	v0 =	vimm.s32 $0x9C9B9A99  }
0x23d: {  	v4 =	vimm.s32 $0x93929190;
	v0 =	vunpack.c.0.s8.s32 v0;
	v1 =	vmul.f32 v1, v2  }
0x23e: {  	v2 =	vunpack.c.0.s8.s32 v3;
	v3 =	vunpack.c.0.s8.s32 v4;
	v4 =	vunpack.c.0.s8.s32 v5  }
0x23f: {  	[tilespmem:v6+s4+$0x0] =	vst.idx.msk $0xffff, v1  }
0x240: {  	v0 =	vsel vm15, v2, v0;
	v1 =	vsel vm15, v4, v3;
	v2 =	vld [tilespmem:s6+$0x4400]  }
0x241: {  	v0 =	vcombine.low v1, v0;
	v1 =	vld [tilespmem:s6+$0x8400];
	_ =	sdelay $0x1  }
0x242: {  	v8 =	vand.u32 $0xFF, v0;
	_ =	sdelay $0x1  }
0x243: {  	v5 =	vimm.s32 $0xA9A8A7A6;
	v3 =	vimm.s32 $0xB2B1B0AF;
	v0 =	vimm.s32 $0xAEADACAB  }
0x244: {  	v4 =	vimm.s32 $0xA5A4A3A2;
	v0 =	vunpack.c.0.s8.s32 v0;
	v1 =	vmul.f32 v1, v2  }
0x245: {  	v2 =	vunpack.c.0.s8.s32 v3;
	v3 =	vunpack.c.0.s8.s32 v4;
	v4 =	vunpack.c.0.s8.s32 v5  }
0x246: {  	[tilespmem:v8+s4+$0x0] =	vst.idx.msk $0xffff, v1  }
0x247: {  	v0 =	vsel vm15, v2, v0;
	v1 =	vsel vm15, v4, v3;
	v2 =	vld [tilespmem:s6+$0x4410]  }
0x248: {  	v0 =	vcombine.low v1, v0;
	v1 =	vld [tilespmem:s6+$0x8410];
	_ =	sdelay $0x1  }
0x249: {  	v9 =	vand.u32 $0xFF, v0;
	_ =	sdelay $0x1  }
0x24a: {  	v5 =	vimm.s32 $0xBBBAB9B8;
	v3 =	vimm.s32 $0xC4C3C2C1;
	v0 =	vimm.s32 $0xC0BFBEBD  }
0x24b: {  	v4 =	vimm.s32 $0xB7B6B5B4;
	v0 =	vunpack.c.0.s8.s32 v0;
	v1 =	vmul.f32 v1, v2  }
0x24c: {  	v2 =	vunpack.c.0.s8.s32 v3;
	v3 =	vunpack.c.0.s8.s32 v4;
	v4 =	vunpack.c.0.s8.s32 v5  }
0x24d: {  	[tilespmem:v9+s4+$0x0] =	vst.idx.msk $0xffff, v1  }
0x24e: {  	v0 =	vsel vm15, v2, v0;
	v1 =	vsel vm15, v4, v3;
	v2 =	vld [tilespmem:s6+$0x4420]  }
0x24f: {  	v0 =	vcombine.low v1, v0;
	v1 =	vld [tilespmem:s6+$0x8420];
	_ =	sdelay $0x1  }
0x250: {  	v10 =	vand.u32 $0xFF, v0;
	_ =	sdelay $0x1  }
0x251: {  	v5 =	vimm.s32 $0xCDCCCBCA;
	v3 =	vimm.s32 $0xD6D5D4D3;
	v0 =	vimm.s32 $0xD2D1D0CF  }
0x252: {  	v4 =	vimm.s32 $0xC9C8C7C6;
	v0 =	vunpack.c.0.s8.s32 v0;
	v1 =	vmul.f32 v1, v2  }
0x253: {  	v2 =	vunpack.c.0.s8.s32 v3;
	v3 =	vunpack.c.0.s8.s32 v4;
	v4 =	vunpack.c.0.s8.s32 v5  }
0x254: {  	[tilespmem:v10+s4+$0x0] =	vst.idx.msk $0xffff, v1  }
0x255: {  	v0 =	vsel vm15, v2, v0;
	v1 =	vsel vm15, v4, v3;
	v2 =	vld [tilespmem:s6+$0x4430]  }
0x256: {  	v0 =	vcombine.low v1, v0;
	v1 =	vld [tilespmem:s6+$0x8430];
	_ =	sdelay $0x1  }
0x257: {  	v11 =	vand.u32 $0xFF, v0;
	_ =	sdelay $0x1  }
0x258: {  	v5 =	vimm.s32 $0xDFDEDDDC;
	v3 =	vimm.s32 $0xE8E7E6E5;
	v0 =	vimm.s32 $0xE4E3E2E1  }
0x259: {  	v4 =	vimm.s32 $0xDBDAD9D8;
	v0 =	vunpack.c.0.s8.s32 v0;
	v1 =	vmul.f32 v1, v2  }
0x25a: {  	v2 =	vunpack.c.0.s8.s32 v3;
	v3 =	vunpack.c.0.s8.s32 v4;
	v4 =	vunpack.c.0.s8.s32 v5  }
0x25b: {  	[tilespmem:v11+s4+$0x0] =	vst.idx.msk $0xffff, v1  }
0x25c: {  	v0 =	vsel vm15, v2, v0;
	v1 =	vsel vm15, v4, v3;
	v2 =	vld [tilespmem:s6+$0x4440]  }
0x25d: {  	v0 =	vcombine.low v1, v0;
	v1 =	vld [tilespmem:s6+$0x8440];
	_ =	sdelay $0x1  }
0x25e: {  	v12 =	vand.u32 $0xFF, v0  }
0x25f: {  	v13 =	vimm.s32 $0xFFFEFDFC;
	v5 =	vimm.s32 $0xF1F0EFEE  }
0x260: {  	v3 =	vimm.s32 $0xFAF9F8F7;
	v4 =	vimm.s32 $0xEDECEBEA;
	v0 =	vimm.s32 $0xF6F5F4F3  }
0x261: {  	v3 =	vunpack.c.0.s8.s32 v3;
	v0 =	vunpack.c.0.s8.s32 v0;
	v1 =	vmul.f32 v1, v2  }
0x262: {  	v2 =	vunpack.c.0.s8.s32 v4;
	v4 =	vunpack.c.0.s8.s32 v5;
	v5 =	vunpack.c.0.s8.s32 v13  }
0x263: {  	vm11 =	vcmask $0xF00;
	[tilespmem:v12+s4+$0x0] =	vst.idx.msk $0xffff, v1  }
0x264: {  	v0 =	vsel vm15, v3, v0;
	v1 =	vsel vm15, v4, v2;
	v2 =	vand.u32 $0xFF, v5;
	v3 =	vld [tilespmem:s6+$0x4450]  }
0x265: {  	v2 =	vnsel vm11, $0x10C, v2;
	v0 =	vcombine.low v1, v0;
	v1 =	vld [tilespmem:s6+$0x8450]  }
0x266: {  	v2 =	vsel vm0, $0x100, v2  }
0x267: {  	v13 =	vand.u32 $0xFF, v0;
	v0 =	vsel vm1, $0x101, v2  }
0x268: {  	v0 =	vsel vm2, $0x102, v0  }
0x269: {  	vm15 =	vcmask $0x300;
	v0 =	vsel vm3, $0x103, v0  }
0x26a: {  	v2 =	vimm.s32 $0x11E;
	v0 =	vsel vm4, $0x105, v0;
	v1 =	vmul.f32 v1, v3  }
0x26b: {  	v2 =	vsel vm15, $0x10E, v2;
	v0 =	vsel vm5, $0x106, v0  }
0x26c: {  	v2 =	vsel vm12, $0x10F, v2;
	v0 =	vsel vm6, $0x107, v0;
	[tilespmem:v13+s4+$0x0] =	vst.idx.msk $0xffff, v1  }
0x26d: {  	v1 =	vsel vm13, $0x110, v2;
	v0 =	vsel vm7, $0x108, v0;
	v2 =	vld [tilespmem:s6+$0x4460]  }
0x26e: {  	v1 =	vsel vm14, $0x111, v1;
	v3 =	vld [tilespmem:s6+$0x8460];
	v0 =	vsel vm8, $0x109, v0  }
0x26f: {  	v1 =	vsel vm0, $0x112, v1;
	v0 =	vsel vm9, $0x10A, v0  }
0x270: {  	v14 =	vsel vm10, $0x10B, v0;
	v0 =	vsel vm1, $0x113, v1  }
0x271: {  	v0 =	vsel vm2, $0x114, v0  }
0x272: {  	v0 =	vsel vm3, $0x115, v0  }
0x273: {  	v1 =	vimm.s32 $0x130;
	v2 =	vmul.f32 v3, v2;
	v0 =	vsel vm4, $0x117, v0  }
0x274: {  	v1 =	vsel vm15, $0x120, v1;
	v0 =	vsel vm5, $0x118, v0  }
0x275: {  	v1 =	vsel vm12, $0x121, v1;
	v0 =	vsel vm6, $0x119, v0;
	[tilespmem:v14+s4+$0x0] =	vst.idx.msk $0xffff, v2  }
0x276: {  	v1 =	vsel vm13, $0x122, v1;
	v0 =	vsel vm7, $0x11A, v0;
	v2 =	vld [tilespmem:s6+$0x4470]  }
0x277: {  	v1 =	vsel vm14, $0x123, v1;
	v3 =	vld [tilespmem:s6+$0x8470];
	v0 =	vsel vm8, $0x11B, v0  }
0x278: {  	v1 =	vsel vm0, $0x124, v1;
	v0 =	vsel vm9, $0x11C, v0  }
0x279: {  	v15 =	vsel vm10, $0x11D, v0;
	v0 =	vsel vm1, $0x125, v1  }
0x27a: {  	v0 =	vsel vm2, $0x126, v0  }
0x27b: {  	v0 =	vsel vm3, $0x127, v0  }
0x27c: {  	v1 =	vimm.s32 $0x142;
	v2 =	vmul.f32 v3, v2;
	v0 =	vsel vm4, $0x129, v0  }
0x27d: {  	v1 =	vsel vm15, $0x132, v1;
	v0 =	vsel vm5, $0x12A, v0  }
0x27e: {  	v1 =	vsel vm12, $0x133, v1;
	v0 =	vsel vm6, $0x12B, v0;
	[tilespmem:v15+s4+$0x0] =	vst.idx.msk $0xffff, v2  }
0x27f: {  	v1 =	vsel vm13, $0x134, v1;
	v0 =	vsel vm7, $0x12C, v0;
	v2 =	vld [tilespmem:s6+$0x4800]  }
0x280: {  	v1 =	vsel vm14, $0x135, v1;
	v3 =	vld [tilespmem:s6+$0x8800];
	v0 =	vsel vm8, $0x12D, v0  }
0x281: {  	v1 =	vsel vm0, $0x136, v1;
	v0 =	vsel vm9, $0x12E, v0  }
0x282: {  	v16 =	vsel vm10, $0x12F, v0;
	v0 =	vsel vm1, $0x137, v1  }
0x283: {  	v0 =	vsel vm2, $0x138, v0  }
0x284: {  	v0 =	vsel vm3, $0x139, v0  }
0x285: {  	v1 =	vimm.s32 $0x154;
	v2 =	vmul.f32 v3, v2;
	v0 =	vsel vm4, $0x13B, v0  }
0x286: {  	v1 =	vsel vm15, $0x144, v1;
	v0 =	vsel vm5, $0x13C, v0  }
0x287: {  	v1 =	vsel vm12, $0x145, v1;
	v0 =	vsel vm6, $0x13D, v0;
	[tilespmem:v16+s4+$0x0] =	vst.idx.msk $0xffff, v2  }
0x288: {  	v1 =	vsel vm13, $0x146, v1;
	v0 =	vsel vm7, $0x13E, v0;
	v2 =	vld [tilespmem:s6+$0x4810]  }
0x289: {  	v1 =	vsel vm14, $0x147, v1;
	v3 =	vld [tilespmem:s6+$0x8810];
	v0 =	vsel vm8, $0x13F, v0  }
0x28a: {  	v1 =	vsel vm0, $0x148, v1;
	v0 =	vsel vm9, $0x140, v0  }
0x28b: {  	v17 =	vsel vm10, $0x141, v0;
	v0 =	vsel vm1, $0x149, v1  }
0x28c: {  	v0 =	vsel vm2, $0x14A, v0  }
0x28d: {  	v0 =	vsel vm3, $0x14B, v0  }
0x28e: {  	v1 =	vimm.s32 $0x166;
	v2 =	vmul.f32 v3, v2;
	v0 =	vsel vm4, $0x14D, v0  }
0x28f: {  	v1 =	vsel vm15, $0x156, v1;
	v0 =	vsel vm5, $0x14E, v0  }
0x290: {  	v1 =	vsel vm12, $0x157, v1;
	v0 =	vsel vm6, $0x14F, v0;
	[tilespmem:v17+s4+$0x0] =	vst.idx.msk $0xffff, v2  }
0x291: {  	v1 =	vsel vm13, $0x158, v1;
	v0 =	vsel vm7, $0x150, v0;
	v2 =	vld [tilespmem:s6+$0x4820]  }
0x292: {  	v1 =	vsel vm14, $0x159, v1;
	v3 =	vld [tilespmem:s6+$0x8820];
	v0 =	vsel vm8, $0x151, v0  }
0x293: {  	v1 =	vsel vm0, $0x15A, v1;
	v0 =	vsel vm9, $0x152, v0  }
0x294: {  	v18 =	vsel vm10, $0x153, v0;
	v0 =	vsel vm1, $0x15B, v1  }
0x295: {  	v0 =	vsel vm2, $0x15C, v0  }
0x296: {  	v0 =	vsel vm3, $0x15D, v0  }
0x297: {  	v1 =	vimm.s32 $0x178;
	v2 =	vmul.f32 v3, v2;
	v0 =	vsel vm4, $0x15F, v0  }
0x298: {  	v1 =	vsel vm15, $0x168, v1;
	v0 =	vsel vm5, $0x160, v0  }
0x299: {  	v1 =	vsel vm12, $0x169, v1;
	v0 =	vsel vm6, $0x161, v0;
	[tilespmem:v18+s4+$0x0] =	vst.idx.msk $0xffff, v2  }
0x29a: {  	v1 =	vsel vm13, $0x16A, v1;
	v0 =	vsel vm7, $0x162, v0;
	v2 =	vld [tilespmem:s6+$0x4830]  }
0x29b: {  	v1 =	vsel vm14, $0x16B, v1;
	v3 =	vld [tilespmem:s6+$0x8830];
	v0 =	vsel vm8, $0x163, v0  }
0x29c: {  	v1 =	vsel vm0, $0x16C, v1;
	v0 =	vsel vm9, $0x164, v0  }
0x29d: {  	v19 =	vsel vm10, $0x165, v0;
	v0 =	vsel vm1, $0x16D, v1  }
0x29e: {  	v0 =	vsel vm2, $0x16E, v0  }
0x29f: {  	v0 =	vsel vm3, $0x16F, v0  }
0x2a0: {  	v1 =	vimm.s32 $0x18A;
	v2 =	vmul.f32 v3, v2;
	v0 =	vsel vm4, $0x171, v0  }
0x2a1: {  	v1 =	vsel vm15, $0x17A, v1;
	v0 =	vsel vm5, $0x172, v0  }
0x2a2: {  	v1 =	vsel vm12, $0x17B, v1;
	v0 =	vsel vm6, $0x173, v0;
	[tilespmem:v19+s4+$0x0] =	vst.idx.msk $0xffff, v2  }
0x2a3: {  	v1 =	vsel vm13, $0x17C, v1;
	v0 =	vsel vm7, $0x174, v0;
	v2 =	vld [tilespmem:s6+$0x4840]  }
0x2a4: {  	v1 =	vsel vm14, $0x17D, v1;
	v3 =	vld [tilespmem:s6+$0x8840];
	v0 =	vsel vm8, $0x175, v0  }
0x2a5: {  	v1 =	vsel vm0, $0x17E, v1;
	v0 =	vsel vm9, $0x176, v0  }
0x2a6: {  	v20 =	vsel vm10, $0x177, v0;
	v0 =	vsel vm1, $0x17F, v1  }
0x2a7: {  	v0 =	vsel vm2, $0x180, v0  }
0x2a8: {  	v0 =	vsel vm3, $0x181, v0  }
0x2a9: {  	v1 =	vimm.s32 $0x19C;
	v2 =	vmul.f32 v3, v2;
	v0 =	vsel vm4, $0x183, v0  }
0x2aa: {  	v1 =	vsel vm15, $0x18C, v1;
	v0 =	vsel vm5, $0x184, v0  }
0x2ab: {  	v1 =	vsel vm12, $0x18D, v1;
	v0 =	vsel vm6, $0x185, v0;
	[tilespmem:v20+s4+$0x0] =	vst.idx.msk $0xffff, v2  }
0x2ac: {  	v1 =	vsel vm13, $0x18E, v1;
	v0 =	vsel vm7, $0x186, v0;
	v2 =	vld [tilespmem:s6+$0x4850]  }
0x2ad: {  	v1 =	vsel vm14, $0x18F, v1;
	v3 =	vld [tilespmem:s6+$0x8850];
	v0 =	vsel vm8, $0x187, v0  }
0x2ae: {  	v1 =	vsel vm0, $0x190, v1;
	v0 =	vsel vm9, $0x188, v0  }
0x2af: {  	v21 =	vsel vm10, $0x189, v0;
	v0 =	vsel vm1, $0x191, v1  }
0x2b0: {  	v0 =	vsel vm2, $0x192, v0  }
0x2b1: {  	v0 =	vsel vm3, $0x193, v0  }
0x2b2: {  	v1 =	vimm.s32 $0x1AE;
	v2 =	vmul.f32 v3, v2;
	v0 =	vsel vm4, $0x195, v0  }
0x2b3: {  	v1 =	vsel vm15, $0x19E, v1;
	v0 =	vsel vm5, $0x196, v0  }
0x2b4: {  	v1 =	vsel vm12, $0x19F, v1;
	v0 =	vsel vm6, $0x197, v0;
	[tilespmem:v21+s4+$0x0] =	vst.idx.msk $0xffff, v2  }
0x2b5: {  	v1 =	vsel vm13, $0x1A0, v1;
	v0 =	vsel vm7, $0x198, v0;
	v2 =	vld [tilespmem:s6+$0x4860]  }
0x2b6: {  	v1 =	vsel vm14, $0x1A1, v1;
	v3 =	vld [tilespmem:s6+$0x8860];
	v0 =	vsel vm8, $0x199, v0  }
0x2b7: {  	v1 =	vsel vm0, $0x1A2, v1;
	v0 =	vsel vm9, $0x19A, v0  }
0x2b8: {  	v22 =	vsel vm10, $0x19B, v0;
	v0 =	vsel vm1, $0x1A3, v1  }
0x2b9: {  	v0 =	vsel vm2, $0x1A4, v0  }
0x2ba: {  	v0 =	vsel vm3, $0x1A5, v0  }
0x2bb: {  	v1 =	vimm.s32 $0x1C0;
	v2 =	vmul.f32 v3, v2;
	v0 =	vsel vm4, $0x1A7, v0  }
0x2bc: {  	v1 =	vsel vm15, $0x1B0, v1;
	v0 =	vsel vm5, $0x1A8, v0  }
0x2bd: {  	v1 =	vsel vm12, $0x1B1, v1;
	v0 =	vsel vm6, $0x1A9, v0;
	[tilespmem:v22+s4+$0x0] =	vst.idx.msk $0xffff, v2  }
0x2be: {  	v1 =	vsel vm13, $0x1B2, v1;
	v0 =	vsel vm7, $0x1AA, v0;
	v2 =	vld [tilespmem:s6+$0x4870]  }
0x2bf: {  	v1 =	vsel vm14, $0x1B3, v1;
	v3 =	vld [tilespmem:s6+$0x8870];
	v0 =	vsel vm8, $0x1AB, v0  }
0x2c0: {  	v1 =	vsel vm0, $0x1B4, v1;
	v0 =	vsel vm9, $0x1AC, v0  }
0x2c1: {  	v23 =	vsel vm10, $0x1AD, v0;
	v0 =	vsel vm1, $0x1B5, v1  }
0x2c2: {  	v0 =	vsel vm2, $0x1B6, v0  }
0x2c3: {  	v0 =	vsel vm3, $0x1B7, v0  }
0x2c4: {  	v1 =	vimm.s32 $0x1D2;
	v2 =	vmul.f32 v3, v2;
	v0 =	vsel vm4, $0x1B9, v0  }
0x2c5: {  	v1 =	vsel vm15, $0x1C2, v1;
	v0 =	vsel vm5, $0x1BA, v0  }
0x2c6: {  	v1 =	vsel vm12, $0x1C3, v1;
	v0 =	vsel vm6, $0x1BB, v0;
	[tilespmem:v23+s4+$0x0] =	vst.idx.msk $0xffff, v2  }
0x2c7: {  	v1 =	vsel vm13, $0x1C4, v1;
	v0 =	vsel vm7, $0x1BC, v0;
	v2 =	vld [tilespmem:s6+$0x4C00]  }
0x2c8: {  	v1 =	vsel vm14, $0x1C5, v1;
	v3 =	vld [tilespmem:s6+$0x8C00];
	v0 =	vsel vm8, $0x1BD, v0  }
0x2c9: {  	v1 =	vsel vm0, $0x1C6, v1;
	v0 =	vsel vm9, $0x1BE, v0  }
0x2ca: {  	v24 =	vsel vm10, $0x1BF, v0;
	v0 =	vsel vm1, $0x1C7, v1  }
0x2cb: {  	v0 =	vsel vm2, $0x1C8, v0  }
0x2cc: {  	v0 =	vsel vm3, $0x1C9, v0  }
0x2cd: {  	v1 =	vimm.s32 $0x1E4;
	v2 =	vmul.f32 v3, v2;
	v0 =	vsel vm4, $0x1CB, v0  }
0x2ce: {  	v1 =	vsel vm15, $0x1D4, v1;
	v0 =	vsel vm5, $0x1CC, v0  }
0x2cf: {  	v1 =	vsel vm12, $0x1D5, v1;
	v0 =	vsel vm6, $0x1CD, v0;
	[tilespmem:v24+s4+$0x0] =	vst.idx.msk $0xffff, v2  }
0x2d0: {  	v1 =	vsel vm13, $0x1D6, v1;
	v0 =	vsel vm7, $0x1CE, v0;
	v2 =	vld [tilespmem:s6+$0x4C10]  }
0x2d1: {  	v1 =	vsel vm14, $0x1D7, v1;
	v3 =	vld [tilespmem:s6+$0x8C10];
	v0 =	vsel vm8, $0x1CF, v0  }
0x2d2: {  	v1 =	vsel vm0, $0x1D8, v1;
	v0 =	vsel vm9, $0x1D0, v0  }
0x2d3: {  	v25 =	vsel vm10, $0x1D1, v0;
	v0 =	vsel vm1, $0x1D9, v1  }
0x2d4: {  	v0 =	vsel vm2, $0x1DA, v0  }
0x2d5: {  	v0 =	vsel vm3, $0x1DB, v0  }
0x2d6: {  	v1 =	vimm.s32 $0x1F6;
	v2 =	vmul.f32 v3, v2;
	v0 =	vsel vm4, $0x1DD, v0  }
0x2d7: {  	v1 =	vsel vm15, $0x1E6, v1;
	v0 =	vsel vm5, $0x1DE, v0  }
0x2d8: {  	v1 =	vsel vm12, $0x1E7, v1;
	v0 =	vsel vm6, $0x1DF, v0;
	[tilespmem:v25+s4+$0x0] =	vst.idx.msk $0xffff, v2  }
0x2d9: {  	v1 =	vsel vm13, $0x1E8, v1;
	v0 =	vsel vm7, $0x1E0, v0;
	v2 =	vld [tilespmem:s6+$0x4C20]  }
0x2da: {  	v1 =	vsel vm14, $0x1E9, v1;
	v3 =	vld [tilespmem:s6+$0x8C20];
	v0 =	vsel vm8, $0x1E1, v0  }
0x2db: {  	v1 =	vsel vm0, $0x1EA, v1;
	v0 =	vsel vm9, $0x1E2, v0  }
0x2dc: {  	v26 =	vsel vm10, $0x1E3, v0;
	v0 =	vsel vm1, $0x1EB, v1  }
0x2dd: {  	v0 =	vsel vm2, $0x1EC, v0  }
0x2de: {  	v0 =	vsel vm3, $0x1ED, v0  }
0x2df: {  	v1 =	vimm.s32 $0x208;
	v2 =	vmul.f32 v3, v2;
	v0 =	vsel vm4, $0x1EF, v0  }
0x2e0: {  	v1 =	vsel vm15, $0x1F8, v1;
	v0 =	vsel vm5, $0x1F0, v0  }
0x2e1: {  	v1 =	vsel vm12, $0x1F9, v1;
	v0 =	vsel vm6, $0x1F1, v0;
	[tilespmem:v26+s4+$0x0] =	vst.idx.msk $0xffff, v2  }
0x2e2: {  	v1 =	vsel vm13, $0x1FA, v1;
	v0 =	vsel vm7, $0x1F2, v0;
	v2 =	vld [tilespmem:s6+$0x4C30]  }
0x2e3: {  	v1 =	vsel vm14, $0x1FB, v1;
	v3 =	vld [tilespmem:s6+$0x8C30];
	v0 =	vsel vm8, $0x1F3, v0  }
0x2e4: {  	v1 =	vsel vm0, $0x1FC, v1;
	v0 =	vsel vm9, $0x1F4, v0  }
0x2e5: {  	v27 =	vsel vm10, $0x1F5, v0;
	v0 =	vsel vm1, $0x1FD, v1  }
0x2e6: {  	v0 =	vsel vm2, $0x1FE, v0  }
0x2e7: {  	v0 =	vsel vm3, $0x1FF, v0  }
0x2e8: {  	v1 =	vimm.s32 $0x21A;
	v2 =	vmul.f32 v3, v2;
	v0 =	vsel vm4, $0x201, v0  }
0x2e9: {  	v1 =	vsel vm15, $0x20A, v1;
	v0 =	vsel vm5, $0x202, v0  }
0x2ea: {  	v1 =	vsel vm12, $0x20B, v1;
	v0 =	vsel vm6, $0x203, v0;
	[tilespmem:v27+s4+$0x0] =	vst.idx.msk $0xffff, v2  }
0x2eb: {  	v1 =	vsel vm13, $0x20C, v1;
	v0 =	vsel vm7, $0x204, v0;
	v2 =	vld [tilespmem:s6+$0x4C40]  }
0x2ec: {  	v1 =	vsel vm14, $0x20D, v1;
	v3 =	vld [tilespmem:s6+$0x8C40];
	v0 =	vsel vm8, $0x205, v0  }
0x2ed: {  	v1 =	vsel vm0, $0x20E, v1;
	v0 =	vsel vm9, $0x206, v0  }
0x2ee: {  	v28 =	vsel vm10, $0x207, v0;
	v0 =	vsel vm1, $0x20F, v1  }
0x2ef: {  	v0 =	vsel vm2, $0x210, v0  }
0x2f0: {  	v0 =	vsel vm3, $0x211, v0  }
0x2f1: {  	v1 =	vimm.s32 $0x22C;
	v2 =	vmul.f32 v3, v2;
	v0 =	vsel vm4, $0x213, v0  }
0x2f2: {  	v1 =	vsel vm15, $0x21C, v1;
	v0 =	vsel vm5, $0x214, v0  }
0x2f3: {  	v1 =	vsel vm12, $0x21D, v1;
	v0 =	vsel vm6, $0x215, v0;
	[tilespmem:v28+s4+$0x0] =	vst.idx.msk $0xffff, v2  }
0x2f4: {  	v1 =	vsel vm13, $0x21E, v1;
	v0 =	vsel vm7, $0x216, v0;
	v2 =	vld [tilespmem:s6+$0x4C50]  }
0x2f5: {  	v1 =	vsel vm14, $0x21F, v1;
	v3 =	vld [tilespmem:s6+$0x8C50];
	v0 =	vsel vm8, $0x217, v0  }
0x2f6: {  	v1 =	vsel vm0, $0x220, v1;
	v0 =	vsel vm9, $0x218, v0  }
0x2f7: {  	v29 =	vsel vm10, $0x219, v0;
	v0 =	vsel vm1, $0x221, v1  }
0x2f8: {  	v0 =	vsel vm2, $0x222, v0  }
0x2f9: {  	v0 =	vsel vm3, $0x223, v0  }
0x2fa: {  	v1 =	vimm.s32 $0x23E;
	v2 =	vmul.f32 v3, v2;
	v0 =	vsel vm4, $0x225, v0  }
0x2fb: {  	v1 =	vsel vm15, $0x22E, v1;
	v0 =	vsel vm5, $0x226, v0  }
0x2fc: {  	v1 =	vsel vm12, $0x22F, v1;
	v0 =	vsel vm6, $0x227, v0;
	[tilespmem:v29+s4+$0x0] =	vst.idx.msk $0xffff, v2  }
0x2fd: {  	v1 =	vsel vm13, $0x230, v1;
	v0 =	vsel vm7, $0x228, v0;
	v2 =	vld [tilespmem:s6+$0x4C60]  }
0x2fe: {  	v1 =	vsel vm14, $0x231, v1;
	v3 =	vld [tilespmem:s6+$0x8C60];
	v0 =	vsel vm8, $0x229, v0  }
0x2ff: {  	v1 =	vsel vm0, $0x232, v1;
	v0 =	vsel vm9, $0x22A, v0  }
0x300: {  	v1 =	vsel vm1, $0x233, v1;
	v31 =	vsel vm10, $0x22B, v0  }
0x301: {  	v0 =	vsel vm2, $0x234, v1  }
0x302: {  	v0 =	vsel vm3, $0x235, v0  }
0x303: {  	v0 =	vsel vm4, $0x237, v0;
	v1 =	vmul.f32 v3, v2  }
0x304: {  	v0 =	vsel vm5, $0x238, v0  }
0x305: {  	v0 =	vsel vm6, $0x239, v0;
	[tilespmem:v31+s4+$0x0] =	vst.idx.msk $0xffff, v1  }
0x306: {  	v0 =	vsel vm7, $0x23A, v0;
	v1 =	vld [tilespmem:s6+$0x4C70]  }
0x307: {  	v2 =	vlaneseq.u32;
	v0 =	vsel vm8, $0x23B, v0;
	v3 =	vld [tilespmem:s6+$0x8C70]  }
0x308: {  	v54 =	vmul.u32 $0x9, v2;
	v0 =	vsel vm9, $0x23C, v0  }
0x309: {  	v55 =	vsel vm10, $0x23D, v0  }
0x30a: {  	v56 =	vadd.s32 $0x1, v54  }
0x30b: {  	v57 =	vadd.s32 $0x2, v54;
	v58 =	vadd.s32 $0x3, v54;
	v59 =	vadd.s32 $0x4, v54  }
0x30c: {  	v62 =	vadd.s32 $0x5, v54;
	v60 =	vadd.s32 $0x6, v54;
	v0 =	vmul.f32 v3, v1  }
0x30d: {  	v61 =	vadd.s32 $0x7, v54;
	v46 =	vadd.s32 $0x90, v54;
	v47 =	vadd.s32 $0x91, v54  }
0x30e: {  	v48 =	vadd.s32 $0x92, v54;
	v49 =	vadd.s32 $0x93, v54;
	v50 =	vadd.s32 $0x94, v54;
	[tilespmem:v55+s4+$0x0] =	vst.idx.msk $0xffff, v0  }
0x30f: {  	v52 =	vadd.s32 $0x95, v54;
	v53 =	vadd.s32 $0x96, v54;
	v51 =	vadd.s32 $0x97, v54;
	v0 =	vld.idx.msk [tilespmem:v54+s4+$0x0], $0xffff  }
0x310: {  	v38 =	vadd.s32 $0x120, v54;
	v40 =	vadd.s32 $0x121, v54;
	v39 =	vadd.s32 $0x122, v54;
	v1 =	vld.idx.msk [tilespmem:v56+s4+$0x0], $0xffff  }
0x311: {  	v41 =	vadd.s32 $0x123, v54;
	v42 =	vadd.s32 $0x124, v54;
	v43 =	vadd.s32 $0x125, v54;
	v2 =	vld.idx.msk [tilespmem:v57+s4+$0x0], $0xffff  }
0x312: {  	v45 =	vadd.s32 $0x126, v54;
	v44 =	vadd.s32 $0x127, v54;
	v30 =	vadd.s32 $0x1B0, v54;
	v3 =	vld.idx.msk [tilespmem:v58+s4+$0x0], $0xffff  }
0x313: {  	v34 =	vadd.s32 $0x1B1, v54;
	v32 =	vadd.s32 $0x1B2, v54;
	v33 =	vadd.s32 $0x1B3, v54;
	v4 =	vld.idx.msk [tilespmem:v59+s4+$0x0], $0xffff  }
0x314: {  	s7 =	simm.s32 $0x80;
	v7 =	vmovc v6;
	v35 =	vadd.s32 $0x1B4, v54;
	v36 =	vadd.s32 $0x1B5, v54;
	v37 =	vadd.s32 $0x1B6, v54;
	s6 =	simm.s32 $0x0;
	v5 =	vld.idx.msk [tilespmem:v62+s4+$0x0], $0xffff  }
.LBB2_3:
0x315: {  	v63 =	vld.idx.msk [tilespmem:v60+s4+$0x0], $0xffff;
	v0 =	vmax.f32 v0, v1  }
0x316: {  	v1 =	vld.idx.msk [tilespmem:v61+s4+$0x0], $0xffff;
	v0 =	vmax.f32 v0, v2  }
0x317: {  	v0 =	vmax.f32 v0, v3  }
0x318: {  	v0 =	vmax.f32 v0, v4  }
0x319: {  	v0 =	vmax.f32 v0, v5  }
0x31a: {  	v0 =	vmax.f32 v0, v63  }
0x31b: {  	s9 =	sshra.s32 s6, $0x2;
	v0 =	vmax.f32 v0, v1  }
0x31c: {  	[tilespmem:s9+$0xD280] =	vst v0  }
0x31d: {  	v0 =	vld.idx.msk [tilespmem:v46+s4+$0x0], $0xffff  }
0x31e: {  	v1 =	vld.idx.msk [tilespmem:v47+s4+$0x0], $0xffff  }
0x31f: {  	v2 =	vld.idx.msk [tilespmem:v48+s4+$0x0], $0xffff  }
0x320: {  	v3 =	vld.idx.msk [tilespmem:v49+s4+$0x0], $0xffff  }
0x321: {  	v4 =	vld.idx.msk [tilespmem:v50+s4+$0x0], $0xffff  }
0x322: {  	v5 =	vld.idx.msk [tilespmem:v52+s4+$0x0], $0xffff  }
0x323: {  	v63 =	vld.idx.msk [tilespmem:v53+s4+$0x0], $0xffff;
	v0 =	vmax.f32 v0, v1  }
0x324: {  	v1 =	vld.idx.msk [tilespmem:v51+s4+$0x0], $0xffff;
	v0 =	vmax.f32 v0, v2  }
0x325: {  	v0 =	vmax.f32 v0, v3  }
0x326: {  	v0 =	vmax.f32 v0, v4  }
0x327: {  	v0 =	vmax.f32 v0, v5  }
0x328: {  	v0 =	vmax.f32 v0, v63  }
0x329: {  	v0 =	vmax.f32 v0, v1  }
0x32a: {  	[tilespmem:s9+$0xD290] =	vst v0  }
0x32b: {  	v0 =	vld.idx.msk [tilespmem:v40+s4+$0x0], $0xffff  }
0x32c: {  	v1 =	vld.idx.msk [tilespmem:v38+s4+$0x0], $0xffff  }
0x32d: {  	v2 =	vld.idx.msk [tilespmem:v39+s4+$0x0], $0xffff  }
0x32e: {  	v3 =	vld.idx.msk [tilespmem:v41+s4+$0x0], $0xffff  }
0x32f: {  	v4 =	vld.idx.msk [tilespmem:v42+s4+$0x0], $0xffff  }
0x330: {  	v5 =	vld.idx.msk [tilespmem:v43+s4+$0x0], $0xffff  }
0x331: {  	v63 =	vld.idx.msk [tilespmem:v45+s4+$0x0], $0xffff;
	v0 =	vmax.f32 v1, v0  }
0x332: {  	v1 =	vld.idx.msk [tilespmem:v44+s4+$0x0], $0xffff;
	v0 =	vmax.f32 v0, v2  }
0x333: {  	v0 =	vmax.f32 v0, v3  }
0x334: {  	v0 =	vmax.f32 v0, v4  }
0x335: {  	v0 =	vmax.f32 v0, v5  }
0x336: {  	v0 =	vmax.f32 v0, v63  }
0x337: {  	v0 =	vmax.f32 v0, v1  }
0x338: {  	[tilespmem:s9+$0xD2A0] =	vst v0  }
0x339: {  	v0 =	vld.idx.msk [tilespmem:v34+s4+$0x0], $0xffff  }
0x33a: {  	v1 =	vld.idx.msk [tilespmem:v30+s4+$0x0], $0xffff  }
0x33b: {  	v63 =	vadd.s32 $0x1B7, v54;
	v2 =	vld.idx.msk [tilespmem:v32+s4+$0x0], $0xffff  }
0x33c: {  	v3 =	vld.idx.msk [tilespmem:v33+s4+$0x0], $0xffff  }
0x33d: {  	v4 =	vld.idx.msk [tilespmem:v35+s4+$0x0], $0xffff  }
0x33e: {  	v5 =	vld.idx.msk [tilespmem:v36+s4+$0x0], $0xffff  }
0x33f: {  	v6 =	vld.idx.msk [tilespmem:v37+s4+$0x0], $0xffff;
	v0 =	vmax.f32 v1, v0  }
0x340: {  	v1 =	vld.idx.msk [tilespmem:v63+s4+$0x0], $0xffff;
	v0 =	vmax.f32 v0, v2  }
0x341: {  	v0 =	vmax.f32 v0, v3  }
0x342: {  	v0 =	vmax.f32 v0, v4  }
0x343: {  	v0 =	vmax.f32 v0, v5  }
0x344: {  	s5 =	sadd.s32 $0x200, s5;
	s8 =	smov.u32 s7;
	v0 =	vmax.f32 v0, v6  }
0x345: {  	s10 =	sand.u32 $0x3000, s5;
	s8 =	sand.u32 $0x380, s8;
	v0 =	vmax.f32 v0, v1  }
0x346: {  	s8 =	sor.u32 s8, s10;
	[tilespmem:s9+$0xD2B0] =	vst v0  }
0x347: {  	v0 =	vld [tilespmem:s8+$0x4000]  }
0x348: {  	v1 =	vld [tilespmem:s8+$0x8000];
	_ =	sdelay $0x4  }
0x349: {  	v0 =	vmul.f32 v1, v0;
	v1 =	vld [tilespmem:$0x1FF20];
	_ =	sdelay $0x7  }
0x34a: {  	[tilespmem:v1+s4+$0x0] =	vst.idx.msk $0xffff, v0  }
0x34b: {  	v0 =	vld [tilespmem:s8+$0x4010]  }
0x34c: {  	v1 =	vld [tilespmem:s8+$0x8010];
	_ =	sdelay $0x4  }
0x34d: {  	v0 =	vmul.f32 v1, v0;
	v1 =	vld [tilespmem:$0x1FF30];
	_ =	sdelay $0x7  }
0x34e: {  	[tilespmem:v1+s4+$0x0] =	vst.idx.msk $0xffff, v0  }
0x34f: {  	v0 =	vld [tilespmem:s8+$0x4020]  }
0x350: {  	v1 =	vld [tilespmem:s8+$0x8020];
	_ =	sdelay $0x4  }
0x351: {  	v0 =	vmul.f32 v1, v0;
	v1 =	vld [tilespmem:$0x1FF40];
	_ =	sdelay $0x7  }
0x352: {  	[tilespmem:v1+s4+$0x0] =	vst.idx.msk $0xffff, v0  }
0x353: {  	v0 =	vld [tilespmem:s8+$0x4030]  }
0x354: {  	v1 =	vld [tilespmem:s8+$0x8030];
	_ =	sdelay $0x4  }
0x355: {  	v0 =	vmul.f32 v1, v0;
	v1 =	vld [tilespmem:$0x1FF50];
	_ =	sdelay $0x7  }
0x356: {  	[tilespmem:v1+s4+$0x0] =	vst.idx.msk $0xffff, v0  }
0x357: {  	v0 =	vld [tilespmem:s8+$0x4040]  }
0x358: {  	v1 =	vld [tilespmem:s8+$0x8040];
	_ =	sdelay $0x4  }
0x359: {  	v0 =	vmul.f32 v1, v0;
	v1 =	vld [tilespmem:$0x1FF60];
	_ =	sdelay $0x7  }
0x35a: {  	[tilespmem:v1+s4+$0x0] =	vst.idx.msk $0xffff, v0  }
0x35b: {  	v0 =	vld [tilespmem:s8+$0x4050]  }
0x35c: {  	v1 =	vld [tilespmem:s8+$0x8050];
	_ =	sdelay $0x4  }
0x35d: {  	v0 =	vmul.f32 v1, v0;
	v1 =	vld [tilespmem:$0x1FF70];
	_ =	sdelay $0x7  }
0x35e: {  	[tilespmem:v1+s4+$0x0] =	vst.idx.msk $0xffff, v0  }
0x35f: {  	v0 =	vld [tilespmem:s8+$0x4060]  }
0x360: {  	v1 =	vld [tilespmem:s8+$0x8060];
	_ =	sdelay $0x4  }
0x361: {  	v0 =	vmul.f32 v1, v0;
	v1 =	vld [tilespmem:$0x1FF80];
	_ =	sdelay $0x7  }
0x362: {  	[tilespmem:v1+s4+$0x0] =	vst.idx.msk $0xffff, v0  }
0x363: {  	v0 =	vld [tilespmem:s8+$0x4070]  }
0x364: {  	v1 =	vld [tilespmem:s8+$0x8070];
	_ =	sdelay $0x4  }
0x365: {  	v0 =	vmul.f32 v1, v0;
	_ =	sdelay $0x1  }
0x366: {  	[tilespmem:v7+s4+$0x0] =	vst.idx.msk $0xffff, v0  }
0x367: {  	v0 =	vld [tilespmem:s8+$0x4400]  }
0x368: {  	v1 =	vld [tilespmem:s8+$0x8400];
	_ =	sdelay $0x4  }
0x369: {  	v0 =	vmul.f32 v1, v0;
	_ =	sdelay $0x1  }
0x36a: {  	[tilespmem:v8+s4+$0x0] =	vst.idx.msk $0xffff, v0  }
0x36b: {  	v0 =	vld [tilespmem:s8+$0x4410]  }
0x36c: {  	v1 =	vld [tilespmem:s8+$0x8410];
	_ =	sdelay $0x4  }
0x36d: {  	v0 =	vmul.f32 v1, v0;
	_ =	sdelay $0x1  }
0x36e: {  	[tilespmem:v9+s4+$0x0] =	vst.idx.msk $0xffff, v0  }
0x36f: {  	v0 =	vld [tilespmem:s8+$0x4420]  }
0x370: {  	v1 =	vld [tilespmem:s8+$0x8420];
	_ =	sdelay $0x4  }
0x371: {  	v0 =	vmul.f32 v1, v0;
	_ =	sdelay $0x1  }
0x372: {  	[tilespmem:v10+s4+$0x0] =	vst.idx.msk $0xffff, v0  }
0x373: {  	v0 =	vld [tilespmem:s8+$0x4430]  }
0x374: {  	v1 =	vld [tilespmem:s8+$0x8430];
	_ =	sdelay $0x4  }
0x375: {  	v0 =	vmul.f32 v1, v0;
	_ =	sdelay $0x1  }
0x376: {  	[tilespmem:v11+s4+$0x0] =	vst.idx.msk $0xffff, v0  }
0x377: {  	v0 =	vld [tilespmem:s8+$0x4440]  }
0x378: {  	v1 =	vld [tilespmem:s8+$0x8440];
	_ =	sdelay $0x4  }
0x379: {  	v0 =	vmul.f32 v1, v0;
	_ =	sdelay $0x1  }
0x37a: {  	[tilespmem:v12+s4+$0x0] =	vst.idx.msk $0xffff, v0  }
0x37b: {  	v0 =	vld [tilespmem:s8+$0x4450]  }
0x37c: {  	v1 =	vld [tilespmem:s8+$0x8450];
	_ =	sdelay $0x4  }
0x37d: {  	v0 =	vmul.f32 v1, v0;
	_ =	sdelay $0x1  }
0x37e: {  	[tilespmem:v13+s4+$0x0] =	vst.idx.msk $0xffff, v0  }
0x37f: {  	v0 =	vld [tilespmem:s8+$0x4460]  }
0x380: {  	v1 =	vld [tilespmem:s8+$0x8460];
	_ =	sdelay $0x4  }
0x381: {  	v0 =	vmul.f32 v1, v0;
	_ =	sdelay $0x1  }
0x382: {  	[tilespmem:v14+s4+$0x0] =	vst.idx.msk $0xffff, v0  }
0x383: {  	v0 =	vld [tilespmem:s8+$0x4470]  }
0x384: {  	v1 =	vld [tilespmem:s8+$0x8470];
	_ =	sdelay $0x4  }
0x385: {  	v0 =	vmul.f32 v1, v0;
	_ =	sdelay $0x1  }
0x386: {  	[tilespmem:v15+s4+$0x0] =	vst.idx.msk $0xffff, v0  }
0x387: {  	v0 =	vld [tilespmem:s8+$0x4800]  }
0x388: {  	v1 =	vld [tilespmem:s8+$0x8800];
	_ =	sdelay $0x4  }
0x389: {  	v0 =	vmul.f32 v1, v0;
	_ =	sdelay $0x1  }
0x38a: {  	[tilespmem:v16+s4+$0x0] =	vst.idx.msk $0xffff, v0  }
0x38b: {  	v0 =	vld [tilespmem:s8+$0x4810]  }
0x38c: {  	v1 =	vld [tilespmem:s8+$0x8810];
	_ =	sdelay $0x4  }
0x38d: {  	v0 =	vmul.f32 v1, v0;
	_ =	sdelay $0x1  }
0x38e: {  	[tilespmem:v17+s4+$0x0] =	vst.idx.msk $0xffff, v0  }
0x38f: {  	v0 =	vld [tilespmem:s8+$0x4820]  }
0x390: {  	v1 =	vld [tilespmem:s8+$0x8820];
	_ =	sdelay $0x4  }
0x391: {  	v0 =	vmul.f32 v1, v0;
	_ =	sdelay $0x1  }
0x392: {  	[tilespmem:v18+s4+$0x0] =	vst.idx.msk $0xffff, v0  }
0x393: {  	v0 =	vld [tilespmem:s8+$0x4830]  }
0x394: {  	v1 =	vld [tilespmem:s8+$0x8830];
	_ =	sdelay $0x4  }
0x395: {  	v0 =	vmul.f32 v1, v0;
	_ =	sdelay $0x1  }
0x396: {  	[tilespmem:v19+s4+$0x0] =	vst.idx.msk $0xffff, v0  }
0x397: {  	v0 =	vld [tilespmem:s8+$0x4840]  }
0x398: {  	v1 =	vld [tilespmem:s8+$0x8840];
	_ =	sdelay $0x4  }
0x399: {  	v0 =	vmul.f32 v1, v0;
	_ =	sdelay $0x1  }
0x39a: {  	[tilespmem:v20+s4+$0x0] =	vst.idx.msk $0xffff, v0  }
0x39b: {  	v0 =	vld [tilespmem:s8+$0x4850]  }
0x39c: {  	v1 =	vld [tilespmem:s8+$0x8850];
	_ =	sdelay $0x4  }
0x39d: {  	v0 =	vmul.f32 v1, v0;
	_ =	sdelay $0x1  }
0x39e: {  	[tilespmem:v21+s4+$0x0] =	vst.idx.msk $0xffff, v0  }
0x39f: {  	v0 =	vld [tilespmem:s8+$0x4860]  }
0x3a0: {  	v1 =	vld [tilespmem:s8+$0x8860];
	_ =	sdelay $0x4  }
0x3a1: {  	v0 =	vmul.f32 v1, v0;
	_ =	sdelay $0x1  }
0x3a2: {  	[tilespmem:v22+s4+$0x0] =	vst.idx.msk $0xffff, v0  }
0x3a3: {  	v0 =	vld [tilespmem:s8+$0x4870]  }
0x3a4: {  	v1 =	vld [tilespmem:s8+$0x8870];
	_ =	sdelay $0x4  }
0x3a5: {  	v0 =	vmul.f32 v1, v0;
	_ =	sdelay $0x1  }
0x3a6: {  	[tilespmem:v23+s4+$0x0] =	vst.idx.msk $0xffff, v0  }
0x3a7: {  	v0 =	vld [tilespmem:s8+$0x4C00]  }
0x3a8: {  	v1 =	vld [tilespmem:s8+$0x8C00];
	_ =	sdelay $0x4  }
0x3a9: {  	v0 =	vmul.f32 v1, v0;
	_ =	sdelay $0x1  }
0x3aa: {  	[tilespmem:v24+s4+$0x0] =	vst.idx.msk $0xffff, v0  }
0x3ab: {  	v0 =	vld [tilespmem:s8+$0x4C10]  }
0x3ac: {  	v1 =	vld [tilespmem:s8+$0x8C10];
	_ =	sdelay $0x4  }
0x3ad: {  	v0 =	vmul.f32 v1, v0;
	_ =	sdelay $0x1  }
0x3ae: {  	[tilespmem:v25+s4+$0x0] =	vst.idx.msk $0xffff, v0  }
0x3af: {  	v0 =	vld [tilespmem:s8+$0x4C20]  }
0x3b0: {  	v1 =	vld [tilespmem:s8+$0x8C20];
	_ =	sdelay $0x4  }
0x3b1: {  	v0 =	vmul.f32 v1, v0;
	_ =	sdelay $0x1  }
0x3b2: {  	[tilespmem:v26+s4+$0x0] =	vst.idx.msk $0xffff, v0  }
0x3b3: {  	v0 =	vld [tilespmem:s8+$0x4C30]  }
0x3b4: {  	v1 =	vld [tilespmem:s8+$0x8C30];
	_ =	sdelay $0x4  }
0x3b5: {  	v0 =	vmul.f32 v1, v0;
	_ =	sdelay $0x1  }
0x3b6: {  	[tilespmem:v27+s4+$0x0] =	vst.idx.msk $0xffff, v0  }
0x3b7: {  	v0 =	vld [tilespmem:s8+$0x4C40]  }
0x3b8: {  	v1 =	vld [tilespmem:s8+$0x8C40];
	_ =	sdelay $0x4  }
0x3b9: {  	v0 =	vmul.f32 v1, v0;
	_ =	sdelay $0x1  }
0x3ba: {  	[tilespmem:v28+s4+$0x0] =	vst.idx.msk $0xffff, v0  }
0x3bb: {  	v0 =	vld [tilespmem:s8+$0x4C50]  }
0x3bc: {  	v1 =	vld [tilespmem:s8+$0x8C50];
	_ =	sdelay $0x4  }
0x3bd: {  	v0 =	vmul.f32 v1, v0;
	_ =	sdelay $0x1  }
0x3be: {  	[tilespmem:v29+s4+$0x0] =	vst.idx.msk $0xffff, v0  }
0x3bf: {  	v0 =	vld [tilespmem:s8+$0x4C60]  }
0x3c0: {  	v1 =	vld [tilespmem:s8+$0x8C60];
	_ =	sdelay $0x4  }
0x3c1: {  	v0 =	vmul.f32 v1, v0;
	_ =	sdelay $0x1  }
0x3c2: {  	[tilespmem:v31+s4+$0x0] =	vst.idx.msk $0xffff, v0  }
0x3c3: {  	v0 =	vld [tilespmem:s8+$0x4C70]  }
0x3c4: {  	v1 =	vld [tilespmem:s8+$0x8C70];
	_ =	sdelay $0x4  }
0x3c5: {  	v0 =	vmul.f32 v1, v0;
	_ =	sdelay $0x1  }
0x3c6: {  	[tilespmem:v55+s4+$0x0] =	vst.idx.msk $0xffff, v0  }
0x3c7: {  	p0 =	sne.s32 s7, $0xF80;
	v0 =	vld.idx.msk [tilespmem:v54+s4+$0x0], $0xffff  }
.Ltmp1:
0x3c8: {  	v1 =	vld.idx.msk [tilespmem:v56+s4+$0x0], $0xffff;
	(pc) =	sbr.rel @p0 .LBB2_3-.Ltmp1, $4  }
0x3c9: {  	v2 =	vld.idx.msk [tilespmem:v57+s4+$0x0], $0xffff  }
0x3ca: {  	v3 =	vld.idx.msk [tilespmem:v58+s4+$0x0], $0xffff  }
0x3cb: {  	v4 =	vld.idx.msk [tilespmem:v59+s4+$0x0], $0xffff  }
0x3cc: {  	s7 =	sadd.s32 $0x80, s7;
	s6 =	smov.u32 s5;
	v5 =	vld.idx.msk [tilespmem:v62+s4+$0x0], $0xffff  }
0x3cd: {  	_ =	sdelay $0x3  }
0x3ce: {  	v6 =	vld.idx.msk [tilespmem:v60+s4+$0x0], $0xffff;
	v0 =	vmax.f32 v0, v1  }
0x3cf: {  	v27 =	vld.idx.msk [tilespmem:v61+s4+$0x0], $0xffff;
	v0 =	vmax.f32 v0, v2  }
0x3d0: {  	v0 =	vmax.f32 v0, v3  }
0x3d1: {  	v0 =	vmax.f32 v0, v4  }
0x3d2: {  	v0 =	vmax.f32 v0, v5  }
0x3d3: {  	v0 =	vmax.f32 v0, v6  }
0x3d4: {  	s5 =	sshra.s32 s6, $0x2;
	v0 =	vmax.f32 v0, v27  }
0x3d5: {  	[tilespmem:s5+$0xD280] =	vst v0  }
0x3d6: {  	v0 =	vld.idx.msk [tilespmem:v46+s4+$0x0], $0xffff  }
0x3d7: {  	v28 =	vld.idx.msk [tilespmem:v47+s4+$0x0], $0xffff  }
0x3d8: {  	v29 =	vld.idx.msk [tilespmem:v48+s4+$0x0], $0xffff  }
0x3d9: {  	v31 =	vld.idx.msk [tilespmem:v49+s4+$0x0], $0xffff  }
0x3da: {  	v46 =	vld.idx.msk [tilespmem:v50+s4+$0x0], $0xffff  }
0x3db: {  	v47 =	vld.idx.msk [tilespmem:v52+s4+$0x0], $0xffff  }
0x3dc: {  	v48 =	vld.idx.msk [tilespmem:v53+s4+$0x0], $0xffff;
	v0 =	vmax.f32 v0, v28  }
0x3dd: {  	v49 =	vld.idx.msk [tilespmem:v51+s4+$0x0], $0xffff;
	v0 =	vmax.f32 v0, v29  }
0x3de: {  	v0 =	vmax.f32 v0, v31  }
0x3df: {  	v0 =	vmax.f32 v0, v46  }
0x3e0: {  	v0 =	vmax.f32 v0, v47  }
0x3e1: {  	v0 =	vmax.f32 v0, v48  }
0x3e2: {  	v0 =	vmax.f32 v0, v49  }
0x3e3: {  	[tilespmem:s5+$0xD290] =	vst v0  }
0x3e4: {  	v0 =	vld.idx.msk [tilespmem:v40+s4+$0x0], $0xffff  }
0x3e5: {  	v50 =	vld.idx.msk [tilespmem:v38+s4+$0x0], $0xffff  }
0x3e6: {  	v51 =	vld.idx.msk [tilespmem:v39+s4+$0x0], $0xffff  }
0x3e7: {  	v52 =	vld.idx.msk [tilespmem:v41+s4+$0x0], $0xffff  }
0x3e8: {  	v53 =	vld.idx.msk [tilespmem:v42+s4+$0x0], $0xffff  }
0x3e9: {  	v54 =	vld.idx.msk [tilespmem:v43+s4+$0x0], $0xffff  }
0x3ea: {  	v55 =	vld.idx.msk [tilespmem:v45+s4+$0x0], $0xffff;
	v0 =	vmax.f32 v50, v0  }
0x3eb: {  	v56 =	vld.idx.msk [tilespmem:v44+s4+$0x0], $0xffff;
	v0 =	vmax.f32 v0, v51  }
0x3ec: {  	v0 =	vmax.f32 v0, v52  }
0x3ed: {  	v0 =	vmax.f32 v0, v53  }
0x3ee: {  	v0 =	vmax.f32 v0, v54  }
0x3ef: {  	v0 =	vmax.f32 v0, v55  }
0x3f0: {  	v0 =	vmax.f32 v0, v56  }
0x3f1: {  	[tilespmem:s5+$0xD2A0] =	vst v0  }
0x3f2: {  	v0 =	vld.idx.msk [tilespmem:v34+s4+$0x0], $0xffff  }
0x3f3: {  	v57 =	vld.idx.msk [tilespmem:v30+s4+$0x0], $0xffff  }
0x3f4: {  	v58 =	vld.idx.msk [tilespmem:v32+s4+$0x0], $0xffff  }
0x3f5: {  	v59 =	vld.idx.msk [tilespmem:v33+s4+$0x0], $0xffff  }
0x3f6: {  	v60 =	vld.idx.msk [tilespmem:v35+s4+$0x0], $0xffff  }
0x3f7: {  	v61 =	vld.idx.msk [tilespmem:v36+s4+$0x0], $0xffff  }
0x3f8: {  	v62 =	vld.idx.msk [tilespmem:v37+s4+$0x0], $0xffff;
	v0 =	vmax.f32 v57, v0  }
0x3f9: {  	v63 =	vld.idx.msk [tilespmem:v63+s4+$0x0], $0xffff;
	v0 =	vmax.f32 v0, v58  }
0x3fa: {  	v0 =	vmax.f32 v0, v59  }
0x3fb: {  	v0 =	vmax.f32 v0, v60  }
0x3fc: {  	v0 =	vmax.f32 v0, v61  }
0x3fd: {  	v0 =	vmax.f32 v0, v62  }
0x3fe: {  	s2 =	sadd.s32 s3, s2;
	s29 =	simm.s32 $0x0;
	v0 =	vmax.f32 v0, v63  }
0x3ff: {  	s30 =	simm.s32 $0xD280;
	s31 =	simm.s32 $0x3;
	s2 =	sadd.s32 $0x200, s2;
	[tilespmem:s5+$0xD2B0] =	vst v0  }
0x400: {  	[hbm4b:s2+s29] =	stream.linear.scatter [tilespmem:s30], [sflag:$0x3], $0x1000, $0x38;
	[tilespmem:$0xE280] =	vst v63  }
0x401: {  	_ =	swait.ge [sflag:s31], $0x1000  }
0x402: {  	[sflag:s31] =	ssyncset.done $0x0  }
0x403: {  	[sflag:s31] =	ssyncadd.s32 $0xFFFFF000  }
0x404: {  	_ =	swait.ge [sflag:s31], $0x1000  }
0x405: {  	[sflag:s31] =	ssyncset.done $0x0  }
0x406: {  	[sflag:s31] =	ssyncadd.s32 $0xFFFFF000  }
0x407: {  	_ =	sfence.sel $0x180000  }
0x408: {  	[bflag:$0x0] =	sbarrier.arrive $0xFFFF  }
0x409: {  	p0 =	sne.s32 s1, $0x0;
	_ =	strace $0x90000047  }
0x40a: {  	s0 =	sadd.s32 @!p0 $0x100000, s0;
	[bflag:$0x2] =	sbarrier.arrive $0xFFFF  }
0x40b: {  	[sflag:s0] =	ssyncadd.tile.s32 @!p0 $0x1;
	_ =	shalt  }
.Lfunc_end2:
_tile_overlayer_lowered:
.L_overlay_start_2:
0x40c: {  	(tag) =	ssettag $0x2  }
0x40d: {  	s0 =	rddreg [dreg:$0x0];
	s2 =	stileid.u32  }
0x40e: {  	s1 =	rddreg [dreg:$0x1];
	p0 =	sne.s32 s2, $0x0  }
0x40f: {  	s3 =	rddreg [dreg:$0x2];
	[bflag:$0x3] =	sbarrier.arrive $0xFFFF;
	s2 =	simm.s32 @!p0 $0x1C04  }
0x410: {  	[timem:s3], [sflag:s2] =	dma.local @!p0 [hbm:s0], s1  }
0x411: {  	s0 =	simm.s32 @!p0 $0x4  }
0x412: {  	_ =	swait.ge @!p0 [sflag:s0], s1  }
0x413: {  	s1 =	ssub.s32 @!p0 $0x0, s1;
	[sflag:s0] =	ssyncset.done @!p0 $0x0  }
0x414: {  	[sflag:s0] =	ssyncadd.s32 @!p0 s1  }
0x415: {  	[bflag:$0x3] =	sbarrier.arrive $0xFFFF  }
0x416: {  	_ =	shalt  }

</sc_bundles>
